<compile_context>
chip_gen: v7x
topology: tpu7x:2x2x1
jax: 0.10.2.dev20260603
libtpu: 0.0.44.dev20260713+nightly
codegen_flags: <defaults>
</compile_context>

<pallas_src>
import jax
import jax.numpy as jnp
from jax import lax
from jax.experimental import pallas as pl
from jax.experimental.pallas import tpu as pltpu
from jax.experimental.pallas import tpu_sc as plsc

N_NODES = 10000
E_EDGES = 320000
D_FEAT = 128
D_EDGE = 16
D_OUT = 128

NUM_CORES = 2
NUM_SUBCORES = 16
NUM_TILES = NUM_CORES * NUM_SUBCORES
GROUP = 128
LANES = 16
NUM_ROWS = E_EDGES // GROUP
ROWS_TILE = NUM_ROWS // NUM_TILES
EXTRA_BASE = ROWS_TILE * NUM_TILES
NUM_EXTRA = NUM_ROWS - EXTRA_BASE
CHUNK_ROWS = 32
FULL_CHUNKS = ROWS_TILE // CHUNK_ROWS
TAIL_ROWS = ROWS_TILE - FULL_CHUNKS * CHUNK_ROWS
TBL_ROWS = 10240
STRIPE = TBL_ROWS // NUM_SUBCORES


CHUNK_EDGES = CHUNK_ROWS * GROUP
TAIL_EDGES = TAIL_ROWS * GROUP
EDGES_TILE = ROWS_TILE * GROUP


def _sc_scatter(idx_hbm, attr_hbm,
                sums_out, counts_out,
                idx_v, data_v, hist_v, buf_v, cnt_v, cnt16_v,
                sums_sh, hist_sh, sem):
    c = lax.axis_index("c")
    s = lax.axis_index("s")
    t = c * NUM_SUBCORES + s

    z16 = jnp.zeros((LANES,), jnp.float32)

    def zero_data(j, carry):
        data_v[j, pl.ds(0, LANES)] = z16
        return carry

    lax.fori_loop(0, STRIPE, zero_data, 0)

    def zero_hist(i, carry):
        hist_v[pl.ds(i * LANES, LANES)] = z16
        return carry

    lax.fori_loop(0, TBL_ROWS // LANES, zero_hist, 0)
    pltpu.sync_copy(data_v.at[pl.ds(0, STRIPE)],
                    sums_sh.at[pl.ds(s * STRIPE, STRIPE)])
    plsc.subcore_barrier()

    edge0 = t * EDGES_TILE

    def fire_scatters(n_rows):
        def fire(j, carry2):
            pltpu.async_copy(data_v.at[pl.ds(j * GROUP, GROUP)],
                             sums_sh.at[idx_v.at[j]],
                             sem, add=True)
            return carry2
        lax.fori_loop(0, n_rows, fire, 0)

    def hist_rows(n_rows):
        def hrow(j, carry2):
            for k in range(GROUP // LANES):
                idx16 = idx_v[j, pl.ds(k * LANES, LANES)]
                cnt, m = plsc.scan_count(idx16)
                plsc.addupdate_scatter(hist_v, [idx16],
                                       cnt.astype(jnp.float32), mask=m)
            return carry2
        lax.fori_loop(0, n_rows, hrow, 0)

    def drain(n_rows):
        pltpu.make_async_copy(attr_hbm.at[pl.ds(0, n_rows * GROUP)],
                              data_v.at[pl.ds(0, n_rows * GROUP)], sem).wait()

    row0 = t * ROWS_TILE

    def chunk_body(ch, carry):
        r = row0 + ch * CHUNK_ROWS
        e = edge0 + ch * CHUNK_EDGES
        pltpu.sync_copy(idx_hbm.at[pl.ds(r, CHUNK_ROWS)], idx_v)
        pltpu.sync_copy(attr_hbm.at[pl.ds(e, CHUNK_EDGES)], data_v)
        fire_scatters(CHUNK_ROWS)
        hist_rows(CHUNK_ROWS)
        drain(CHUNK_ROWS)
        return carry

    lax.fori_loop(0, FULL_CHUNKS, chunk_body, 0)

    r_tail = row0 + FULL_CHUNKS * CHUNK_ROWS
    e_tail = edge0 + FULL_CHUNKS * CHUNK_EDGES
    pltpu.sync_copy(idx_hbm.at[pl.ds(r_tail, TAIL_ROWS)],
                    idx_v.at[pl.ds(0, TAIL_ROWS)])
    pltpu.sync_copy(attr_hbm.at[pl.ds(e_tail, TAIL_EDGES)],
                    data_v.at[pl.ds(0, TAIL_EDGES)])
    fire_scatters(TAIL_ROWS)
    hist_rows(TAIL_ROWS)
    drain(TAIL_ROWS)

    @pl.when(t < NUM_EXTRA)
    def _():
        r_x = EXTRA_BASE + t
        pltpu.sync_copy(idx_hbm.at[pl.ds(r_x, 1)], idx_v.at[pl.ds(0, 1)])
        pltpu.sync_copy(attr_hbm.at[pl.ds(r_x * GROUP, GROUP)],
                        data_v.at[pl.ds(0, GROUP)])
        fire_scatters(1)
        hist_rows(1)
        drain(1)

    plsc.subcore_barrier()

    pltpu.sync_copy(hist_v, hist_sh.at[s])
    plsc.subcore_barrier()
    for r in range(NUM_SUBCORES):
        pltpu.sync_copy(hist_sh.at[r].at[pl.ds(s * STRIPE, STRIPE)],
                        buf_v.at[r])

    def reduce_g(g, carry):
        acc = buf_v[0, pl.ds(g * LANES, LANES)]
        for r in range(1, NUM_SUBCORES):
            acc = acc + buf_v[r, pl.ds(g * LANES, LANES)]
        cnt_v[pl.ds(g * LANES, LANES)] = acc
        return carry

    lax.fori_loop(0, STRIPE // LANES, reduce_g, 0)

    def repl_n(n, carry):
        v16 = plsc.load_gather(cnt_v, [jnp.broadcast_to(n, (LANES,))])
        cnt16_v[pl.ds(n * LANES, LANES)] = v16
        return carry

    lax.fori_loop(0, STRIPE, repl_n, 0)
    pltpu.sync_copy(
        cnt16_v,
        counts_out.at[c].at[pl.ds(s * STRIPE * LANES, STRIPE * LANES)])
    pltpu.sync_copy(sums_sh.at[pl.ds(s * STRIPE, STRIPE)],
                    sums_out.at[c].at[pl.ds(s * STRIPE, STRIPE)])


PACK_ROWS = TBL_ROWS * D_EDGE // 128


def _tc_edge(sums_ref, counts_ref, web_ref, out_ref):
    sp = sums_ref[0] + sums_ref[1]
    cp = counts_ref[0] + counts_ref[1]
    recv = sp / jnp.maximum(cp, 1.0)
    out_ref[...] = jnp.dot(recv, web_ref[...],
                           preferred_element_type=jnp.float32)


def _tc_final(x_ref, e_ref, wx_ref, b_ref, out_ref):
    acc = jnp.dot(x_ref[...], wx_ref[...], preferred_element_type=jnp.float32)
    out_ref[...] = acc + e_ref[...] + b_ref[...]


BLK = 2000


def kernel(x, edge_index, edge_attr, W, b):
    dst = edge_index[1].astype(jnp.int32)
    attr = edge_attr.astype(jnp.float32)

    mesh = plsc.VectorSubcoreMesh(core_axis_name="c", subcore_axis_name="s")
    scatter_call = pl.kernel(
        _sc_scatter,
        mesh=mesh,
        out_type=[
            jax.ShapeDtypeStruct((NUM_CORES, TBL_ROWS, D_EDGE), jnp.float32),
            jax.ShapeDtypeStruct((NUM_CORES, TBL_ROWS * D_EDGE), jnp.float32),
        ],
        scratch_types=[
            pltpu.VMEM((CHUNK_ROWS, GROUP), jnp.int32),
            pltpu.VMEM((CHUNK_EDGES, D_EDGE), jnp.float32),
            pltpu.VMEM((TBL_ROWS,), jnp.float32),
            pltpu.VMEM((NUM_SUBCORES, STRIPE), jnp.float32),
            pltpu.VMEM((STRIPE,), jnp.float32),
            pltpu.VMEM((STRIPE * LANES,), jnp.float32),
            pltpu.VMEM_SHARED((TBL_ROWS, D_EDGE), jnp.float32),
            pltpu.VMEM_SHARED((NUM_SUBCORES, TBL_ROWS), jnp.float32),
            pltpu.SemaphoreType.DMA,
        ],
        compiler_params=pltpu.CompilerParams(use_tc_tiling_on_sc=False,
                                             needs_layout_passes=False),
    )
    sums, counts = scatter_call(dst.reshape(NUM_ROWS, GROUP), attr)

    wx = W[:D_FEAT]
    we = W[D_FEAT:]
    b2 = b.reshape(1, D_OUT)
    web = jnp.kron(jnp.eye(8, dtype=jnp.float32), we)
    sums_p = sums.reshape(NUM_CORES, PACK_ROWS, 128)
    counts_p = counts.reshape(NUM_CORES, PACK_ROWS, 128)
    eout_p = pl.pallas_call(
        _tc_edge,
        out_shape=jax.ShapeDtypeStruct((PACK_ROWS, 8 * D_OUT), jnp.float32),
    )(sums_p, counts_p, web)
    eout = eout_p.reshape(TBL_ROWS, D_OUT)
    out = pl.pallas_call(
        _tc_final,
        grid=(N_NODES // BLK,),
        in_specs=[
            pl.BlockSpec((BLK, D_FEAT), lambda i: (i, 0)),
            pl.BlockSpec((BLK, D_OUT), lambda i: (i, 0)),
            pl.BlockSpec((D_FEAT, D_OUT), lambda i: (0, 0)),
            pl.BlockSpec((1, D_OUT), lambda i: (0, 0)),
        ],
        out_specs=pl.BlockSpec((BLK, D_OUT), lambda i: (i, 0)),
        out_shape=jax.ShapeDtypeStruct((N_NODES, D_OUT), jnp.float32),
    )(x, eout, wx, b2)
    return out

# --- scband reference (transcript-rebuilt; emitter-appended) ---
"""Pipeline reference for scband-node-model-14585708937339 (READ-ONLY COPY).

The authoritative reference and input builder live on the scoring server;
editing this copy changes nothing except your own understanding.
"""

import jax, jax.numpy as jnp
import numpy as np

N = 10000
E = 320000
D_FEAT = 128
D_EDGE = 16
D_IN = D_FEAT + D_EDGE  # 144
D_OUT = 128


def setup_inputs(seed: int = 0) -> dict:
    key = jax.random.key(seed)
    k1, k2, k3, k4 = jax.random.split(key, 4)
    x = jax.random.normal(k1, (N, D_FEAT), dtype=jnp.float32)
    edge_index = jax.random.randint(k2, (2, E), 0, N)
    edge_attr = jax.random.normal(k3, (E, D_EDGE), dtype=jnp.float32)
    # node_mlp parameters: Linear(D_IN -> D_OUT)
    W = jax.random.normal(k4, (D_IN, D_OUT), dtype=jnp.float32) * (1.0 / np.sqrt(D_IN))
    b = jnp.zeros((D_OUT,), dtype=jnp.float32)
    return {"x": x, "edge_index": edge_index, "edge_attr": edge_attr, "W": W, "b": b}


def reference(x, edge_index, edge_attr, W, b):
    num_nodes = x.shape[0]
    dst = edge_index[1]
    # scatter(edge_attr, dst, dim=0, dim_size=num_nodes, reduce='mean')
    sums = jax.ops.segment_sum(edge_attr, dst, num_segments=num_nodes)
    counts = jax.ops.segment_sum(jnp.ones((edge_attr.shape[0],), dtype=edge_attr.dtype), dst, num_segments=num_nodes)
    receive_edge_attr = sums / jnp.maximum(counts, 1.0)[:, None]
    nodes_to_collect = jnp.concatenate([x, receive_edge_attr], axis=-1)
    return nodes_to_collect @ W + b

if __name__ == "__main__":
    import jax
    _d = setup_inputs()
    print(jax.jit(kernel)(*tuple(_d.values())))

</pallas_src>

<mosaic_0001>
#map = affine_map<(d0, d1) -> (0, 0)>
#map1 = affine_map<(d0, d1) -> (0, 0, 0)>
module attributes {stable_mosaic.version = 14 : i64} {
  func.func @_sc_scatter(%arg0: i32, %arg1: i32, %arg2: memref<2500x128xi32, #tpu.memory_space<hbm>>, %arg3: memref<320000x16xf32, #tpu.memory_space<hbm>>, %arg4: memref<2x10240x16xf32, #tpu.memory_space<hbm>>, %arg5: memref<2x163840xf32, #tpu.memory_space<hbm>>, %arg6: memref<32x128xi32, #tpu.memory_space<vmem>>, %arg7: memref<4096x16xf32, #tpu.memory_space<vmem>>, %arg8: memref<10240xf32, #tpu.memory_space<vmem>>, %arg9: memref<16x640xf32, #tpu.memory_space<vmem>>, %arg10: memref<640xf32, #tpu.memory_space<vmem>>, %arg11: memref<10240xf32, #tpu.memory_space<vmem>>, %arg12: memref<10240x16xf32, #tpu.memory_space<vmem_shared>>, %arg13: memref<16x10240xf32, #tpu.memory_space<vmem_shared>>, %arg14: memref<!tpu.dma_semaphore, #tpu.memory_space<semaphore_mem>>) attributes {dimension_semantics = [#tpu.dimension_semantics<core_parallel>, #tpu.dimension_semantics<subcore_parallel>], iteration_bounds = array<i64: 2, 16>, scalar_prefetch = 0 : i64, scratch_operands = 9 : i64, tpu.core_type = #tpu.core_type<sc_vector_subcore>, window_params = [{transform_indices = #map}, {transform_indices = #map}, {transform_indices = #map1}, {transform_indices = #map}]} {
    %mul3A = arith.constant 16 : i32
    %mul3A_0 = arith.muli %arg0, %mul3A : i32
    %add3A = arith.addi %mul3A_0, %arg1 : i32
    %broadcast_in_dim3A = arith.constant 0.000000e+00 : f32
    %broadcast_in_dim3A_1 = vector.broadcast %broadcast_in_dim3A : f32 to vector<16xf32>
    %scan3A = arith.constant 0 : i32
    %scan3A_2 = arith.constant 0 : i32
    %scan3A_3 = arith.constant 640 : i32
    %scan3A_4 = arith.addi %scan3A_2, %scan3A_3 : i32
    %scan3A_5 = arith.constant 1 : i32
    scf.for %scan3A_139 = %scan3A_2 to %scan3A_4 step %scan3A_5  : i32 {
      %swap3A = arith.index_cast %scan3A_139 : i32 to index
      %swap3A_140 = arith.constant 0 : index
      %swap3A_141 = tpu.vector_load %arg7[%swap3A, %swap3A_140] {strides = array<i32>} : memref<4096x16xf32, #tpu.memory_space<vmem>>, vector<16xf32>,
      tpu.vector_store %arg7[%swap3A, %swap3A_140], %broadcast_in_dim3A_1 {strides = array<i32>} : memref<4096x16xf32, #tpu.memory_space<vmem>>, vector<16xf32>,
    }
    %scan3A_6 = arith.constant 640 : i32
    %scan3A_7 = arith.constant 0 : i32
    %scan3A_8 = arith.constant 0 : i32
    %scan3A_9 = arith.constant 640 : i32
    %scan3A_10 = arith.addi %scan3A_8, %scan3A_9 : i32
    %scan3A_11 = arith.constant 1 : i32
    scf.for %scan3A_139 = %scan3A_8 to %scan3A_10 step %scan3A_11  : i32 {
      %mul3A_140 = arith.constant 16 : i32
      %mul3A_141 = arith.muli %scan3A_139, %mul3A_140 : i32
      %swap3A = arith.index_cast %mul3A_141 : i32 to index
      %swap3A_142 = tpu.vector_load %arg8[%swap3A] {strides = array<i32>} : memref<10240xf32, #tpu.memory_space<vmem>>, vector<16xf32>,
      tpu.vector_store %arg8[%swap3A], %broadcast_in_dim3A_1 {strides = array<i32>} : memref<10240xf32, #tpu.memory_space<vmem>>, vector<16xf32>,
    }
    %scan3A_12 = arith.constant 640 : i32
    %mul3A_13 = arith.constant 640 : i32
    %mul3A_14 = arith.muli %arg1, %mul3A_13 : i32
    "tpu.region"() ({
      %run_scoped3A_139 = tpu.sem_alloc : memref<!tpu.dma_semaphore, #tpu.memory_space<semaphore_mem>>
      %dma_start3A = arith.constant 0 : i32
      %dma_start3A_140 = arith.constant 0 : i32
      %dma_start3A_141 = tpu.memref_slice %arg7[%dma_start3A, %dma_start3A_140] : memref<4096x16xf32, #tpu.memory_space<vmem>> -> memref<640x16xf32, #tpu.memory_space<vmem>>
      %dma_start3A_142 = arith.constant 0 : i32
      %dma_start3A_143 = tpu.memref_slice %arg12[%mul3A_14, %dma_start3A_142] : memref<10240x16xf32, #tpu.memory_space<vmem_shared>> -> memref<640x16xf32, #tpu.memory_space<vmem_shared>>
      %dma_start3A_144 = arith.constant 0 : i32
      %dma_start3A_145 = tpu.memref_slice %arg12[%mul3A_14, %dma_start3A_144] : memref<10240x16xf32, #tpu.memory_space<vmem_shared>> -> memref<640x16xf32, #tpu.memory_space<vmem_shared>>
      %dma_start3A_146 = arith.constant 0 : i32
      %dma_start3A_147 = arith.constant 0 : i32
      %dma_start3A_148 = tpu.memref_slice %arg7[%dma_start3A_146, %dma_start3A_147] : memref<4096x16xf32, #tpu.memory_space<vmem>> -> memref<640x16xf32, #tpu.memory_space<vmem>>
      tpu.enqueue_dma source(%dma_start3A_148 : memref<640x16xf32, #tpu.memory_space<vmem>>) target(%dma_start3A_145 : memref<640x16xf32, #tpu.memory_space<vmem_shared>>) target_semaphore(%run_scoped3A_139 : memref<!tpu.dma_semaphore, #tpu.memory_space<semaphore_mem>>)
      %dma_wait3A_149 = arith.constant 0 : i32
      %dma_wait3A_150 = arith.constant 0 : i32
      %dma_wait3A_151 = tpu.memref_slice %arg7[%dma_wait3A_149, %dma_wait3A_150] : memref<4096x16xf32, #tpu.memory_space<vmem>> -> memref<640x16xf32, #tpu.memory_space<vmem>>
      %dma_wait3A_152 = arith.constant 0 : i32
      %dma_wait3A_153 = tpu.memref_slice %arg12[%mul3A_14, %dma_wait3A_152] : memref<10240x16xf32, #tpu.memory_space<vmem_shared>> -> memref<640x16xf32, #tpu.memory_space<vmem_shared>>
      %dma_wait3A_154 = arith.constant 0 : i32
      %dma_wait3A_155 = tpu.memref_slice %arg12[%mul3A_14, %dma_wait3A_154] : memref<10240x16xf32, #tpu.memory_space<vmem_shared>> -> memref<640x16xf32, #tpu.memory_space<vmem_shared>>
      %dma_wait3A_156 = arith.constant 0 : i32
      %dma_wait3A_157 = arith.constant 0 : i32
      %dma_wait3A_158 = tpu.memref_slice %arg7[%dma_wait3A_156, %dma_wait3A_157] : memref<4096x16xf32, #tpu.memory_space<vmem>> -> memref<640x16xf32, #tpu.memory_space<vmem>>
      tpu.wait_dma2 semaphore(%run_scoped3A_139 : memref<!tpu.dma_semaphore, #tpu.memory_space<semaphore_mem>>) src(%dma_wait3A_158 : memref<640x16xf32, #tpu.memory_space<vmem>>) dst(%dma_wait3A_155 : memref<640x16xf32, #tpu.memory_space<vmem_shared>>)
      tpu.yield
    }) : () -> ()
    %barrier3A = arith.constant 0 : index
    tpu.barrier barrier_id(%barrier3A)
    %mul3A_15 = arith.constant 9984 : i32
    %mul3A_16 = arith.muli %add3A, %mul3A_15 : i32
    %mul3A_17 = arith.constant 78 : i32
    %mul3A_18 = arith.muli %add3A, %mul3A_17 : i32
    %scan3A_19 = arith.constant 0 : i32
    %scan3A_20 = arith.constant 0 : i32
    %scan3A_21 = arith.constant 2 : i32
    %scan3A_22 = arith.addi %scan3A_20, %scan3A_21 : i32
    %scan3A_23 = arith.constant 1 : i32
    scf.for %scan3A_139 = %scan3A_20 to %scan3A_22 step %scan3A_23  : i32 {
      %mul3A_140 = arith.constant 32 : i32
      %mul3A_141 = arith.muli %scan3A_139, %mul3A_140 : i32
      %add3A_142 = arith.addi %mul3A_18, %mul3A_141 : i32
      %mul3A_143 = arith.constant 4096 : i32
      %mul3A_144 = arith.muli %scan3A_139, %mul3A_143 : i32
      %add3A_145 = arith.addi %mul3A_16, %mul3A_144 : i32
      "tpu.region"() ({
        %run_scoped3A_170 = tpu.sem_alloc : memref<!tpu.dma_semaphore, #tpu.memory_space<semaphore_mem>>
        %dma_start3A = arith.constant 0 : i32
        %dma_start3A_171 = tpu.memref_slice %arg2[%add3A_142, %dma_start3A] : memref<2500x128xi32, #tpu.memory_space<hbm>> -> memref<32x128xi32, #tpu.memory_space<hbm>>
        %dma_start3A_172 = arith.constant 0 : i32
        %dma_start3A_173 = tpu.memref_slice %arg2[%add3A_142, %dma_start3A_172] : memref<2500x128xi32, #tpu.memory_space<hbm>> -> memref<32x128xi32, #tpu.memory_space<hbm>>
        tpu.enqueue_dma source(%dma_start3A_173 : memref<32x128xi32, #tpu.memory_space<hbm>>) target(%arg6 : memref<32x128xi32, #tpu.memory_space<vmem>>) target_semaphore(%run_scoped3A_170 : memref<!tpu.dma_semaphore, #tpu.memory_space<semaphore_mem>>)
        %dma_wait3A_174 = arith.constant 0 : i32
        %dma_wait3A_175 = tpu.memref_slice %arg2[%add3A_142, %dma_wait3A_174] : memref<2500x128xi32, #tpu.memory_space<hbm>> -> memref<32x128xi32, #tpu.memory_space<hbm>>
        %dma_wait3A_176 = arith.constant 0 : i32
        %dma_wait3A_177 = tpu.memref_slice %arg2[%add3A_142, %dma_wait3A_176] : memref<2500x128xi32, #tpu.memory_space<hbm>> -> memref<32x128xi32, #tpu.memory_space<hbm>>
        tpu.wait_dma2 semaphore(%run_scoped3A_170 : memref<!tpu.dma_semaphore, #tpu.memory_space<semaphore_mem>>) src(%dma_wait3A_177 : memref<32x128xi32, #tpu.memory_space<hbm>>) dst(%arg6 : memref<32x128xi32, #tpu.memory_space<vmem>>)
        tpu.yield
      }) : () -> ()
      "tpu.region"() ({
        %run_scoped3A_170 = tpu.sem_alloc : memref<!tpu.dma_semaphore, #tpu.memory_space<semaphore_mem>>
        %dma_start3A = arith.constant 0 : i32
        %dma_start3A_171 = tpu.memref_slice %arg3[%add3A_145, %dma_start3A] : memref<320000x16xf32, #tpu.memory_space<hbm>> -> memref<4096x16xf32, #tpu.memory_space<hbm>>
        %dma_start3A_172 = arith.constant 0 : i32
        %dma_start3A_173 = tpu.memref_slice %arg3[%add3A_145, %dma_start3A_172] : memref<320000x16xf32, #tpu.memory_space<hbm>> -> memref<4096x16xf32, #tpu.memory_space<hbm>>
        tpu.enqueue_dma source(%dma_start3A_173 : memref<4096x16xf32, #tpu.memory_space<hbm>>) target(%arg7 : memref<4096x16xf32, #tpu.memory_space<vmem>>) target_semaphore(%run_scoped3A_170 : memref<!tpu.dma_semaphore, #tpu.memory_space<semaphore_mem>>)
        %dma_wait3A_174 = arith.constant 0 : i32
        %dma_wait3A_175 = tpu.memref_slice %arg3[%add3A_145, %dma_wait3A_174] : memref<320000x16xf32, #tpu.memory_space<hbm>> -> memref<4096x16xf32, #tpu.memory_space<hbm>>
        %dma_wait3A_176 = arith.constant 0 : i32
        %dma_wait3A_177 = tpu.memref_slice %arg3[%add3A_145, %dma_wait3A_176] : memref<320000x16xf32, #tpu.memory_space<hbm>> -> memref<4096x16xf32, #tpu.memory_space<hbm>>
        tpu.wait_dma2 semaphore(%run_scoped3A_170 : memref<!tpu.dma_semaphore, #tpu.memory_space<semaphore_mem>>) src(%dma_wait3A_177 : memref<4096x16xf32, #tpu.memory_space<hbm>>) dst(%arg7 : memref<4096x16xf32, #tpu.memory_space<vmem>>)
        tpu.yield
      }) : () -> ()
      %scan3A_146 = arith.constant 0 : i32
      %scan3A_147 = arith.constant 0 : i32
      %scan3A_148 = arith.constant 32 : i32
      %scan3A_149 = arith.addi %scan3A_147, %scan3A_148 : i32
      %scan3A_150 = arith.constant 1 : i32
      scf.for %scan3A_170 = %scan3A_147 to %scan3A_149 step %scan3A_150  : i32 {
        %mul3A_171 = arith.constant 128 : i32
        %mul3A_172 = arith.muli %scan3A_170, %mul3A_171 : i32
        %dma_start3A = arith.constant 0 : i32
        %dma_start3A_173 = tpu.memref_slice %arg7[%mul3A_172, %dma_start3A] : memref<4096x16xf32, #tpu.memory_space<vmem>> -> memref<128x16xf32, #tpu.memory_space<vmem>>
        %dma_start3A_174 = arith.constant 0 : i32
        %dma_start3A_175 = tpu.memref_slice %arg6[%scan3A_170, %dma_start3A_174] : memref<32x128xi32, #tpu.memory_space<vmem>> -> memref<1x128xi32, #tpu.memory_space<vmem>>
        %dma_start3A_176 = tpu.memref_squeeze %dma_start3A_175 : memref<1x128xi32, #tpu.memory_space<vmem>> -> memref<128xi32, #tpu.memory_space<vmem>>
        %dma_start3A_177 = arith.constant 0 : i32
        %dma_start3A_178 = arith.constant 0 : i32
        %dma_start3A_179 = tpu.memref_slice %arg12[%dma_start3A_177, %dma_start3A_178] : memref<10240x16xf32, #tpu.memory_space<vmem_shared>> -> memref<10240x16xf32, #tpu.memory_space<vmem_shared>>
        tpu.enqueue_indirect_dma source(%dma_start3A_173 : memref<128x16xf32, #tpu.memory_space<vmem>>) target(%dma_start3A_179 : memref<10240x16xf32, #tpu.memory_space<vmem_shared>>) offsets(%dma_start3A_176 : memref<128xi32, #tpu.memory_space<vmem>>) semaphore(%arg14 : memref<!tpu.dma_semaphore, #tpu.memory_space<semaphore_mem>>) {add = true}
      }
      %scan3A_151 = arith.constant 32 : i32
      %scan3A_152 = arith.constant 0 : i32
      %scan3A_153 = arith.constant 0 : i32
      %scan3A_154 = arith.constant 32 : i32
      %scan3A_155 = arith.addi %scan3A_153, %scan3A_154 : i32
      %scan3A_156 = arith.constant 1 : i32
      scf.for %scan3A_170 = %scan3A_153 to %scan3A_155 step %scan3A_156  : i32 {
        %get3A = arith.index_cast %scan3A_170 : i32 to index
        %get3A_171 = arith.constant 0 : index
        %get3A_172 = tpu.vector_load %arg6[%get3A, %get3A_171] {strides = array<i32>} : memref<32x128xi32, #tpu.memory_space<vmem>>, vector<16xi32>,
        %broadcast_in_dim3A_173 = arith.constant true
        %broadcast_in_dim3A_174 = vector.broadcast %broadcast_in_dim3A_173 : i1 to vector<16xi1>
        %unique3A, %unique3A_175 = tpu.scan_count mask(%broadcast_in_dim3A_174 : vector<16xi1>) value(%get3A_172 : vector<16xi32>) : vector<16xi1>, vector<16xi32>
        %convert_element_type3A_176 = arith.sitofp %unique3A_175 : vector<16xi32> to vector<16xf32>
        tpu.vector_store_idx %arg8[%get3A_172], %convert_element_type3A_176 masked %unique3A {add = true} : memref<10240xf32, #tpu.memory_space<vmem>>[vector<16xi32>], vector<16xf32>, vector<16xi1>
        %get3A_177 = arith.index_cast %scan3A_170 : i32 to index
        %get3A_178 = arith.constant 16 : index
        %get3A_179 = tpu.vector_load %arg6[%get3A_177, %get3A_178] {strides = array<i32>} : memref<32x128xi32, #tpu.memory_space<vmem>>, vector<16xi32>,
        %broadcast_in_dim3A_180 = arith.constant true
        %broadcast_in_dim3A_181 = vector.broadcast %broadcast_in_dim3A_180 : i1 to vector<16xi1>
        %unique3A_182, %unique3A_183 = tpu.scan_count mask(%broadcast_in_dim3A_181 : vector<16xi1>) value(%get3A_179 : vector<16xi32>) : vector<16xi1>, vector<16xi32>
        %convert_element_type3A_184 = arith.sitofp %unique3A_183 : vector<16xi32> to vector<16xf32>
        tpu.vector_store_idx %arg8[%get3A_179], %convert_element_type3A_184 masked %unique3A_182 {add = true} : memref<10240xf32, #tpu.memory_space<vmem>>[vector<16xi32>], vector<16xf32>, vector<16xi1>
        %get3A_185 = arith.index_cast %scan3A_170 : i32 to index
        %get3A_186 = arith.constant 32 : index
        %get3A_187 = tpu.vector_load %arg6[%get3A_185, %get3A_186] {strides = array<i32>} : memref<32x128xi32, #tpu.memory_space<vmem>>, vector<16xi32>,
        %broadcast_in_dim3A_188 = arith.constant true
        %broadcast_in_dim3A_189 = vector.broadcast %broadcast_in_dim3A_188 : i1 to vector<16xi1>
        %unique3A_190, %unique3A_191 = tpu.scan_count mask(%broadcast_in_dim3A_189 : vector<16xi1>) value(%get3A_187 : vector<16xi32>) : vector<16xi1>, vector<16xi32>
        %convert_element_type3A_192 = arith.sitofp %unique3A_191 : vector<16xi32> to vector<16xf32>
        tpu.vector_store_idx %arg8[%get3A_187], %convert_element_type3A_192 masked %unique3A_190 {add = true} : memref<10240xf32, #tpu.memory_space<vmem>>[vector<16xi32>], vector<16xf32>, vector<16xi1>
        %get3A_193 = arith.index_cast %scan3A_170 : i32 to index
        %get3A_194 = arith.constant 48 : index
        %get3A_195 = tpu.vector_load %arg6[%get3A_193, %get3A_194] {strides = array<i32>} : memref<32x128xi32, #tpu.memory_space<vmem>>, vector<16xi32>,
        %broadcast_in_dim3A_196 = arith.constant true
        %broadcast_in_dim3A_197 = vector.broadcast %broadcast_in_dim3A_196 : i1 to vector<16xi1>
        %unique3A_198, %unique3A_199 = tpu.scan_count mask(%broadcast_in_dim3A_197 : vector<16xi1>) value(%get3A_195 : vector<16xi32>) : vector<16xi1>, vector<16xi32>
        %convert_element_type3A_200 = arith.sitofp %unique3A_199 : vector<16xi32> to vector<16xf32>
        tpu.vector_store_idx %arg8[%get3A_195], %convert_element_type3A_200 masked %unique3A_198 {add = true} : memref<10240xf32, #tpu.memory_space<vmem>>[vector<16xi32>], vector<16xf32>, vector<16xi1>
        %get3A_201 = arith.index_cast %scan3A_170 : i32 to index
        %get3A_202 = arith.constant 64 : index
        %get3A_203 = tpu.vector_load %arg6[%get3A_201, %get3A_202] {strides = array<i32>} : memref<32x128xi32, #tpu.memory_space<vmem>>, vector<16xi32>,
        %broadcast_in_dim3A_204 = arith.constant true
        %broadcast_in_dim3A_205 = vector.broadcast %broadcast_in_dim3A_204 : i1 to vector<16xi1>
        %unique3A_206, %unique3A_207 = tpu.scan_count mask(%broadcast_in_dim3A_205 : vector<16xi1>) value(%get3A_203 : vector<16xi32>) : vector<16xi1>, vector<16xi32>
        %convert_element_type3A_208 = arith.sitofp %unique3A_207 : vector<16xi32> to vector<16xf32>
        tpu.vector_store_idx %arg8[%get3A_203], %convert_element_type3A_208 masked %unique3A_206 {add = true} : memref<10240xf32, #tpu.memory_space<vmem>>[vector<16xi32>], vector<16xf32>, vector<16xi1>
        %get3A_209 = arith.index_cast %scan3A_170 : i32 to index
        %get3A_210 = arith.constant 80 : index
        %get3A_211 = tpu.vector_load %arg6[%get3A_209, %get3A_210] {strides = array<i32>} : memref<32x128xi32, #tpu.memory_space<vmem>>, vector<16xi32>,
        %broadcast_in_dim3A_212 = arith.constant true
        %broadcast_in_dim3A_213 = vector.broadcast %broadcast_in_dim3A_212 : i1 to vector<16xi1>
        %unique3A_214, %unique3A_215 = tpu.scan_count mask(%broadcast_in_dim3A_213 : vector<16xi1>) value(%get3A_211 : vector<16xi32>) : vector<16xi1>, vector<16xi32>
        %convert_element_type3A_216 = arith.sitofp %unique3A_215 : vector<16xi32> to vector<16xf32>
        tpu.vector_store_idx %arg8[%get3A_211], %convert_element_type3A_216 masked %unique3A_214 {add = true} : memref<10240xf32, #tpu.memory_space<vmem>>[vector<16xi32>], vector<16xf32>, vector<16xi1>
        %get3A_217 = arith.index_cast %scan3A_170 : i32 to index
        %get3A_218 = arith.constant 96 : index
        %get3A_219 = tpu.vector_load %arg6[%get3A_217, %get3A_218] {strides = array<i32>} : memref<32x128xi32, #tpu.memory_space<vmem>>, vector<16xi32>,
        %broadcast_in_dim3A_220 = arith.constant true
        %broadcast_in_dim3A_221 = vector.broadcast %broadcast_in_dim3A_220 : i1 to vector<16xi1>
        %unique3A_222, %unique3A_223 = tpu.scan_count mask(%broadcast_in_dim3A_221 : vector<16xi1>) value(%get3A_219 : vector<16xi32>) : vector<16xi1>, vector<16xi32>
        %convert_element_type3A_224 = arith.sitofp %unique3A_223 : vector<16xi32> to vector<16xf32>
        tpu.vector_store_idx %arg8[%get3A_219], %convert_element_type3A_224 masked %unique3A_222 {add = true} : memref<10240xf32, #tpu.memory_space<vmem>>[vector<16xi32>], vector<16xf32>, vector<16xi1>
        %get3A_225 = arith.index_cast %scan3A_170 : i32 to index
        %get3A_226 = arith.constant 112 : index
        %get3A_227 = tpu.vector_load %arg6[%get3A_225, %get3A_226] {strides = array<i32>} : memref<32x128xi32, #tpu.memory_space<vmem>>, vector<16xi32>,
        %broadcast_in_dim3A_228 = arith.constant true
        %broadcast_in_dim3A_229 = vector.broadcast %broadcast_in_dim3A_228 : i1 to vector<16xi1>
        %unique3A_230, %unique3A_231 = tpu.scan_count mask(%broadcast_in_dim3A_229 : vector<16xi1>) value(%get3A_227 : vector<16xi32>) : vector<16xi1>, vector<16xi32>
        %convert_element_type3A_232 = arith.sitofp %unique3A_231 : vector<16xi32> to vector<16xf32>
        tpu.vector_store_idx %arg8[%get3A_227], %convert_element_type3A_232 masked %unique3A_230 {add = true} : memref<10240xf32, #tpu.memory_space<vmem>>[vector<16xi32>], vector<16xf32>, vector<16xi1>
      }
      %scan3A_157 = arith.constant 32 : i32
      %dma_wait3A_158 = arith.constant 0 : i32
      %dma_wait3A_159 = arith.constant 0 : i32
      %dma_wait3A_160 = tpu.memref_slice %arg7[%dma_wait3A_158, %dma_wait3A_159] : memref<4096x16xf32, #tpu.memory_space<vmem>> -> memref<4096x16xf32, #tpu.memory_space<vmem>>
      %dma_wait3A_161 = arith.constant 0 : i32
      %dma_wait3A_162 = arith.constant 0 : i32
      %dma_wait3A_163 = tpu.memref_slice %arg3[%dma_wait3A_161, %dma_wait3A_162] : memref<320000x16xf32, #tpu.memory_space<hbm>> -> memref<4096x16xf32, #tpu.memory_space<hbm>>
      %dma_wait3A_164 = arith.constant 0 : i32
      %dma_wait3A_165 = arith.constant 0 : i32
      %dma_wait3A_166 = tpu.memref_slice %arg7[%dma_wait3A_164, %dma_wait3A_165] : memref<4096x16xf32, #tpu.memory_space<vmem>> -> memref<4096x16xf32, #tpu.memory_space<vmem>>
      %dma_wait3A_167 = arith.constant 0 : i32
      %dma_wait3A_168 = arith.constant 0 : i32
      %dma_wait3A_169 = tpu.memref_slice %arg3[%dma_wait3A_167, %dma_wait3A_168] : memref<320000x16xf32, #tpu.memory_space<hbm>> -> memref<4096x16xf32, #tpu.memory_space<hbm>>
      tpu.wait_dma2 semaphore(%arg14 : memref<!tpu.dma_semaphore, #tpu.memory_space<semaphore_mem>>) src(%dma_wait3A_169 : memref<4096x16xf32, #tpu.memory_space<hbm>>) dst(%dma_wait3A_166 : memref<4096x16xf32, #tpu.memory_space<vmem>>)
    }
    %scan3A_24 = arith.constant 2 : i32
    %add3A_25 = arith.constant 64 : i32
    %add3A_26 = arith.addi %mul3A_18, %add3A_25 : i32
    %add3A_27 = arith.constant 8192 : i32
    %add3A_28 = arith.addi %mul3A_16, %add3A_27 : i32
    "tpu.region"() ({
      %run_scoped3A_139 = tpu.sem_alloc : memref<!tpu.dma_semaphore, #tpu.memory_space<semaphore_mem>>
      %dma_start3A = arith.constant 0 : i32
      %dma_start3A_140 = arith.constant 0 : i32
      %dma_start3A_141 = tpu.memref_slice %arg6[%dma_start3A, %dma_start3A_140] : memref<32x128xi32, #tpu.memory_space<vmem>> -> memref<14x128xi32, #tpu.memory_space<vmem>>
      %dma_start3A_142 = arith.constant 0 : i32
      %dma_start3A_143 = tpu.memref_slice %arg2[%add3A_26, %dma_start3A_142] : memref<2500x128xi32, #tpu.memory_space<hbm>> -> memref<14x128xi32, #tpu.memory_space<hbm>>
      %dma_start3A_144 = arith.constant 0 : i32
      %dma_start3A_145 = arith.constant 0 : i32
      %dma_start3A_146 = tpu.memref_slice %arg6[%dma_start3A_144, %dma_start3A_145] : memref<32x128xi32, #tpu.memory_space<vmem>> -> memref<14x128xi32, #tpu.memory_space<vmem>>
      %dma_start3A_147 = arith.constant 0 : i32
      %dma_start3A_148 = tpu.memref_slice %arg2[%add3A_26, %dma_start3A_147] : memref<2500x128xi32, #tpu.memory_space<hbm>> -> memref<14x128xi32, #tpu.memory_space<hbm>>
      tpu.enqueue_dma source(%dma_start3A_148 : memref<14x128xi32, #tpu.memory_space<hbm>>) target(%dma_start3A_146 : memref<14x128xi32, #tpu.memory_space<vmem>>) target_semaphore(%run_scoped3A_139 : memref<!tpu.dma_semaphore, #tpu.memory_space<semaphore_mem>>)
      %dma_wait3A_149 = arith.constant 0 : i32
      %dma_wait3A_150 = arith.constant 0 : i32
      %dma_wait3A_151 = tpu.memref_slice %arg6[%dma_wait3A_149, %dma_wait3A_150] : memref<32x128xi32, #tpu.memory_space<vmem>> -> memref<14x128xi32, #tpu.memory_space<vmem>>
      %dma_wait3A_152 = arith.constant 0 : i32
      %dma_wait3A_153 = tpu.memref_slice %arg2[%add3A_26, %dma_wait3A_152] : memref<2500x128xi32, #tpu.memory_space<hbm>> -> memref<14x128xi32, #tpu.memory_space<hbm>>
      %dma_wait3A_154 = arith.constant 0 : i32
      %dma_wait3A_155 = arith.constant 0 : i32
      %dma_wait3A_156 = tpu.memref_slice %arg6[%dma_wait3A_154, %dma_wait3A_155] : memref<32x128xi32, #tpu.memory_space<vmem>> -> memref<14x128xi32, #tpu.memory_space<vmem>>
      %dma_wait3A_157 = arith.constant 0 : i32
      %dma_wait3A_158 = tpu.memref_slice %arg2[%add3A_26, %dma_wait3A_157] : memref<2500x128xi32, #tpu.memory_space<hbm>> -> memref<14x128xi32, #tpu.memory_space<hbm>>
      tpu.wait_dma2 semaphore(%run_scoped3A_139 : memref<!tpu.dma_semaphore, #tpu.memory_space<semaphore_mem>>) src(%dma_wait3A_158 : memref<14x128xi32, #tpu.memory_space<hbm>>) dst(%dma_wait3A_156 : memref<14x128xi32, #tpu.memory_space<vmem>>)
      tpu.yield
    }) : () -> ()
    "tpu.region"() ({
      %run_scoped3A_139 = tpu.sem_alloc : memref<!tpu.dma_semaphore, #tpu.memory_space<semaphore_mem>>
      %dma_start3A = arith.constant 0 : i32
      %dma_start3A_140 = arith.constant 0 : i32
      %dma_start3A_141 = tpu.memref_slice %arg7[%dma_start3A, %dma_start3A_140] : memref<4096x16xf32, #tpu.memory_space<vmem>> -> memref<1792x16xf32, #tpu.memory_space<vmem>>
      %dma_start3A_142 = arith.constant 0 : i32
      %dma_start3A_143 = tpu.memref_slice %arg3[%add3A_28, %dma_start3A_142] : memref<320000x16xf32, #tpu.memory_space<hbm>> -> memref<1792x16xf32, #tpu.memory_space<hbm>>
      %dma_start3A_144 = arith.constant 0 : i32
      %dma_start3A_145 = arith.constant 0 : i32
      %dma_start3A_146 = tpu.memref_slice %arg7[%dma_start3A_144, %dma_start3A_145] : memref<4096x16xf32, #tpu.memory_space<vmem>> -> memref<1792x16xf32, #tpu.memory_space<vmem>>
      %dma_start3A_147 = arith.constant 0 : i32
      %dma_start3A_148 = tpu.memref_slice %arg3[%add3A_28, %dma_start3A_147] : memref<320000x16xf32, #tpu.memory_space<hbm>> -> memref<1792x16xf32, #tpu.memory_space<hbm>>
      tpu.enqueue_dma source(%dma_start3A_148 : memref<1792x16xf32, #tpu.memory_space<hbm>>) target(%dma_start3A_146 : memref<1792x16xf32, #tpu.memory_space<vmem>>) target_semaphore(%run_scoped3A_139 : memref<!tpu.dma_semaphore, #tpu.memory_space<semaphore_mem>>)
      %dma_wait3A_149 = arith.constant 0 : i32
      %dma_wait3A_150 = arith.constant 0 : i32
      %dma_wait3A_151 = tpu.memref_slice %arg7[%dma_wait3A_149, %dma_wait3A_150] : memref<4096x16xf32, #tpu.memory_space<vmem>> -> memref<1792x16xf32, #tpu.memory_space<vmem>>
      %dma_wait3A_152 = arith.constant 0 : i32
      %dma_wait3A_153 = tpu.memref_slice %arg3[%add3A_28, %dma_wait3A_152] : memref<320000x16xf32, #tpu.memory_space<hbm>> -> memref<1792x16xf32, #tpu.memory_space<hbm>>
      %dma_wait3A_154 = arith.constant 0 : i32
      %dma_wait3A_155 = arith.constant 0 : i32
      %dma_wait3A_156 = tpu.memref_slice %arg7[%dma_wait3A_154, %dma_wait3A_155] : memref<4096x16xf32, #tpu.memory_space<vmem>> -> memref<1792x16xf32, #tpu.memory_space<vmem>>
      %dma_wait3A_157 = arith.constant 0 : i32
      %dma_wait3A_158 = tpu.memref_slice %arg3[%add3A_28, %dma_wait3A_157] : memref<320000x16xf32, #tpu.memory_space<hbm>> -> memref<1792x16xf32, #tpu.memory_space<hbm>>
      tpu.wait_dma2 semaphore(%run_scoped3A_139 : memref<!tpu.dma_semaphore, #tpu.memory_space<semaphore_mem>>) src(%dma_wait3A_158 : memref<1792x16xf32, #tpu.memory_space<hbm>>) dst(%dma_wait3A_156 : memref<1792x16xf32, #tpu.memory_space<vmem>>)
      tpu.yield
    }) : () -> ()
    %scan3A_29 = arith.constant 0 : i32
    %scan3A_30 = arith.constant 0 : i32
    %scan3A_31 = arith.constant 14 : i32
    %scan3A_32 = arith.addi %scan3A_30, %scan3A_31 : i32
    %scan3A_33 = arith.constant 1 : i32
    scf.for %scan3A_139 = %scan3A_30 to %scan3A_32 step %scan3A_33  : i32 {
      %mul3A_140 = arith.constant 128 : i32
      %mul3A_141 = arith.muli %scan3A_139, %mul3A_140 : i32
      %dma_start3A = arith.constant 0 : i32
      %dma_start3A_142 = tpu.memref_slice %arg7[%mul3A_141, %dma_start3A] : memref<4096x16xf32, #tpu.memory_space<vmem>> -> memref<128x16xf32, #tpu.memory_space<vmem>>
      %dma_start3A_143 = arith.constant 0 : i32
      %dma_start3A_144 = tpu.memref_slice %arg6[%scan3A_139, %dma_start3A_143] : memref<32x128xi32, #tpu.memory_space<vmem>> -> memref<1x128xi32, #tpu.memory_space<vmem>>
      %dma_start3A_145 = tpu.memref_squeeze %dma_start3A_144 : memref<1x128xi32, #tpu.memory_space<vmem>> -> memref<128xi32, #tpu.memory_space<vmem>>
      %dma_start3A_146 = arith.constant 0 : i32
      %dma_start3A_147 = arith.constant 0 : i32
      %dma_start3A_148 = tpu.memref_slice %arg12[%dma_start3A_146, %dma_start3A_147] : memref<10240x16xf32, #tpu.memory_space<vmem_shared>> -> memref<10240x16xf32, #tpu.memory_space<vmem_shared>>
      tpu.enqueue_indirect_dma source(%dma_start3A_142 : memref<128x16xf32, #tpu.memory_space<vmem>>) target(%dma_start3A_148 : memref<10240x16xf32, #tpu.memory_space<vmem_shared>>) offsets(%dma_start3A_145 : memref<128xi32, #tpu.memory_space<vmem>>) semaphore(%arg14 : memref<!tpu.dma_semaphore, #tpu.memory_space<semaphore_mem>>) {add = true}
    }
    %scan3A_34 = arith.constant 14 : i32
    %scan3A_35 = arith.constant 0 : i32
    %scan3A_36 = arith.constant 0 : i32
    %scan3A_37 = arith.constant 14 : i32
    %scan3A_38 = arith.addi %scan3A_36, %scan3A_37 : i32
    %scan3A_39 = arith.constant 1 : i32
    scf.for %scan3A_139 = %scan3A_36 to %scan3A_38 step %scan3A_39  : i32 {
      %get3A = arith.index_cast %scan3A_139 : i32 to index
      %get3A_140 = arith.constant 0 : index
      %get3A_141 = tpu.vector_load %arg6[%get3A, %get3A_140] {strides = array<i32>} : memref<32x128xi32, #tpu.memory_space<vmem>>, vector<16xi32>,
      %broadcast_in_dim3A_142 = arith.constant true
      %broadcast_in_dim3A_143 = vector.broadcast %broadcast_in_dim3A_142 : i1 to vector<16xi1>
      %unique3A, %unique3A_144 = tpu.scan_count mask(%broadcast_in_dim3A_143 : vector<16xi1>) value(%get3A_141 : vector<16xi32>) : vector<16xi1>, vector<16xi32>
      %convert_element_type3A_145 = arith.sitofp %unique3A_144 : vector<16xi32> to vector<16xf32>
      tpu.vector_store_idx %arg8[%get3A_141], %convert_element_type3A_145 masked %unique3A {add = true} : memref<10240xf32, #tpu.memory_space<vmem>>[vector<16xi32>], vector<16xf32>, vector<16xi1>
      %get3A_146 = arith.index_cast %scan3A_139 : i32 to index
      %get3A_147 = arith.constant 16 : index
      %get3A_148 = tpu.vector_load %arg6[%get3A_146, %get3A_147] {strides = array<i32>} : memref<32x128xi32, #tpu.memory_space<vmem>>, vector<16xi32>,
      %broadcast_in_dim3A_149 = arith.constant true
      %broadcast_in_dim3A_150 = vector.broadcast %broadcast_in_dim3A_149 : i1 to vector<16xi1>
      %unique3A_151, %unique3A_152 = tpu.scan_count mask(%broadcast_in_dim3A_150 : vector<16xi1>) value(%get3A_148 : vector<16xi32>) : vector<16xi1>, vector<16xi32>
      %convert_element_type3A_153 = arith.sitofp %unique3A_152 : vector<16xi32> to vector<16xf32>
      tpu.vector_store_idx %arg8[%get3A_148], %convert_element_type3A_153 masked %unique3A_151 {add = true} : memref<10240xf32, #tpu.memory_space<vmem>>[vector<16xi32>], vector<16xf32>, vector<16xi1>
      %get3A_154 = arith.index_cast %scan3A_139 : i32 to index
      %get3A_155 = arith.constant 32 : index
      %get3A_156 = tpu.vector_load %arg6[%get3A_154, %get3A_155] {strides = array<i32>} : memref<32x128xi32, #tpu.memory_space<vmem>>, vector<16xi32>,
      %broadcast_in_dim3A_157 = arith.constant true
      %broadcast_in_dim3A_158 = vector.broadcast %broadcast_in_dim3A_157 : i1 to vector<16xi1>
      %unique3A_159, %unique3A_160 = tpu.scan_count mask(%broadcast_in_dim3A_158 : vector<16xi1>) value(%get3A_156 : vector<16xi32>) : vector<16xi1>, vector<16xi32>
      %convert_element_type3A_161 = arith.sitofp %unique3A_160 : vector<16xi32> to vector<16xf32>
      tpu.vector_store_idx %arg8[%get3A_156], %convert_element_type3A_161 masked %unique3A_159 {add = true} : memref<10240xf32, #tpu.memory_space<vmem>>[vector<16xi32>], vector<16xf32>, vector<16xi1>
      %get3A_162 = arith.index_cast %scan3A_139 : i32 to index
      %get3A_163 = arith.constant 48 : index
      %get3A_164 = tpu.vector_load %arg6[%get3A_162, %get3A_163] {strides = array<i32>} : memref<32x128xi32, #tpu.memory_space<vmem>>, vector<16xi32>,
      %broadcast_in_dim3A_165 = arith.constant true
      %broadcast_in_dim3A_166 = vector.broadcast %broadcast_in_dim3A_165 : i1 to vector<16xi1>
      %unique3A_167, %unique3A_168 = tpu.scan_count mask(%broadcast_in_dim3A_166 : vector<16xi1>) value(%get3A_164 : vector<16xi32>) : vector<16xi1>, vector<16xi32>
      %convert_element_type3A_169 = arith.sitofp %unique3A_168 : vector<16xi32> to vector<16xf32>
      tpu.vector_store_idx %arg8[%get3A_164], %convert_element_type3A_169 masked %unique3A_167 {add = true} : memref<10240xf32, #tpu.memory_space<vmem>>[vector<16xi32>], vector<16xf32>, vector<16xi1>
      %get3A_170 = arith.index_cast %scan3A_139 : i32 to index
      %get3A_171 = arith.constant 64 : index
      %get3A_172 = tpu.vector_load %arg6[%get3A_170, %get3A_171] {strides = array<i32>} : memref<32x128xi32, #tpu.memory_space<vmem>>, vector<16xi32>,
      %broadcast_in_dim3A_173 = arith.constant true
      %broadcast_in_dim3A_174 = vector.broadcast %broadcast_in_dim3A_173 : i1 to vector<16xi1>
      %unique3A_175, %unique3A_176 = tpu.scan_count mask(%broadcast_in_dim3A_174 : vector<16xi1>) value(%get3A_172 : vector<16xi32>) : vector<16xi1>, vector<16xi32>
      %convert_element_type3A_177 = arith.sitofp %unique3A_176 : vector<16xi32> to vector<16xf32>
      tpu.vector_store_idx %arg8[%get3A_172], %convert_element_type3A_177 masked %unique3A_175 {add = true} : memref<10240xf32, #tpu.memory_space<vmem>>[vector<16xi32>], vector<16xf32>, vector<16xi1>
      %get3A_178 = arith.index_cast %scan3A_139 : i32 to index
      %get3A_179 = arith.constant 80 : index
      %get3A_180 = tpu.vector_load %arg6[%get3A_178, %get3A_179] {strides = array<i32>} : memref<32x128xi32, #tpu.memory_space<vmem>>, vector<16xi32>,
      %broadcast_in_dim3A_181 = arith.constant true
      %broadcast_in_dim3A_182 = vector.broadcast %broadcast_in_dim3A_181 : i1 to vector<16xi1>
      %unique3A_183, %unique3A_184 = tpu.scan_count mask(%broadcast_in_dim3A_182 : vector<16xi1>) value(%get3A_180 : vector<16xi32>) : vector<16xi1>, vector<16xi32>
      %convert_element_type3A_185 = arith.sitofp %unique3A_184 : vector<16xi32> to vector<16xf32>
      tpu.vector_store_idx %arg8[%get3A_180], %convert_element_type3A_185 masked %unique3A_183 {add = true} : memref<10240xf32, #tpu.memory_space<vmem>>[vector<16xi32>], vector<16xf32>, vector<16xi1>
      %get3A_186 = arith.index_cast %scan3A_139 : i32 to index
      %get3A_187 = arith.constant 96 : index
      %get3A_188 = tpu.vector_load %arg6[%get3A_186, %get3A_187] {strides = array<i32>} : memref<32x128xi32, #tpu.memory_space<vmem>>, vector<16xi32>,
      %broadcast_in_dim3A_189 = arith.constant true
      %broadcast_in_dim3A_190 = vector.broadcast %broadcast_in_dim3A_189 : i1 to vector<16xi1>
      %unique3A_191, %unique3A_192 = tpu.scan_count mask(%broadcast_in_dim3A_190 : vector<16xi1>) value(%get3A_188 : vector<16xi32>) : vector<16xi1>, vector<16xi32>
      %convert_element_type3A_193 = arith.sitofp %unique3A_192 : vector<16xi32> to vector<16xf32>
      tpu.vector_store_idx %arg8[%get3A_188], %convert_element_type3A_193 masked %unique3A_191 {add = true} : memref<10240xf32, #tpu.memory_space<vmem>>[vector<16xi32>], vector<16xf32>, vector<16xi1>
      %get3A_194 = arith.index_cast %scan3A_139 : i32 to index
      %get3A_195 = arith.constant 112 : index
      %get3A_196 = tpu.vector_load %arg6[%get3A_194, %get3A_195] {strides = array<i32>} : memref<32x128xi32, #tpu.memory_space<vmem>>, vector<16xi32>,
      %broadcast_in_dim3A_197 = arith.constant true
      %broadcast_in_dim3A_198 = vector.broadcast %broadcast_in_dim3A_197 : i1 to vector<16xi1>
      %unique3A_199, %unique3A_200 = tpu.scan_count mask(%broadcast_in_dim3A_198 : vector<16xi1>) value(%get3A_196 : vector<16xi32>) : vector<16xi1>, vector<16xi32>
      %convert_element_type3A_201 = arith.sitofp %unique3A_200 : vector<16xi32> to vector<16xf32>
      tpu.vector_store_idx %arg8[%get3A_196], %convert_element_type3A_201 masked %unique3A_199 {add = true} : memref<10240xf32, #tpu.memory_space<vmem>>[vector<16xi32>], vector<16xf32>, vector<16xi1>
    }
    %scan3A_40 = arith.constant 14 : i32
    %dma_wait3A = arith.constant 0 : i32
    %dma_wait3A_41 = arith.constant 0 : i32
    %dma_wait3A_42 = tpu.memref_slice %arg7[%dma_wait3A, %dma_wait3A_41] : memref<4096x16xf32, #tpu.memory_space<vmem>> -> memref<1792x16xf32, #tpu.memory_space<vmem>>
    %dma_wait3A_43 = arith.constant 0 : i32
    %dma_wait3A_44 = arith.constant 0 : i32
    %dma_wait3A_45 = tpu.memref_slice %arg3[%dma_wait3A_43, %dma_wait3A_44] : memref<320000x16xf32, #tpu.memory_space<hbm>> -> memref<1792x16xf32, #tpu.memory_space<hbm>>
    %dma_wait3A_46 = arith.constant 0 : i32
    %dma_wait3A_47 = arith.constant 0 : i32
    %dma_wait3A_48 = tpu.memref_slice %arg7[%dma_wait3A_46, %dma_wait3A_47] : memref<4096x16xf32, #tpu.memory_space<vmem>> -> memref<1792x16xf32, #tpu.memory_space<vmem>>
    %dma_wait3A_49 = arith.constant 0 : i32
    %dma_wait3A_50 = arith.constant 0 : i32
    %dma_wait3A_51 = tpu.memref_slice %arg3[%dma_wait3A_49, %dma_wait3A_50] : memref<320000x16xf32, #tpu.memory_space<hbm>> -> memref<1792x16xf32, #tpu.memory_space<hbm>>
    tpu.wait_dma2 semaphore(%arg14 : memref<!tpu.dma_semaphore, #tpu.memory_space<semaphore_mem>>) src(%dma_wait3A_51 : memref<1792x16xf32, #tpu.memory_space<hbm>>) dst(%dma_wait3A_48 : memref<1792x16xf32, #tpu.memory_space<vmem>>)
    %lt3A = arith.constant 4 : i32
    %lt3A_52 = arith.cmpi slt, %add3A, %lt3A : i32
    %convert_element_type3A = arith.extui %lt3A_52 : i1 to i32
    %cond3A = arith.constant 0 : i32
    %cond3A_53 = arith.cmpi ne, %convert_element_type3A, %cond3A : i32
    scf.if %cond3A_53 {
      %add3A_139 = arith.constant 2496 : i32
      %add3A_140 = arith.addi %add3A_139, %add3A : i32
      "tpu.region"() ({
        %run_scoped3A_232 = tpu.sem_alloc : memref<!tpu.dma_semaphore, #tpu.memory_space<semaphore_mem>>
        %dma_start3A_233 = arith.constant 0 : i32
        %dma_start3A_234 = arith.constant 0 : i32
        %dma_start3A_235 = tpu.memref_slice %arg6[%dma_start3A_233, %dma_start3A_234] : memref<32x128xi32, #tpu.memory_space<vmem>> -> memref<1x128xi32, #tpu.memory_space<vmem>>
        %dma_start3A_236 = arith.constant 0 : i32
        %dma_start3A_237 = tpu.memref_slice %arg2[%add3A_140, %dma_start3A_236] : memref<2500x128xi32, #tpu.memory_space<hbm>> -> memref<1x128xi32, #tpu.memory_space<hbm>>
        %dma_start3A_238 = arith.constant 0 : i32
        %dma_start3A_239 = arith.constant 0 : i32
        %dma_start3A_240 = tpu.memref_slice %arg6[%dma_start3A_238, %dma_start3A_239] : memref<32x128xi32, #tpu.memory_space<vmem>> -> memref<1x128xi32, #tpu.memory_space<vmem>>
        %dma_start3A_241 = arith.constant 0 : i32
        %dma_start3A_242 = tpu.memref_slice %arg2[%add3A_140, %dma_start3A_241] : memref<2500x128xi32, #tpu.memory_space<hbm>> -> memref<1x128xi32, #tpu.memory_space<hbm>>
        tpu.enqueue_dma source(%dma_start3A_242 : memref<1x128xi32, #tpu.memory_space<hbm>>) target(%dma_start3A_240 : memref<1x128xi32, #tpu.memory_space<vmem>>) target_semaphore(%run_scoped3A_232 : memref<!tpu.dma_semaphore, #tpu.memory_space<semaphore_mem>>)
        %dma_wait3A_243 = arith.constant 0 : i32
        %dma_wait3A_244 = arith.constant 0 : i32
        %dma_wait3A_245 = tpu.memref_slice %arg6[%dma_wait3A_243, %dma_wait3A_244] : memref<32x128xi32, #tpu.memory_space<vmem>> -> memref<1x128xi32, #tpu.memory_space<vmem>>
        %dma_wait3A_246 = arith.constant 0 : i32
        %dma_wait3A_247 = tpu.memref_slice %arg2[%add3A_140, %dma_wait3A_246] : memref<2500x128xi32, #tpu.memory_space<hbm>> -> memref<1x128xi32, #tpu.memory_space<hbm>>
        %dma_wait3A_248 = arith.constant 0 : i32
        %dma_wait3A_249 = arith.constant 0 : i32
        %dma_wait3A_250 = tpu.memref_slice %arg6[%dma_wait3A_248, %dma_wait3A_249] : memref<32x128xi32, #tpu.memory_space<vmem>> -> memref<1x128xi32, #tpu.memory_space<vmem>>
        %dma_wait3A_251 = arith.constant 0 : i32
        %dma_wait3A_252 = tpu.memref_slice %arg2[%add3A_140, %dma_wait3A_251] : memref<2500x128xi32, #tpu.memory_space<hbm>> -> memref<1x128xi32, #tpu.memory_space<hbm>>
        tpu.wait_dma2 semaphore(%run_scoped3A_232 : memref<!tpu.dma_semaphore, #tpu.memory_space<semaphore_mem>>) src(%dma_wait3A_252 : memref<1x128xi32, #tpu.memory_space<hbm>>) dst(%dma_wait3A_250 : memref<1x128xi32, #tpu.memory_space<vmem>>)
        tpu.yield
      }) : () -> ()
      %mul3A_141 = arith.constant 128 : i32
      %mul3A_142 = arith.muli %add3A_140, %mul3A_141 : i32
      "tpu.region"() ({
        %run_scoped3A_232 = tpu.sem_alloc : memref<!tpu.dma_semaphore, #tpu.memory_space<semaphore_mem>>
        %dma_start3A_233 = arith.constant 0 : i32
        %dma_start3A_234 = arith.constant 0 : i32
        %dma_start3A_235 = tpu.memref_slice %arg7[%dma_start3A_233, %dma_start3A_234] : memref<4096x16xf32, #tpu.memory_space<vmem>> -> memref<128x16xf32, #tpu.memory_space<vmem>>
        %dma_start3A_236 = arith.constant 0 : i32
        %dma_start3A_237 = tpu.memref_slice %arg3[%mul3A_142, %dma_start3A_236] : memref<320000x16xf32, #tpu.memory_space<hbm>> -> memref<128x16xf32, #tpu.memory_space<hbm>>
        %dma_start3A_238 = arith.constant 0 : i32
        %dma_start3A_239 = arith.constant 0 : i32
        %dma_start3A_240 = tpu.memref_slice %arg7[%dma_start3A_238, %dma_start3A_239] : memref<4096x16xf32, #tpu.memory_space<vmem>> -> memref<128x16xf32, #tpu.memory_space<vmem>>
        %dma_start3A_241 = arith.constant 0 : i32
        %dma_start3A_242 = tpu.memref_slice %arg3[%mul3A_142, %dma_start3A_241] : memref<320000x16xf32, #tpu.memory_space<hbm>> -> memref<128x16xf32, #tpu.memory_space<hbm>>
        tpu.enqueue_dma source(%dma_start3A_242 : memref<128x16xf32, #tpu.memory_space<hbm>>) target(%dma_start3A_240 : memref<128x16xf32, #tpu.memory_space<vmem>>) target_semaphore(%run_scoped3A_232 : memref<!tpu.dma_semaphore, #tpu.memory_space<semaphore_mem>>)
        %dma_wait3A_243 = arith.constant 0 : i32
        %dma_wait3A_244 = arith.constant 0 : i32
        %dma_wait3A_245 = tpu.memref_slice %arg7[%dma_wait3A_243, %dma_wait3A_244] : memref<4096x16xf32, #tpu.memory_space<vmem>> -> memref<128x16xf32, #tpu.memory_space<vmem>>
        %dma_wait3A_246 = arith.constant 0 : i32
        %dma_wait3A_247 = tpu.memref_slice %arg3[%mul3A_142, %dma_wait3A_246] : memref<320000x16xf32, #tpu.memory_space<hbm>> -> memref<128x16xf32, #tpu.memory_space<hbm>>
        %dma_wait3A_248 = arith.constant 0 : i32
        %dma_wait3A_249 = arith.constant 0 : i32
        %dma_wait3A_250 = tpu.memref_slice %arg7[%dma_wait3A_248, %dma_wait3A_249] : memref<4096x16xf32, #tpu.memory_space<vmem>> -> memref<128x16xf32, #tpu.memory_space<vmem>>
        %dma_wait3A_251 = arith.constant 0 : i32
        %dma_wait3A_252 = tpu.memref_slice %arg3[%mul3A_142, %dma_wait3A_251] : memref<320000x16xf32, #tpu.memory_space<hbm>> -> memref<128x16xf32, #tpu.memory_space<hbm>>
        tpu.wait_dma2 semaphore(%run_scoped3A_232 : memref<!tpu.dma_semaphore, #tpu.memory_space<semaphore_mem>>) src(%dma_wait3A_252 : memref<128x16xf32, #tpu.memory_space<hbm>>) dst(%dma_wait3A_250 : memref<128x16xf32, #tpu.memory_space<vmem>>)
        tpu.yield
      }) : () -> ()
      %scan3A_143 = arith.constant 0 : i32
      %scan3A_144 = arith.constant 0 : i32
      %mul3A_145 = arith.constant 128 : i32
      %mul3A_146 = arith.muli %scan3A_144, %mul3A_145 : i32
      %dma_start3A = arith.constant 0 : i32
      %dma_start3A_147 = tpu.memref_slice %arg7[%mul3A_146, %dma_start3A] : memref<4096x16xf32, #tpu.memory_space<vmem>> -> memref<128x16xf32, #tpu.memory_space<vmem>>
      %dma_start3A_148 = arith.constant 0 : i32
      %dma_start3A_149 = tpu.memref_slice %arg6[%scan3A_144, %dma_start3A_148] : memref<32x128xi32, #tpu.memory_space<vmem>> -> memref<1x128xi32, #tpu.memory_space<vmem>>
      %dma_start3A_150 = tpu.memref_squeeze %dma_start3A_149 : memref<1x128xi32, #tpu.memory_space<vmem>> -> memref<128xi32, #tpu.memory_space<vmem>>
      %dma_start3A_151 = arith.constant 0 : i32
      %dma_start3A_152 = arith.constant 0 : i32
      %dma_start3A_153 = tpu.memref_slice %arg12[%dma_start3A_151, %dma_start3A_152] : memref<10240x16xf32, #tpu.memory_space<vmem_shared>> -> memref<10240x16xf32, #tpu.memory_space<vmem_shared>>
      tpu.enqueue_indirect_dma source(%dma_start3A_147 : memref<128x16xf32, #tpu.memory_space<vmem>>) target(%dma_start3A_153 : memref<10240x16xf32, #tpu.memory_space<vmem_shared>>) offsets(%dma_start3A_150 : memref<128xi32, #tpu.memory_space<vmem>>) semaphore(%arg14 : memref<!tpu.dma_semaphore, #tpu.memory_space<semaphore_mem>>) {add = true}
      %scan3A_154 = arith.constant 1 : i32
      %scan3A_155 = arith.constant 0 : i32
      %scan3A_156 = arith.constant 0 : i32
      %get3A = arith.index_cast %scan3A_156 : i32 to index
      %get3A_157 = arith.constant 0 : index
      %get3A_158 = tpu.vector_load %arg6[%get3A, %get3A_157] {strides = array<i32>} : memref<32x128xi32, #tpu.memory_space<vmem>>, vector<16xi32>,
      %broadcast_in_dim3A_159 = arith.constant true
      %broadcast_in_dim3A_160 = vector.broadcast %broadcast_in_dim3A_159 : i1 to vector<16xi1>
      %unique3A, %unique3A_161 = tpu.scan_count mask(%broadcast_in_dim3A_160 : vector<16xi1>) value(%get3A_158 : vector<16xi32>) : vector<16xi1>, vector<16xi32>
      %convert_element_type3A_162 = arith.sitofp %unique3A_161 : vector<16xi32> to vector<16xf32>
      tpu.vector_store_idx %arg8[%get3A_158], %convert_element_type3A_162 masked %unique3A {add = true} : memref<10240xf32, #tpu.memory_space<vmem>>[vector<16xi32>], vector<16xf32>, vector<16xi1>
      %get3A_163 = arith.index_cast %scan3A_156 : i32 to index
      %get3A_164 = arith.constant 16 : index
      %get3A_165 = tpu.vector_load %arg6[%get3A_163, %get3A_164] {strides = array<i32>} : memref<32x128xi32, #tpu.memory_space<vmem>>, vector<16xi32>,
      %broadcast_in_dim3A_166 = arith.constant true
      %broadcast_in_dim3A_167 = vector.broadcast %broadcast_in_dim3A_166 : i1 to vector<16xi1>
      %unique3A_168, %unique3A_169 = tpu.scan_count mask(%broadcast_in_dim3A_167 : vector<16xi1>) value(%get3A_165 : vector<16xi32>) : vector<16xi1>, vector<16xi32>
      %convert_element_type3A_170 = arith.sitofp %unique3A_169 : vector<16xi32> to vector<16xf32>
      tpu.vector_store_idx %arg8[%get3A_165], %convert_element_type3A_170 masked %unique3A_168 {add = true} : memref<10240xf32, #tpu.memory_space<vmem>>[vector<16xi32>], vector<16xf32>, vector<16xi1>
      %get3A_171 = arith.index_cast %scan3A_156 : i32 to index
      %get3A_172 = arith.constant 32 : index
      %get3A_173 = tpu.vector_load %arg6[%get3A_171, %get3A_172] {strides = array<i32>} : memref<32x128xi32, #tpu.memory_space<vmem>>, vector<16xi32>,
      %broadcast_in_dim3A_174 = arith.constant true
      %broadcast_in_dim3A_175 = vector.broadcast %broadcast_in_dim3A_174 : i1 to vector<16xi1>
      %unique3A_176, %unique3A_177 = tpu.scan_count mask(%broadcast_in_dim3A_175 : vector<16xi1>) value(%get3A_173 : vector<16xi32>) : vector<16xi1>, vector<16xi32>
      %convert_element_type3A_178 = arith.sitofp %unique3A_177 : vector<16xi32> to vector<16xf32>
      tpu.vector_store_idx %arg8[%get3A_173], %convert_element_type3A_178 masked %unique3A_176 {add = true} : memref<10240xf32, #tpu.memory_space<vmem>>[vector<16xi32>], vector<16xf32>, vector<16xi1>
      %get3A_179 = arith.index_cast %scan3A_156 : i32 to index
      %get3A_180 = arith.constant 48 : index
      %get3A_181 = tpu.vector_load %arg6[%get3A_179, %get3A_180] {strides = array<i32>} : memref<32x128xi32, #tpu.memory_space<vmem>>, vector<16xi32>,
      %broadcast_in_dim3A_182 = arith.constant true
      %broadcast_in_dim3A_183 = vector.broadcast %broadcast_in_dim3A_182 : i1 to vector<16xi1>
      %unique3A_184, %unique3A_185 = tpu.scan_count mask(%broadcast_in_dim3A_183 : vector<16xi1>) value(%get3A_181 : vector<16xi32>) : vector<16xi1>, vector<16xi32>
      %convert_element_type3A_186 = arith.sitofp %unique3A_185 : vector<16xi32> to vector<16xf32>
      tpu.vector_store_idx %arg8[%get3A_181], %convert_element_type3A_186 masked %unique3A_184 {add = true} : memref<10240xf32, #tpu.memory_space<vmem>>[vector<16xi32>], vector<16xf32>, vector<16xi1>
      %get3A_187 = arith.index_cast %scan3A_156 : i32 to index
      %get3A_188 = arith.constant 64 : index
      %get3A_189 = tpu.vector_load %arg6[%get3A_187, %get3A_188] {strides = array<i32>} : memref<32x128xi32, #tpu.memory_space<vmem>>, vector<16xi32>,
      %broadcast_in_dim3A_190 = arith.constant true
      %broadcast_in_dim3A_191 = vector.broadcast %broadcast_in_dim3A_190 : i1 to vector<16xi1>
      %unique3A_192, %unique3A_193 = tpu.scan_count mask(%broadcast_in_dim3A_191 : vector<16xi1>) value(%get3A_189 : vector<16xi32>) : vector<16xi1>, vector<16xi32>
      %convert_element_type3A_194 = arith.sitofp %unique3A_193 : vector<16xi32> to vector<16xf32>
      tpu.vector_store_idx %arg8[%get3A_189], %convert_element_type3A_194 masked %unique3A_192 {add = true} : memref<10240xf32, #tpu.memory_space<vmem>>[vector<16xi32>], vector<16xf32>, vector<16xi1>
      %get3A_195 = arith.index_cast %scan3A_156 : i32 to index
      %get3A_196 = arith.constant 80 : index
      %get3A_197 = tpu.vector_load %arg6[%get3A_195, %get3A_196] {strides = array<i32>} : memref<32x128xi32, #tpu.memory_space<vmem>>, vector<16xi32>,
      %broadcast_in_dim3A_198 = arith.constant true
      %broadcast_in_dim3A_199 = vector.broadcast %broadcast_in_dim3A_198 : i1 to vector<16xi1>
      %unique3A_200, %unique3A_201 = tpu.scan_count mask(%broadcast_in_dim3A_199 : vector<16xi1>) value(%get3A_197 : vector<16xi32>) : vector<16xi1>, vector<16xi32>
      %convert_element_type3A_202 = arith.sitofp %unique3A_201 : vector<16xi32> to vector<16xf32>
      tpu.vector_store_idx %arg8[%get3A_197], %convert_element_type3A_202 masked %unique3A_200 {add = true} : memref<10240xf32, #tpu.memory_space<vmem>>[vector<16xi32>], vector<16xf32>, vector<16xi1>
      %get3A_203 = arith.index_cast %scan3A_156 : i32 to index
      %get3A_204 = arith.constant 96 : index
      %get3A_205 = tpu.vector_load %arg6[%get3A_203, %get3A_204] {strides = array<i32>} : memref<32x128xi32, #tpu.memory_space<vmem>>, vector<16xi32>,
      %broadcast_in_dim3A_206 = arith.constant true
      %broadcast_in_dim3A_207 = vector.broadcast %broadcast_in_dim3A_206 : i1 to vector<16xi1>
      %unique3A_208, %unique3A_209 = tpu.scan_count mask(%broadcast_in_dim3A_207 : vector<16xi1>) value(%get3A_205 : vector<16xi32>) : vector<16xi1>, vector<16xi32>
      %convert_element_type3A_210 = arith.sitofp %unique3A_209 : vector<16xi32> to vector<16xf32>
      tpu.vector_store_idx %arg8[%get3A_205], %convert_element_type3A_210 masked %unique3A_208 {add = true} : memref<10240xf32, #tpu.memory_space<vmem>>[vector<16xi32>], vector<16xf32>, vector<16xi1>
      %get3A_211 = arith.index_cast %scan3A_156 : i32 to index
      %get3A_212 = arith.constant 112 : index
      %get3A_213 = tpu.vector_load %arg6[%get3A_211, %get3A_212] {strides = array<i32>} : memref<32x128xi32, #tpu.memory_space<vmem>>, vector<16xi32>,
      %broadcast_in_dim3A_214 = arith.constant true
      %broadcast_in_dim3A_215 = vector.broadcast %broadcast_in_dim3A_214 : i1 to vector<16xi1>
      %unique3A_216, %unique3A_217 = tpu.scan_count mask(%broadcast_in_dim3A_215 : vector<16xi1>) value(%get3A_213 : vector<16xi32>) : vector<16xi1>, vector<16xi32>
      %convert_element_type3A_218 = arith.sitofp %unique3A_217 : vector<16xi32> to vector<16xf32>
      tpu.vector_store_idx %arg8[%get3A_213], %convert_element_type3A_218 masked %unique3A_216 {add = true} : memref<10240xf32, #tpu.memory_space<vmem>>[vector<16xi32>], vector<16xf32>, vector<16xi1>
      %scan3A_219 = arith.constant 1 : i32
      %dma_wait3A_220 = arith.constant 0 : i32
      %dma_wait3A_221 = arith.constant 0 : i32
      %dma_wait3A_222 = tpu.memref_slice %arg7[%dma_wait3A_220, %dma_wait3A_221] : memref<4096x16xf32, #tpu.memory_space<vmem>> -> memref<128x16xf32, #tpu.memory_space<vmem>>
      %dma_wait3A_223 = arith.constant 0 : i32
      %dma_wait3A_224 = arith.constant 0 : i32
      %dma_wait3A_225 = tpu.memref_slice %arg3[%dma_wait3A_223, %dma_wait3A_224] : memref<320000x16xf32, #tpu.memory_space<hbm>> -> memref<128x16xf32, #tpu.memory_space<hbm>>
      %dma_wait3A_226 = arith.constant 0 : i32
      %dma_wait3A_227 = arith.constant 0 : i32
      %dma_wait3A_228 = tpu.memref_slice %arg7[%dma_wait3A_226, %dma_wait3A_227] : memref<4096x16xf32, #tpu.memory_space<vmem>> -> memref<128x16xf32, #tpu.memory_space<vmem>>
      %dma_wait3A_229 = arith.constant 0 : i32
      %dma_wait3A_230 = arith.constant 0 : i32
      %dma_wait3A_231 = tpu.memref_slice %arg3[%dma_wait3A_229, %dma_wait3A_230] : memref<320000x16xf32, #tpu.memory_space<hbm>> -> memref<128x16xf32, #tpu.memory_space<hbm>>
      tpu.wait_dma2 semaphore(%arg14 : memref<!tpu.dma_semaphore, #tpu.memory_space<semaphore_mem>>) src(%dma_wait3A_231 : memref<128x16xf32, #tpu.memory_space<hbm>>) dst(%dma_wait3A_228 : memref<128x16xf32, #tpu.memory_space<vmem>>)
    } else {
    }
    %barrier3A_54 = arith.constant 0 : index
    tpu.barrier barrier_id(%barrier3A_54)
    "tpu.region"() ({
      %run_scoped3A_139 = tpu.sem_alloc : memref<!tpu.dma_semaphore, #tpu.memory_space<semaphore_mem>>
      %dma_start3A = arith.constant 0 : i32
      %dma_start3A_140 = tpu.memref_slice %arg13[%arg1, %dma_start3A] : memref<16x10240xf32, #tpu.memory_space<vmem_shared>> -> memref<1x10240xf32, #tpu.memory_space<vmem_shared>>
      %dma_start3A_141 = tpu.memref_squeeze %dma_start3A_140 : memref<1x10240xf32, #tpu.memory_space<vmem_shared>> -> memref<10240xf32, #tpu.memory_space<vmem_shared>>
      %dma_start3A_142 = arith.constant 0 : i32
      %dma_start3A_143 = tpu.memref_slice %arg13[%arg1, %dma_start3A_142] : memref<16x10240xf32, #tpu.memory_space<vmem_shared>> -> memref<1x10240xf32, #tpu.memory_space<vmem_shared>>
      %dma_start3A_144 = tpu.memref_squeeze %dma_start3A_143 : memref<1x10240xf32, #tpu.memory_space<vmem_shared>> -> memref<10240xf32, #tpu.memory_space<vmem_shared>>
      tpu.enqueue_dma source(%arg8 : memref<10240xf32, #tpu.memory_space<vmem>>) target(%dma_start3A_144 : memref<10240xf32, #tpu.memory_space<vmem_shared>>) target_semaphore(%run_scoped3A_139 : memref<!tpu.dma_semaphore, #tpu.memory_space<semaphore_mem>>)
      %dma_wait3A_145 = arith.constant 0 : i32
      %dma_wait3A_146 = tpu.memref_slice %arg13[%arg1, %dma_wait3A_145] : memref<16x10240xf32, #tpu.memory_space<vmem_shared>> -> memref<1x10240xf32, #tpu.memory_space<vmem_shared>>
      %dma_wait3A_147 = tpu.memref_squeeze %dma_wait3A_146 : memref<1x10240xf32, #tpu.memory_space<vmem_shared>> -> memref<10240xf32, #tpu.memory_space<vmem_shared>>
      %dma_wait3A_148 = arith.constant 0 : i32
      %dma_wait3A_149 = tpu.memref_slice %arg13[%arg1, %dma_wait3A_148] : memref<16x10240xf32, #tpu.memory_space<vmem_shared>> -> memref<1x10240xf32, #tpu.memory_space<vmem_shared>>
      %dma_wait3A_150 = tpu.memref_squeeze %dma_wait3A_149 : memref<1x10240xf32, #tpu.memory_space<vmem_shared>> -> memref<10240xf32, #tpu.memory_space<vmem_shared>>
      tpu.wait_dma2 semaphore(%run_scoped3A_139 : memref<!tpu.dma_semaphore, #tpu.memory_space<semaphore_mem>>) src(%arg8 : memref<10240xf32, #tpu.memory_space<vmem>>) dst(%dma_wait3A_150 : memref<10240xf32, #tpu.memory_space<vmem_shared>>)
      tpu.yield
    }) : () -> ()
    %barrier3A_55 = arith.constant 0 : index
    tpu.barrier barrier_id(%barrier3A_55)
    %mul3A_56 = arith.constant 640 : i32
    %mul3A_57 = arith.muli %arg1, %mul3A_56 : i32
    %run_scoped3A = arith.constant 0 : i32
    %run_scoped3A_58 = arith.constant 0 : i32
    "tpu.region"() ({
      %run_scoped3A_139 = tpu.sem_alloc : memref<!tpu.dma_semaphore, #tpu.memory_space<semaphore_mem>>
      %dma_start3A = arith.constant 0 : i32
      %dma_start3A_140 = tpu.memref_slice %arg9[%run_scoped3A_58, %dma_start3A] : memref<16x640xf32, #tpu.memory_space<vmem>> -> memref<1x640xf32, #tpu.memory_space<vmem>>
      %dma_start3A_141 = tpu.memref_squeeze %dma_start3A_140 : memref<1x640xf32, #tpu.memory_space<vmem>> -> memref<640xf32, #tpu.memory_space<vmem>>
      %dma_start3A_142 = arith.constant 0 : i32
      %dma_start3A_143 = tpu.memref_slice %arg13[%run_scoped3A, %dma_start3A_142] : memref<16x10240xf32, #tpu.memory_space<vmem_shared>> -> memref<1x10240xf32, #tpu.memory_space<vmem_shared>>
      %dma_start3A_144 = tpu.memref_squeeze %dma_start3A_143 : memref<1x10240xf32, #tpu.memory_space<vmem_shared>> -> memref<10240xf32, #tpu.memory_space<vmem_shared>>
      %dma_start3A_145 = tpu.memref_slice %dma_start3A_144[%mul3A_57] : memref<10240xf32, #tpu.memory_space<vmem_shared>> -> memref<640xf32, #tpu.memory_space<vmem_shared>>
      %dma_start3A_146 = arith.constant 0 : i32
      %dma_start3A_147 = tpu.memref_slice %arg9[%run_scoped3A_58, %dma_start3A_146] : memref<16x640xf32, #tpu.memory_space<vmem>> -> memref<1x640xf32, #tpu.memory_space<vmem>>
      %dma_start3A_148 = tpu.memref_squeeze %dma_start3A_147 : memref<1x640xf32, #tpu.memory_space<vmem>> -> memref<640xf32, #tpu.memory_space<vmem>>
      %dma_start3A_149 = arith.constant 0 : i32
      %dma_start3A_150 = tpu.memref_slice %arg13[%run_scoped3A, %dma_start3A_149] : memref<16x10240xf32, #tpu.memory_space<vmem_shared>> -> memref<1x10240xf32, #tpu.memory_space<vmem_shared>>
      %dma_start3A_151 = tpu.memref_squeeze %dma_start3A_150 : memref<1x10240xf32, #tpu.memory_space<vmem_shared>> -> memref<10240xf32, #tpu.memory_space<vmem_shared>>
      %dma_start3A_152 = tpu.memref_slice %dma_start3A_151[%mul3A_57] : memref<10240xf32, #tpu.memory_space<vmem_shared>> -> memref<640xf32, #tpu.memory_space<vmem_shared>>
      tpu.enqueue_dma source(%dma_start3A_152 : memref<640xf32, #tpu.memory_space<vmem_shared>>) target(%dma_start3A_148 : memref<640xf32, #tpu.memory_space<vmem>>) target_semaphore(%run_scoped3A_139 : memref<!tpu.dma_semaphore, #tpu.memory_space<semaphore_mem>>)
      %dma_wait3A_153 = arith.constant 0 : i32
      %dma_wait3A_154 = tpu.memref_slice %arg9[%run_scoped3A_58, %dma_wait3A_153] : memref<16x640xf32, #tpu.memory_space<vmem>> -> memref<1x640xf32, #tpu.memory_space<vmem>>
      %dma_wait3A_155 = tpu.memref_squeeze %dma_wait3A_154 : memref<1x640xf32, #tpu.memory_space<vmem>> -> memref<640xf32, #tpu.memory_space<vmem>>
      %dma_wait3A_156 = arith.constant 0 : i32
      %dma_wait3A_157 = tpu.memref_slice %arg13[%run_scoped3A, %dma_wait3A_156] : memref<16x10240xf32, #tpu.memory_space<vmem_shared>> -> memref<1x10240xf32, #tpu.memory_space<vmem_shared>>
      %dma_wait3A_158 = tpu.memref_squeeze %dma_wait3A_157 : memref<1x10240xf32, #tpu.memory_space<vmem_shared>> -> memref<10240xf32, #tpu.memory_space<vmem_shared>>
      %dma_wait3A_159 = tpu.memref_slice %dma_wait3A_158[%mul3A_57] : memref<10240xf32, #tpu.memory_space<vmem_shared>> -> memref<640xf32, #tpu.memory_space<vmem_shared>>
      %dma_wait3A_160 = arith.constant 0 : i32
      %dma_wait3A_161 = tpu.memref_slice %arg9[%run_scoped3A_58, %dma_wait3A_160] : memref<16x640xf32, #tpu.memory_space<vmem>> -> memref<1x640xf32, #tpu.memory_space<vmem>>
      %dma_wait3A_162 = tpu.memref_squeeze %dma_wait3A_161 : memref<1x640xf32, #tpu.memory_space<vmem>> -> memref<640xf32, #tpu.memory_space<vmem>>
      %dma_wait3A_163 = arith.constant 0 : i32
      %dma_wait3A_164 = tpu.memref_slice %arg13[%run_scoped3A, %dma_wait3A_163] : memref<16x10240xf32, #tpu.memory_space<vmem_shared>> -> memref<1x10240xf32, #tpu.memory_space<vmem_shared>>
      %dma_wait3A_165 = tpu.memref_squeeze %dma_wait3A_164 : memref<1x10240xf32, #tpu.memory_space<vmem_shared>> -> memref<10240xf32, #tpu.memory_space<vmem_shared>>
      %dma_wait3A_166 = tpu.memref_slice %dma_wait3A_165[%mul3A_57] : memref<10240xf32, #tpu.memory_space<vmem_shared>> -> memref<640xf32, #tpu.memory_space<vmem_shared>>
      tpu.wait_dma2 semaphore(%run_scoped3A_139 : memref<!tpu.dma_semaphore, #tpu.memory_space<semaphore_mem>>) src(%dma_wait3A_166 : memref<640xf32, #tpu.memory_space<vmem_shared>>) dst(%dma_wait3A_162 : memref<640xf32, #tpu.memory_space<vmem>>)
      tpu.yield
    }) : () -> ()
    %mul3A_59 = arith.constant 640 : i32
    %mul3A_60 = arith.muli %arg1, %mul3A_59 : i32
    %run_scoped3A_61 = arith.constant 1 : i32
    %run_scoped3A_62 = arith.constant 1 : i32
    "tpu.region"() ({
      %run_scoped3A_139 = tpu.sem_alloc : memref<!tpu.dma_semaphore, #tpu.memory_space<semaphore_mem>>
      %dma_start3A = arith.constant 0 : i32
      %dma_start3A_140 = tpu.memref_slice %arg9[%run_scoped3A_62, %dma_start3A] : memref<16x640xf32, #tpu.memory_space<vmem>> -> memref<1x640xf32, #tpu.memory_space<vmem>>
      %dma_start3A_141 = tpu.memref_squeeze %dma_start3A_140 : memref<1x640xf32, #tpu.memory_space<vmem>> -> memref<640xf32, #tpu.memory_space<vmem>>
      %dma_start3A_142 = arith.constant 0 : i32
      %dma_start3A_143 = tpu.memref_slice %arg13[%run_scoped3A_61, %dma_start3A_142] : memref<16x10240xf32, #tpu.memory_space<vmem_shared>> -> memref<1x10240xf32, #tpu.memory_space<vmem_shared>>
      %dma_start3A_144 = tpu.memref_squeeze %dma_start3A_143 : memref<1x10240xf32, #tpu.memory_space<vmem_shared>> -> memref<10240xf32, #tpu.memory_space<vmem_shared>>
      %dma_start3A_145 = tpu.memref_slice %dma_start3A_144[%mul3A_60] : memref<10240xf32, #tpu.memory_space<vmem_shared>> -> memref<640xf32, #tpu.memory_space<vmem_shared>>
      %dma_start3A_146 = arith.constant 0 : i32
      %dma_start3A_147 = tpu.memref_slice %arg9[%run_scoped3A_62, %dma_start3A_146] : memref<16x640xf32, #tpu.memory_space<vmem>> -> memref<1x640xf32, #tpu.memory_space<vmem>>
      %dma_start3A_148 = tpu.memref_squeeze %dma_start3A_147 : memref<1x640xf32, #tpu.memory_space<vmem>> -> memref<640xf32, #tpu.memory_space<vmem>>
      %dma_start3A_149 = arith.constant 0 : i32
      %dma_start3A_150 = tpu.memref_slice %arg13[%run_scoped3A_61, %dma_start3A_149] : memref<16x10240xf32, #tpu.memory_space<vmem_shared>> -> memref<1x10240xf32, #tpu.memory_space<vmem_shared>>
      %dma_start3A_151 = tpu.memref_squeeze %dma_start3A_150 : memref<1x10240xf32, #tpu.memory_space<vmem_shared>> -> memref<10240xf32, #tpu.memory_space<vmem_shared>>
      %dma_start3A_152 = tpu.memref_slice %dma_start3A_151[%mul3A_60] : memref<10240xf32, #tpu.memory_space<vmem_shared>> -> memref<640xf32, #tpu.memory_space<vmem_shared>>
      tpu.enqueue_dma source(%dma_start3A_152 : memref<640xf32, #tpu.memory_space<vmem_shared>>) target(%dma_start3A_148 : memref<640xf32, #tpu.memory_space<vmem>>) target_semaphore(%run_scoped3A_139 : memref<!tpu.dma_semaphore, #tpu.memory_space<semaphore_mem>>)
      %dma_wait3A_153 = arith.constant 0 : i32
      %dma_wait3A_154 = tpu.memref_slice %arg9[%run_scoped3A_62, %dma_wait3A_153] : memref<16x640xf32, #tpu.memory_space<vmem>> -> memref<1x640xf32, #tpu.memory_space<vmem>>
      %dma_wait3A_155 = tpu.memref_squeeze %dma_wait3A_154 : memref<1x640xf32, #tpu.memory_space<vmem>> -> memref<640xf32, #tpu.memory_space<vmem>>
      %dma_wait3A_156 = arith.constant 0 : i32
      %dma_wait3A_157 = tpu.memref_slice %arg13[%run_scoped3A_61, %dma_wait3A_156] : memref<16x10240xf32, #tpu.memory_space<vmem_shared>> -> memref<1x10240xf32, #tpu.memory_space<vmem_shared>>
      %dma_wait3A_158 = tpu.memref_squeeze %dma_wait3A_157 : memref<1x10240xf32, #tpu.memory_space<vmem_shared>> -> memref<10240xf32, #tpu.memory_space<vmem_shared>>
      %dma_wait3A_159 = tpu.memref_slice %dma_wait3A_158[%mul3A_60] : memref<10240xf32, #tpu.memory_space<vmem_shared>> -> memref<640xf32, #tpu.memory_space<vmem_shared>>
      %dma_wait3A_160 = arith.constant 0 : i32
      %dma_wait3A_161 = tpu.memref_slice %arg9[%run_scoped3A_62, %dma_wait3A_160] : memref<16x640xf32, #tpu.memory_space<vmem>> -> memref<1x640xf32, #tpu.memory_space<vmem>>
      %dma_wait3A_162 = tpu.memref_squeeze %dma_wait3A_161 : memref<1x640xf32, #tpu.memory_space<vmem>> -> memref<640xf32, #tpu.memory_space<vmem>>
      %dma_wait3A_163 = arith.constant 0 : i32
      %dma_wait3A_164 = tpu.memref_slice %arg13[%run_scoped3A_61, %dma_wait3A_163] : memref<16x10240xf32, #tpu.memory_space<vmem_shared>> -> memref<1x10240xf32, #tpu.memory_space<vmem_shared>>
      %dma_wait3A_165 = tpu.memref_squeeze %dma_wait3A_164 : memref<1x10240xf32, #tpu.memory_space<vmem_shared>> -> memref<10240xf32, #tpu.memory_space<vmem_shared>>
      %dma_wait3A_166 = tpu.memref_slice %dma_wait3A_165[%mul3A_60] : memref<10240xf32, #tpu.memory_space<vmem_shared>> -> memref<640xf32, #tpu.memory_space<vmem_shared>>
      tpu.wait_dma2 semaphore(%run_scoped3A_139 : memref<!tpu.dma_semaphore, #tpu.memory_space<semaphore_mem>>) src(%dma_wait3A_166 : memref<640xf32, #tpu.memory_space<vmem_shared>>) dst(%dma_wait3A_162 : memref<640xf32, #tpu.memory_space<vmem>>)
      tpu.yield
    }) : () -> ()
    %mul3A_63 = arith.constant 640 : i32
    %mul3A_64 = arith.muli %arg1, %mul3A_63 : i32
    %run_scoped3A_65 = arith.constant 2 : i32
    %run_scoped3A_66 = arith.constant 2 : i32
    "tpu.region"() ({
      %run_scoped3A_139 = tpu.sem_alloc : memref<!tpu.dma_semaphore, #tpu.memory_space<semaphore_mem>>
      %dma_start3A = arith.constant 0 : i32
      %dma_start3A_140 = tpu.memref_slice %arg9[%run_scoped3A_66, %dma_start3A] : memref<16x640xf32, #tpu.memory_space<vmem>> -> memref<1x640xf32, #tpu.memory_space<vmem>>
      %dma_start3A_141 = tpu.memref_squeeze %dma_start3A_140 : memref<1x640xf32, #tpu.memory_space<vmem>> -> memref<640xf32, #tpu.memory_space<vmem>>
      %dma_start3A_142 = arith.constant 0 : i32
      %dma_start3A_143 = tpu.memref_slice %arg13[%run_scoped3A_65, %dma_start3A_142] : memref<16x10240xf32, #tpu.memory_space<vmem_shared>> -> memref<1x10240xf32, #tpu.memory_space<vmem_shared>>
      %dma_start3A_144 = tpu.memref_squeeze %dma_start3A_143 : memref<1x10240xf32, #tpu.memory_space<vmem_shared>> -> memref<10240xf32, #tpu.memory_space<vmem_shared>>
      %dma_start3A_145 = tpu.memref_slice %dma_start3A_144[%mul3A_64] : memref<10240xf32, #tpu.memory_space<vmem_shared>> -> memref<640xf32, #tpu.memory_space<vmem_shared>>
      %dma_start3A_146 = arith.constant 0 : i32
      %dma_start3A_147 = tpu.memref_slice %arg9[%run_scoped3A_66, %dma_start3A_146] : memref<16x640xf32, #tpu.memory_space<vmem>> -> memref<1x640xf32, #tpu.memory_space<vmem>>
      %dma_start3A_148 = tpu.memref_squeeze %dma_start3A_147 : memref<1x640xf32, #tpu.memory_space<vmem>> -> memref<640xf32, #tpu.memory_space<vmem>>
      %dma_start3A_149 = arith.constant 0 : i32
      %dma_start3A_150 = tpu.memref_slice %arg13[%run_scoped3A_65, %dma_start3A_149] : memref<16x10240xf32, #tpu.memory_space<vmem_shared>> -> memref<1x10240xf32, #tpu.memory_space<vmem_shared>>
      %dma_start3A_151 = tpu.memref_squeeze %dma_start3A_150 : memref<1x10240xf32, #tpu.memory_space<vmem_shared>> -> memref<10240xf32, #tpu.memory_space<vmem_shared>>
      %dma_start3A_152 = tpu.memref_slice %dma_start3A_151[%mul3A_64] : memref<10240xf32, #tpu.memory_space<vmem_shared>> -> memref<640xf32, #tpu.memory_space<vmem_shared>>
      tpu.enqueue_dma source(%dma_start3A_152 : memref<640xf32, #tpu.memory_space<vmem_shared>>) target(%dma_start3A_148 : memref<640xf32, #tpu.memory_space<vmem>>) target_semaphore(%run_scoped3A_139 : memref<!tpu.dma_semaphore, #tpu.memory_space<semaphore_mem>>)
      %dma_wait3A_153 = arith.constant 0 : i32
      %dma_wait3A_154 = tpu.memref_slice %arg9[%run_scoped3A_66, %dma_wait3A_153] : memref<16x640xf32, #tpu.memory_space<vmem>> -> memref<1x640xf32, #tpu.memory_space<vmem>>
      %dma_wait3A_155 = tpu.memref_squeeze %dma_wait3A_154 : memref<1x640xf32, #tpu.memory_space<vmem>> -> memref<640xf32, #tpu.memory_space<vmem>>
      %dma_wait3A_156 = arith.constant 0 : i32
      %dma_wait3A_157 = tpu.memref_slice %arg13[%run_scoped3A_65, %dma_wait3A_156] : memref<16x10240xf32, #tpu.memory_space<vmem_shared>> -> memref<1x10240xf32, #tpu.memory_space<vmem_shared>>
      %dma_wait3A_158 = tpu.memref_squeeze %dma_wait3A_157 : memref<1x10240xf32, #tpu.memory_space<vmem_shared>> -> memref<10240xf32, #tpu.memory_space<vmem_shared>>
      %dma_wait3A_159 = tpu.memref_slice %dma_wait3A_158[%mul3A_64] : memref<10240xf32, #tpu.memory_space<vmem_shared>> -> memref<640xf32, #tpu.memory_space<vmem_shared>>
      %dma_wait3A_160 = arith.constant 0 : i32
      %dma_wait3A_161 = tpu.memref_slice %arg9[%run_scoped3A_66, %dma_wait3A_160] : memref<16x640xf32, #tpu.memory_space<vmem>> -> memref<1x640xf32, #tpu.memory_space<vmem>>
      %dma_wait3A_162 = tpu.memref_squeeze %dma_wait3A_161 : memref<1x640xf32, #tpu.memory_space<vmem>> -> memref<640xf32, #tpu.memory_space<vmem>>
      %dma_wait3A_163 = arith.constant 0 : i32
      %dma_wait3A_164 = tpu.memref_slice %arg13[%run_scoped3A_65, %dma_wait3A_163] : memref<16x10240xf32, #tpu.memory_space<vmem_shared>> -> memref<1x10240xf32, #tpu.memory_space<vmem_shared>>
      %dma_wait3A_165 = tpu.memref_squeeze %dma_wait3A_164 : memref<1x10240xf32, #tpu.memory_space<vmem_shared>> -> memref<10240xf32, #tpu.memory_space<vmem_shared>>
      %dma_wait3A_166 = tpu.memref_slice %dma_wait3A_165[%mul3A_64] : memref<10240xf32, #tpu.memory_space<vmem_shared>> -> memref<640xf32, #tpu.memory_space<vmem_shared>>
      tpu.wait_dma2 semaphore(%run_scoped3A_139 : memref<!tpu.dma_semaphore, #tpu.memory_space<semaphore_mem>>) src(%dma_wait3A_166 : memref<640xf32, #tpu.memory_space<vmem_shared>>) dst(%dma_wait3A_162 : memref<640xf32, #tpu.memory_space<vmem>>)
      tpu.yield
    }) : () -> ()
    %mul3A_67 = arith.constant 640 : i32
    %mul3A_68 = arith.muli %arg1, %mul3A_67 : i32
    %run_scoped3A_69 = arith.constant 3 : i32
    %run_scoped3A_70 = arith.constant 3 : i32
    "tpu.region"() ({
      %run_scoped3A_139 = tpu.sem_alloc : memref<!tpu.dma_semaphore, #tpu.memory_space<semaphore_mem>>
      %dma_start3A = arith.constant 0 : i32
      %dma_start3A_140 = tpu.memref_slice %arg9[%run_scoped3A_70, %dma_start3A] : memref<16x640xf32, #tpu.memory_space<vmem>> -> memref<1x640xf32, #tpu.memory_space<vmem>>
      %dma_start3A_141 = tpu.memref_squeeze %dma_start3A_140 : memref<1x640xf32, #tpu.memory_space<vmem>> -> memref<640xf32, #tpu.memory_space<vmem>>
      %dma_start3A_142 = arith.constant 0 : i32
      %dma_start3A_143 = tpu.memref_slice %arg13[%run_scoped3A_69, %dma_start3A_142] : memref<16x10240xf32, #tpu.memory_space<vmem_shared>> -> memref<1x10240xf32, #tpu.memory_space<vmem_shared>>
      %dma_start3A_144 = tpu.memref_squeeze %dma_start3A_143 : memref<1x10240xf32, #tpu.memory_space<vmem_shared>> -> memref<10240xf32, #tpu.memory_space<vmem_shared>>
      %dma_start3A_145 = tpu.memref_slice %dma_start3A_144[%mul3A_68] : memref<10240xf32, #tpu.memory_space<vmem_shared>> -> memref<640xf32, #tpu.memory_space<vmem_shared>>
      %dma_start3A_146 = arith.constant 0 : i32
      %dma_start3A_147 = tpu.memref_slice %arg9[%run_scoped3A_70, %dma_start3A_146] : memref<16x640xf32, #tpu.memory_space<vmem>> -> memref<1x640xf32, #tpu.memory_space<vmem>>
      %dma_start3A_148 = tpu.memref_squeeze %dma_start3A_147 : memref<1x640xf32, #tpu.memory_space<vmem>> -> memref<640xf32, #tpu.memory_space<vmem>>
      %dma_start3A_149 = arith.constant 0 : i32
      %dma_start3A_150 = tpu.memref_slice %arg13[%run_scoped3A_69, %dma_start3A_149] : memref<16x10240xf32, #tpu.memory_space<vmem_shared>> -> memref<1x10240xf32, #tpu.memory_space<vmem_shared>>
      %dma_start3A_151 = tpu.memref_squeeze %dma_start3A_150 : memref<1x10240xf32, #tpu.memory_space<vmem_shared>> -> memref<10240xf32, #tpu.memory_space<vmem_shared>>
      %dma_start3A_152 = tpu.memref_slice %dma_start3A_151[%mul3A_68] : memref<10240xf32, #tpu.memory_space<vmem_shared>> -> memref<640xf32, #tpu.memory_space<vmem_shared>>
      tpu.enqueue_dma source(%dma_start3A_152 : memref<640xf32, #tpu.memory_space<vmem_shared>>) target(%dma_start3A_148 : memref<640xf32, #tpu.memory_space<vmem>>) target_semaphore(%run_scoped3A_139 : memref<!tpu.dma_semaphore, #tpu.memory_space<semaphore_mem>>)
      %dma_wait3A_153 = arith.constant 0 : i32
      %dma_wait3A_154 = tpu.memref_slice %arg9[%run_scoped3A_70, %dma_wait3A_153] : memref<16x640xf32, #tpu.memory_space<vmem>> -> memref<1x640xf32, #tpu.memory_space<vmem>>
      %dma_wait3A_155 = tpu.memref_squeeze %dma_wait3A_154 : memref<1x640xf32, #tpu.memory_space<vmem>> -> memref<640xf32, #tpu.memory_space<vmem>>
      %dma_wait3A_156 = arith.constant 0 : i32
      %dma_wait3A_157 = tpu.memref_slice %arg13[%run_scoped3A_69, %dma_wait3A_156] : memref<16x10240xf32, #tpu.memory_space<vmem_shared>> -> memref<1x10240xf32, #tpu.memory_space<vmem_shared>>
      %dma_wait3A_158 = tpu.memref_squeeze %dma_wait3A_157 : memref<1x10240xf32, #tpu.memory_space<vmem_shared>> -> memref<10240xf32, #tpu.memory_space<vmem_shared>>
      %dma_wait3A_159 = tpu.memref_slice %dma_wait3A_158[%mul3A_68] : memref<10240xf32, #tpu.memory_space<vmem_shared>> -> memref<640xf32, #tpu.memory_space<vmem_shared>>
      %dma_wait3A_160 = arith.constant 0 : i32
      %dma_wait3A_161 = tpu.memref_slice %arg9[%run_scoped3A_70, %dma_wait3A_160] : memref<16x640xf32, #tpu.memory_space<vmem>> -> memref<1x640xf32, #tpu.memory_space<vmem>>
      %dma_wait3A_162 = tpu.memref_squeeze %dma_wait3A_161 : memref<1x640xf32, #tpu.memory_space<vmem>> -> memref<640xf32, #tpu.memory_space<vmem>>
      %dma_wait3A_163 = arith.constant 0 : i32
      %dma_wait3A_164 = tpu.memref_slice %arg13[%run_scoped3A_69, %dma_wait3A_163] : memref<16x10240xf32, #tpu.memory_space<vmem_shared>> -> memref<1x10240xf32, #tpu.memory_space<vmem_shared>>
      %dma_wait3A_165 = tpu.memref_squeeze %dma_wait3A_164 : memref<1x10240xf32, #tpu.memory_space<vmem_shared>> -> memref<10240xf32, #tpu.memory_space<vmem_shared>>
      %dma_wait3A_166 = tpu.memref_slice %dma_wait3A_165[%mul3A_68] : memref<10240xf32, #tpu.memory_space<vmem_shared>> -> memref<640xf32, #tpu.memory_space<vmem_shared>>
      tpu.wait_dma2 semaphore(%run_scoped3A_139 : memref<!tpu.dma_semaphore, #tpu.memory_space<semaphore_mem>>) src(%dma_wait3A_166 : memref<640xf32, #tpu.memory_space<vmem_shared>>) dst(%dma_wait3A_162 : memref<640xf32, #tpu.memory_space<vmem>>)
      tpu.yield
    }) : () -> ()
    %mul3A_71 = arith.constant 640 : i32
    %mul3A_72 = arith.muli %arg1, %mul3A_71 : i32
    %run_scoped3A_73 = arith.constant 4 : i32
    %run_scoped3A_74 = arith.constant 4 : i32
    "tpu.region"() ({
      %run_scoped3A_139 = tpu.sem_alloc : memref<!tpu.dma_semaphore, #tpu.memory_space<semaphore_mem>>
      %dma_start3A = arith.constant 0 : i32
      %dma_start3A_140 = tpu.memref_slice %arg9[%run_scoped3A_74, %dma_start3A] : memref<16x640xf32, #tpu.memory_space<vmem>> -> memref<1x640xf32, #tpu.memory_space<vmem>>
      %dma_start3A_141 = tpu.memref_squeeze %dma_start3A_140 : memref<1x640xf32, #tpu.memory_space<vmem>> -> memref<640xf32, #tpu.memory_space<vmem>>
      %dma_start3A_142 = arith.constant 0 : i32
      %dma_start3A_143 = tpu.memref_slice %arg13[%run_scoped3A_73, %dma_start3A_142] : memref<16x10240xf32, #tpu.memory_space<vmem_shared>> -> memref<1x10240xf32, #tpu.memory_space<vmem_shared>>
      %dma_start3A_144 = tpu.memref_squeeze %dma_start3A_143 : memref<1x10240xf32, #tpu.memory_space<vmem_shared>> -> memref<10240xf32, #tpu.memory_space<vmem_shared>>
      %dma_start3A_145 = tpu.memref_slice %dma_start3A_144[%mul3A_72] : memref<10240xf32, #tpu.memory_space<vmem_shared>> -> memref<640xf32, #tpu.memory_space<vmem_shared>>
      %dma_start3A_146 = arith.constant 0 : i32
      %dma_start3A_147 = tpu.memref_slice %arg9[%run_scoped3A_74, %dma_start3A_146] : memref<16x640xf32, #tpu.memory_space<vmem>> -> memref<1x640xf32, #tpu.memory_space<vmem>>
      %dma_start3A_148 = tpu.memref_squeeze %dma_start3A_147 : memref<1x640xf32, #tpu.memory_space<vmem>> -> memref<640xf32, #tpu.memory_space<vmem>>
      %dma_start3A_149 = arith.constant 0 : i32
      %dma_start3A_150 = tpu.memref_slice %arg13[%run_scoped3A_73, %dma_start3A_149] : memref<16x10240xf32, #tpu.memory_space<vmem_shared>> -> memref<1x10240xf32, #tpu.memory_space<vmem_shared>>
      %dma_start3A_151 = tpu.memref_squeeze %dma_start3A_150 : memref<1x10240xf32, #tpu.memory_space<vmem_shared>> -> memref<10240xf32, #tpu.memory_space<vmem_shared>>
      %dma_start3A_152 = tpu.memref_slice %dma_start3A_151[%mul3A_72] : memref<10240xf32, #tpu.memory_space<vmem_shared>> -> memref<640xf32, #tpu.memory_space<vmem_shared>>
      tpu.enqueue_dma source(%dma_start3A_152 : memref<640xf32, #tpu.memory_space<vmem_shared>>) target(%dma_start3A_148 : memref<640xf32, #tpu.memory_space<vmem>>) target_semaphore(%run_scoped3A_139 : memref<!tpu.dma_semaphore, #tpu.memory_space<semaphore_mem>>)
      %dma_wait3A_153 = arith.constant 0 : i32
      %dma_wait3A_154 = tpu.memref_slice %arg9[%run_scoped3A_74, %dma_wait3A_153] : memref<16x640xf32, #tpu.memory_space<vmem>> -> memref<1x640xf32, #tpu.memory_space<vmem>>
      %dma_wait3A_155 = tpu.memref_squeeze %dma_wait3A_154 : memref<1x640xf32, #tpu.memory_space<vmem>> -> memref<640xf32, #tpu.memory_space<vmem>>
      %dma_wait3A_156 = arith.constant 0 : i32
      %dma_wait3A_157 = tpu.memref_slice %arg13[%run_scoped3A_73, %dma_wait3A_156] : memref<16x10240xf32, #tpu.memory_space<vmem_shared>> -> memref<1x10240xf32, #tpu.memory_space<vmem_shared>>
      %dma_wait3A_158 = tpu.memref_squeeze %dma_wait3A_157 : memref<1x10240xf32, #tpu.memory_space<vmem_shared>> -> memref<10240xf32, #tpu.memory_space<vmem_shared>>
      %dma_wait3A_159 = tpu.memref_slice %dma_wait3A_158[%mul3A_72] : memref<10240xf32, #tpu.memory_space<vmem_shared>> -> memref<640xf32, #tpu.memory_space<vmem_shared>>
      %dma_wait3A_160 = arith.constant 0 : i32
      %dma_wait3A_161 = tpu.memref_slice %arg9[%run_scoped3A_74, %dma_wait3A_160] : memref<16x640xf32, #tpu.memory_space<vmem>> -> memref<1x640xf32, #tpu.memory_space<vmem>>
      %dma_wait3A_162 = tpu.memref_squeeze %dma_wait3A_161 : memref<1x640xf32, #tpu.memory_space<vmem>> -> memref<640xf32, #tpu.memory_space<vmem>>
      %dma_wait3A_163 = arith.constant 0 : i32
      %dma_wait3A_164 = tpu.memref_slice %arg13[%run_scoped3A_73, %dma_wait3A_163] : memref<16x10240xf32, #tpu.memory_space<vmem_shared>> -> memref<1x10240xf32, #tpu.memory_space<vmem_shared>>
      %dma_wait3A_165 = tpu.memref_squeeze %dma_wait3A_164 : memref<1x10240xf32, #tpu.memory_space<vmem_shared>> -> memref<10240xf32, #tpu.memory_space<vmem_shared>>
      %dma_wait3A_166 = tpu.memref_slice %dma_wait3A_165[%mul3A_72] : memref<10240xf32, #tpu.memory_space<vmem_shared>> -> memref<640xf32, #tpu.memory_space<vmem_shared>>
      tpu.wait_dma2 semaphore(%run_scoped3A_139 : memref<!tpu.dma_semaphore, #tpu.memory_space<semaphore_mem>>) src(%dma_wait3A_166 : memref<640xf32, #tpu.memory_space<vmem_shared>>) dst(%dma_wait3A_162 : memref<640xf32, #tpu.memory_space<vmem>>)
      tpu.yield
    }) : () -> ()
    %mul3A_75 = arith.constant 640 : i32
    %mul3A_76 = arith.muli %arg1, %mul3A_75 : i32
    %run_scoped3A_77 = arith.constant 5 : i32
    %run_scoped3A_78 = arith.constant 5 : i32
    "tpu.region"() ({
      %run_scoped3A_139 = tpu.sem_alloc : memref<!tpu.dma_semaphore, #tpu.memory_space<semaphore_mem>>
      %dma_start3A = arith.constant 0 : i32
      %dma_start3A_140 = tpu.memref_slice %arg9[%run_scoped3A_78, %dma_start3A] : memref<16x640xf32, #tpu.memory_space<vmem>> -> memref<1x640xf32, #tpu.memory_space<vmem>>
      %dma_start3A_141 = tpu.memref_squeeze %dma_start3A_140 : memref<1x640xf32, #tpu.memory_space<vmem>> -> memref<640xf32, #tpu.memory_space<vmem>>
      %dma_start3A_142 = arith.constant 0 : i32
      %dma_start3A_143 = tpu.memref_slice %arg13[%run_scoped3A_77, %dma_start3A_142] : memref<16x10240xf32, #tpu.memory_space<vmem_shared>> -> memref<1x10240xf32, #tpu.memory_space<vmem_shared>>
      %dma_start3A_144 = tpu.memref_squeeze %dma_start3A_143 : memref<1x10240xf32, #tpu.memory_space<vmem_shared>> -> memref<10240xf32, #tpu.memory_space<vmem_shared>>
      %dma_start3A_145 = tpu.memref_slice %dma_start3A_144[%mul3A_76] : memref<10240xf32, #tpu.memory_space<vmem_shared>> -> memref<640xf32, #tpu.memory_space<vmem_shared>>
      %dma_start3A_146 = arith.constant 0 : i32
      %dma_start3A_147 = tpu.memref_slice %arg9[%run_scoped3A_78, %dma_start3A_146] : memref<16x640xf32, #tpu.memory_space<vmem>> -> memref<1x640xf32, #tpu.memory_space<vmem>>
      %dma_start3A_148 = tpu.memref_squeeze %dma_start3A_147 : memref<1x640xf32, #tpu.memory_space<vmem>> -> memref<640xf32, #tpu.memory_space<vmem>>
      %dma_start3A_149 = arith.constant 0 : i32
      %dma_start3A_150 = tpu.memref_slice %arg13[%run_scoped3A_77, %dma_start3A_149] : memref<16x10240xf32, #tpu.memory_space<vmem_shared>> -> memref<1x10240xf32, #tpu.memory_space<vmem_shared>>
      %dma_start3A_151 = tpu.memref_squeeze %dma_start3A_150 : memref<1x10240xf32, #tpu.memory_space<vmem_shared>> -> memref<10240xf32, #tpu.memory_space<vmem_shared>>
      %dma_start3A_152 = tpu.memref_slice %dma_start3A_151[%mul3A_76] : memref<10240xf32, #tpu.memory_space<vmem_shared>> -> memref<640xf32, #tpu.memory_space<vmem_shared>>
      tpu.enqueue_dma source(%dma_start3A_152 : memref<640xf32, #tpu.memory_space<vmem_shared>>) target(%dma_start3A_148 : memref<640xf32, #tpu.memory_space<vmem>>) target_semaphore(%run_scoped3A_139 : memref<!tpu.dma_semaphore, #tpu.memory_space<semaphore_mem>>)
      %dma_wait3A_153 = arith.constant 0 : i32
      %dma_wait3A_154 = tpu.memref_slice %arg9[%run_scoped3A_78, %dma_wait3A_153] : memref<16x640xf32, #tpu.memory_space<vmem>> -> memref<1x640xf32, #tpu.memory_space<vmem>>
      %dma_wait3A_155 = tpu.memref_squeeze %dma_wait3A_154 : memref<1x640xf32, #tpu.memory_space<vmem>> -> memref<640xf32, #tpu.memory_space<vmem>>
      %dma_wait3A_156 = arith.constant 0 : i32
      %dma_wait3A_157 = tpu.memref_slice %arg13[%run_scoped3A_77, %dma_wait3A_156] : memref<16x10240xf32, #tpu.memory_space<vmem_shared>> -> memref<1x10240xf32, #tpu.memory_space<vmem_shared>>
      %dma_wait3A_158 = tpu.memref_squeeze %dma_wait3A_157 : memref<1x10240xf32, #tpu.memory_space<vmem_shared>> -> memref<10240xf32, #tpu.memory_space<vmem_shared>>
      %dma_wait3A_159 = tpu.memref_slice %dma_wait3A_158[%mul3A_76] : memref<10240xf32, #tpu.memory_space<vmem_shared>> -> memref<640xf32, #tpu.memory_space<vmem_shared>>
      %dma_wait3A_160 = arith.constant 0 : i32
      %dma_wait3A_161 = tpu.memref_slice %arg9[%run_scoped3A_78, %dma_wait3A_160] : memref<16x640xf32, #tpu.memory_space<vmem>> -> memref<1x640xf32, #tpu.memory_space<vmem>>
      %dma_wait3A_162 = tpu.memref_squeeze %dma_wait3A_161 : memref<1x640xf32, #tpu.memory_space<vmem>> -> memref<640xf32, #tpu.memory_space<vmem>>
      %dma_wait3A_163 = arith.constant 0 : i32
      %dma_wait3A_164 = tpu.memref_slice %arg13[%run_scoped3A_77, %dma_wait3A_163] : memref<16x10240xf32, #tpu.memory_space<vmem_shared>> -> memref<1x10240xf32, #tpu.memory_space<vmem_shared>>
      %dma_wait3A_165 = tpu.memref_squeeze %dma_wait3A_164 : memref<1x10240xf32, #tpu.memory_space<vmem_shared>> -> memref<10240xf32, #tpu.memory_space<vmem_shared>>
      %dma_wait3A_166 = tpu.memref_slice %dma_wait3A_165[%mul3A_76] : memref<10240xf32, #tpu.memory_space<vmem_shared>> -> memref<640xf32, #tpu.memory_space<vmem_shared>>
      tpu.wait_dma2 semaphore(%run_scoped3A_139 : memref<!tpu.dma_semaphore, #tpu.memory_space<semaphore_mem>>) src(%dma_wait3A_166 : memref<640xf32, #tpu.memory_space<vmem_shared>>) dst(%dma_wait3A_162 : memref<640xf32, #tpu.memory_space<vmem>>)
      tpu.yield
    }) : () -> ()
    %mul3A_79 = arith.constant 640 : i32
    %mul3A_80 = arith.muli %arg1, %mul3A_79 : i32
    %run_scoped3A_81 = arith.constant 6 : i32
    %run_scoped3A_82 = arith.constant 6 : i32
    "tpu.region"() ({
      %run_scoped3A_139 = tpu.sem_alloc : memref<!tpu.dma_semaphore, #tpu.memory_space<semaphore_mem>>
      %dma_start3A = arith.constant 0 : i32
      %dma_start3A_140 = tpu.memref_slice %arg9[%run_scoped3A_82, %dma_start3A] : memref<16x640xf32, #tpu.memory_space<vmem>> -> memref<1x640xf32, #tpu.memory_space<vmem>>
      %dma_start3A_141 = tpu.memref_squeeze %dma_start3A_140 : memref<1x640xf32, #tpu.memory_space<vmem>> -> memref<640xf32, #tpu.memory_space<vmem>>
      %dma_start3A_142 = arith.constant 0 : i32
      %dma_start3A_143 = tpu.memref_slice %arg13[%run_scoped3A_81, %dma_start3A_142] : memref<16x10240xf32, #tpu.memory_space<vmem_shared>> -> memref<1x10240xf32, #tpu.memory_space<vmem_shared>>
      %dma_start3A_144 = tpu.memref_squeeze %dma_start3A_143 : memref<1x10240xf32, #tpu.memory_space<vmem_shared>> -> memref<10240xf32, #tpu.memory_space<vmem_shared>>
      %dma_start3A_145 = tpu.memref_slice %dma_start3A_144[%mul3A_80] : memref<10240xf32, #tpu.memory_space<vmem_shared>> -> memref<640xf32, #tpu.memory_space<vmem_shared>>
      %dma_start3A_146 = arith.constant 0 : i32
      %dma_start3A_147 = tpu.memref_slice %arg9[%run_scoped3A_82, %dma_start3A_146] : memref<16x640xf32, #tpu.memory_space<vmem>> -> memref<1x640xf32, #tpu.memory_space<vmem>>
      %dma_start3A_148 = tpu.memref_squeeze %dma_start3A_147 : memref<1x640xf32, #tpu.memory_space<vmem>> -> memref<640xf32, #tpu.memory_space<vmem>>
      %dma_start3A_149 = arith.constant 0 : i32
      %dma_start3A_150 = tpu.memref_slice %arg13[%run_scoped3A_81, %dma_start3A_149] : memref<16x10240xf32, #tpu.memory_space<vmem_shared>> -> memref<1x10240xf32, #tpu.memory_space<vmem_shared>>
      %dma_start3A_151 = tpu.memref_squeeze %dma_start3A_150 : memref<1x10240xf32, #tpu.memory_space<vmem_shared>> -> memref<10240xf32, #tpu.memory_space<vmem_shared>>
      %dma_start3A_152 = tpu.memref_slice %dma_start3A_151[%mul3A_80] : memref<10240xf32, #tpu.memory_space<vmem_shared>> -> memref<640xf32, #tpu.memory_space<vmem_shared>>
      tpu.enqueue_dma source(%dma_start3A_152 : memref<640xf32, #tpu.memory_space<vmem_shared>>) target(%dma_start3A_148 : memref<640xf32, #tpu.memory_space<vmem>>) target_semaphore(%run_scoped3A_139 : memref<!tpu.dma_semaphore, #tpu.memory_space<semaphore_mem>>)
      %dma_wait3A_153 = arith.constant 0 : i32
      %dma_wait3A_154 = tpu.memref_slice %arg9[%run_scoped3A_82, %dma_wait3A_153] : memref<16x640xf32, #tpu.memory_space<vmem>> -> memref<1x640xf32, #tpu.memory_space<vmem>>
      %dma_wait3A_155 = tpu.memref_squeeze %dma_wait3A_154 : memref<1x640xf32, #tpu.memory_space<vmem>> -> memref<640xf32, #tpu.memory_space<vmem>>
      %dma_wait3A_156 = arith.constant 0 : i32
      %dma_wait3A_157 = tpu.memref_slice %arg13[%run_scoped3A_81, %dma_wait3A_156] : memref<16x10240xf32, #tpu.memory_space<vmem_shared>> -> memref<1x10240xf32, #tpu.memory_space<vmem_shared>>
      %dma_wait3A_158 = tpu.memref_squeeze %dma_wait3A_157 : memref<1x10240xf32, #tpu.memory_space<vmem_shared>> -> memref<10240xf32, #tpu.memory_space<vmem_shared>>
      %dma_wait3A_159 = tpu.memref_slice %dma_wait3A_158[%mul3A_80] : memref<10240xf32, #tpu.memory_space<vmem_shared>> -> memref<640xf32, #tpu.memory_space<vmem_shared>>
      %dma_wait3A_160 = arith.constant 0 : i32
      %dma_wait3A_161 = tpu.memref_slice %arg9[%run_scoped3A_82, %dma_wait3A_160] : memref<16x640xf32, #tpu.memory_space<vmem>> -> memref<1x640xf32, #tpu.memory_space<vmem>>
      %dma_wait3A_162 = tpu.memref_squeeze %dma_wait3A_161 : memref<1x640xf32, #tpu.memory_space<vmem>> -> memref<640xf32, #tpu.memory_space<vmem>>
      %dma_wait3A_163 = arith.constant 0 : i32
      %dma_wait3A_164 = tpu.memref_slice %arg13[%run_scoped3A_81, %dma_wait3A_163] : memref<16x10240xf32, #tpu.memory_space<vmem_shared>> -> memref<1x10240xf32, #tpu.memory_space<vmem_shared>>
      %dma_wait3A_165 = tpu.memref_squeeze %dma_wait3A_164 : memref<1x10240xf32, #tpu.memory_space<vmem_shared>> -> memref<10240xf32, #tpu.memory_space<vmem_shared>>
      %dma_wait3A_166 = tpu.memref_slice %dma_wait3A_165[%mul3A_80] : memref<10240xf32, #tpu.memory_space<vmem_shared>> -> memref<640xf32, #tpu.memory_space<vmem_shared>>
      tpu.wait_dma2 semaphore(%run_scoped3A_139 : memref<!tpu.dma_semaphore, #tpu.memory_space<semaphore_mem>>) src(%dma_wait3A_166 : memref<640xf32, #tpu.memory_space<vmem_shared>>) dst(%dma_wait3A_162 : memref<640xf32, #tpu.memory_space<vmem>>)
      tpu.yield
    }) : () -> ()
    %mul3A_83 = arith.constant 640 : i32
    %mul3A_84 = arith.muli %arg1, %mul3A_83 : i32
    %run_scoped3A_85 = arith.constant 7 : i32
    %run_scoped3A_86 = arith.constant 7 : i32
    "tpu.region"() ({
      %run_scoped3A_139 = tpu.sem_alloc : memref<!tpu.dma_semaphore, #tpu.memory_space<semaphore_mem>>
      %dma_start3A = arith.constant 0 : i32
      %dma_start3A_140 = tpu.memref_slice %arg9[%run_scoped3A_86, %dma_start3A] : memref<16x640xf32, #tpu.memory_space<vmem>> -> memref<1x640xf32, #tpu.memory_space<vmem>>
      %dma_start3A_141 = tpu.memref_squeeze %dma_start3A_140 : memref<1x640xf32, #tpu.memory_space<vmem>> -> memref<640xf32, #tpu.memory_space<vmem>>
      %dma_start3A_142 = arith.constant 0 : i32
      %dma_start3A_143 = tpu.memref_slice %arg13[%run_scoped3A_85, %dma_start3A_142] : memref<16x10240xf32, #tpu.memory_space<vmem_shared>> -> memref<1x10240xf32, #tpu.memory_space<vmem_shared>>
      %dma_start3A_144 = tpu.memref_squeeze %dma_start3A_143 : memref<1x10240xf32, #tpu.memory_space<vmem_shared>> -> memref<10240xf32, #tpu.memory_space<vmem_shared>>
      %dma_start3A_145 = tpu.memref_slice %dma_start3A_144[%mul3A_84] : memref<10240xf32, #tpu.memory_space<vmem_shared>> -> memref<640xf32, #tpu.memory_space<vmem_shared>>
      %dma_start3A_146 = arith.constant 0 : i32
      %dma_start3A_147 = tpu.memref_slice %arg9[%run_scoped3A_86, %dma_start3A_146] : memref<16x640xf32, #tpu.memory_space<vmem>> -> memref<1x640xf32, #tpu.memory_space<vmem>>
      %dma_start3A_148 = tpu.memref_squeeze %dma_start3A_147 : memref<1x640xf32, #tpu.memory_space<vmem>> -> memref<640xf32, #tpu.memory_space<vmem>>
      %dma_start3A_149 = arith.constant 0 : i32
      %dma_start3A_150 = tpu.memref_slice %arg13[%run_scoped3A_85, %dma_start3A_149] : memref<16x10240xf32, #tpu.memory_space<vmem_shared>> -> memref<1x10240xf32, #tpu.memory_space<vmem_shared>>
      %dma_start3A_151 = tpu.memref_squeeze %dma_start3A_150 : memref<1x10240xf32, #tpu.memory_space<vmem_shared>> -> memref<10240xf32, #tpu.memory_space<vmem_shared>>
      %dma_start3A_152 = tpu.memref_slice %dma_start3A_151[%mul3A_84] : memref<10240xf32, #tpu.memory_space<vmem_shared>> -> memref<640xf32, #tpu.memory_space<vmem_shared>>
      tpu.enqueue_dma source(%dma_start3A_152 : memref<640xf32, #tpu.memory_space<vmem_shared>>) target(%dma_start3A_148 : memref<640xf32, #tpu.memory_space<vmem>>) target_semaphore(%run_scoped3A_139 : memref<!tpu.dma_semaphore, #tpu.memory_space<semaphore_mem>>)
      %dma_wait3A_153 = arith.constant 0 : i32
      %dma_wait3A_154 = tpu.memref_slice %arg9[%run_scoped3A_86, %dma_wait3A_153] : memref<16x640xf32, #tpu.memory_space<vmem>> -> memref<1x640xf32, #tpu.memory_space<vmem>>
      %dma_wait3A_155 = tpu.memref_squeeze %dma_wait3A_154 : memref<1x640xf32, #tpu.memory_space<vmem>> -> memref<640xf32, #tpu.memory_space<vmem>>
      %dma_wait3A_156 = arith.constant 0 : i32
      %dma_wait3A_157 = tpu.memref_slice %arg13[%run_scoped3A_85, %dma_wait3A_156] : memref<16x10240xf32, #tpu.memory_space<vmem_shared>> -> memref<1x10240xf32, #tpu.memory_space<vmem_shared>>
      %dma_wait3A_158 = tpu.memref_squeeze %dma_wait3A_157 : memref<1x10240xf32, #tpu.memory_space<vmem_shared>> -> memref<10240xf32, #tpu.memory_space<vmem_shared>>
      %dma_wait3A_159 = tpu.memref_slice %dma_wait3A_158[%mul3A_84] : memref<10240xf32, #tpu.memory_space<vmem_shared>> -> memref<640xf32, #tpu.memory_space<vmem_shared>>
      %dma_wait3A_160 = arith.constant 0 : i32
      %dma_wait3A_161 = tpu.memref_slice %arg9[%run_scoped3A_86, %dma_wait3A_160] : memref<16x640xf32, #tpu.memory_space<vmem>> -> memref<1x640xf32, #tpu.memory_space<vmem>>
      %dma_wait3A_162 = tpu.memref_squeeze %dma_wait3A_161 : memref<1x640xf32, #tpu.memory_space<vmem>> -> memref<640xf32, #tpu.memory_space<vmem>>
      %dma_wait3A_163 = arith.constant 0 : i32
      %dma_wait3A_164 = tpu.memref_slice %arg13[%run_scoped3A_85, %dma_wait3A_163] : memref<16x10240xf32, #tpu.memory_space<vmem_shared>> -> memref<1x10240xf32, #tpu.memory_space<vmem_shared>>
      %dma_wait3A_165 = tpu.memref_squeeze %dma_wait3A_164 : memref<1x10240xf32, #tpu.memory_space<vmem_shared>> -> memref<10240xf32, #tpu.memory_space<vmem_shared>>
      %dma_wait3A_166 = tpu.memref_slice %dma_wait3A_165[%mul3A_84] : memref<10240xf32, #tpu.memory_space<vmem_shared>> -> memref<640xf32, #tpu.memory_space<vmem_shared>>
      tpu.wait_dma2 semaphore(%run_scoped3A_139 : memref<!tpu.dma_semaphore, #tpu.memory_space<semaphore_mem>>) src(%dma_wait3A_166 : memref<640xf32, #tpu.memory_space<vmem_shared>>) dst(%dma_wait3A_162 : memref<640xf32, #tpu.memory_space<vmem>>)
      tpu.yield
    }) : () -> ()
    %mul3A_87 = arith.constant 640 : i32
    %mul3A_88 = arith.muli %arg1, %mul3A_87 : i32
    %run_scoped3A_89 = arith.constant 8 : i32
    %run_scoped3A_90 = arith.constant 8 : i32
    "tpu.region"() ({
      %run_scoped3A_139 = tpu.sem_alloc : memref<!tpu.dma_semaphore, #tpu.memory_space<semaphore_mem>>
      %dma_start3A = arith.constant 0 : i32
      %dma_start3A_140 = tpu.memref_slice %arg9[%run_scoped3A_90, %dma_start3A] : memref<16x640xf32, #tpu.memory_space<vmem>> -> memref<1x640xf32, #tpu.memory_space<vmem>>
      %dma_start3A_141 = tpu.memref_squeeze %dma_start3A_140 : memref<1x640xf32, #tpu.memory_space<vmem>> -> memref<640xf32, #tpu.memory_space<vmem>>
      %dma_start3A_142 = arith.constant 0 : i32
      %dma_start3A_143 = tpu.memref_slice %arg13[%run_scoped3A_89, %dma_start3A_142] : memref<16x10240xf32, #tpu.memory_space<vmem_shared>> -> memref<1x10240xf32, #tpu.memory_space<vmem_shared>>
      %dma_start3A_144 = tpu.memref_squeeze %dma_start3A_143 : memref<1x10240xf32, #tpu.memory_space<vmem_shared>> -> memref<10240xf32, #tpu.memory_space<vmem_shared>>
      %dma_start3A_145 = tpu.memref_slice %dma_start3A_144[%mul3A_88] : memref<10240xf32, #tpu.memory_space<vmem_shared>> -> memref<640xf32, #tpu.memory_space<vmem_shared>>
      %dma_start3A_146 = arith.constant 0 : i32
      %dma_start3A_147 = tpu.memref_slice %arg9[%run_scoped3A_90, %dma_start3A_146] : memref<16x640xf32, #tpu.memory_space<vmem>> -> memref<1x640xf32, #tpu.memory_space<vmem>>
      %dma_start3A_148 = tpu.memref_squeeze %dma_start3A_147 : memref<1x640xf32, #tpu.memory_space<vmem>> -> memref<640xf32, #tpu.memory_space<vmem>>
      %dma_start3A_149 = arith.constant 0 : i32
      %dma_start3A_150 = tpu.memref_slice %arg13[%run_scoped3A_89, %dma_start3A_149] : memref<16x10240xf32, #tpu.memory_space<vmem_shared>> -> memref<1x10240xf32, #tpu.memory_space<vmem_shared>>
      %dma_start3A_151 = tpu.memref_squeeze %dma_start3A_150 : memref<1x10240xf32, #tpu.memory_space<vmem_shared>> -> memref<10240xf32, #tpu.memory_space<vmem_shared>>
      %dma_start3A_152 = tpu.memref_slice %dma_start3A_151[%mul3A_88] : memref<10240xf32, #tpu.memory_space<vmem_shared>> -> memref<640xf32, #tpu.memory_space<vmem_shared>>
      tpu.enqueue_dma source(%dma_start3A_152 : memref<640xf32, #tpu.memory_space<vmem_shared>>) target(%dma_start3A_148 : memref<640xf32, #tpu.memory_space<vmem>>) target_semaphore(%run_scoped3A_139 : memref<!tpu.dma_semaphore, #tpu.memory_space<semaphore_mem>>)
      %dma_wait3A_153 = arith.constant 0 : i32
      %dma_wait3A_154 = tpu.memref_slice %arg9[%run_scoped3A_90, %dma_wait3A_153] : memref<16x640xf32, #tpu.memory_space<vmem>> -> memref<1x640xf32, #tpu.memory_space<vmem>>
      %dma_wait3A_155 = tpu.memref_squeeze %dma_wait3A_154 : memref<1x640xf32, #tpu.memory_space<vmem>> -> memref<640xf32, #tpu.memory_space<vmem>>
      %dma_wait3A_156 = arith.constant 0 : i32
      %dma_wait3A_157 = tpu.memref_slice %arg13[%run_scoped3A_89, %dma_wait3A_156] : memref<16x10240xf32, #tpu.memory_space<vmem_shared>> -> memref<1x10240xf32, #tpu.memory_space<vmem_shared>>
      %dma_wait3A_158 = tpu.memref_squeeze %dma_wait3A_157 : memref<1x10240xf32, #tpu.memory_space<vmem_shared>> -> memref<10240xf32, #tpu.memory_space<vmem_shared>>
      %dma_wait3A_159 = tpu.memref_slice %dma_wait3A_158[%mul3A_88] : memref<10240xf32, #tpu.memory_space<vmem_shared>> -> memref<640xf32, #tpu.memory_space<vmem_shared>>
      %dma_wait3A_160 = arith.constant 0 : i32
      %dma_wait3A_161 = tpu.memref_slice %arg9[%run_scoped3A_90, %dma_wait3A_160] : memref<16x640xf32, #tpu.memory_space<vmem>> -> memref<1x640xf32, #tpu.memory_space<vmem>>
      %dma_wait3A_162 = tpu.memref_squeeze %dma_wait3A_161 : memref<1x640xf32, #tpu.memory_space<vmem>> -> memref<640xf32, #tpu.memory_space<vmem>>
      %dma_wait3A_163 = arith.constant 0 : i32
      %dma_wait3A_164 = tpu.memref_slice %arg13[%run_scoped3A_89, %dma_wait3A_163] : memref<16x10240xf32, #tpu.memory_space<vmem_shared>> -> memref<1x10240xf32, #tpu.memory_space<vmem_shared>>
      %dma_wait3A_165 = tpu.memref_squeeze %dma_wait3A_164 : memref<1x10240xf32, #tpu.memory_space<vmem_shared>> -> memref<10240xf32, #tpu.memory_space<vmem_shared>>
      %dma_wait3A_166 = tpu.memref_slice %dma_wait3A_165[%mul3A_88] : memref<10240xf32, #tpu.memory_space<vmem_shared>> -> memref<640xf32, #tpu.memory_space<vmem_shared>>
      tpu.wait_dma2 semaphore(%run_scoped3A_139 : memref<!tpu.dma_semaphore, #tpu.memory_space<semaphore_mem>>) src(%dma_wait3A_166 : memref<640xf32, #tpu.memory_space<vmem_shared>>) dst(%dma_wait3A_162 : memref<640xf32, #tpu.memory_space<vmem>>)
      tpu.yield
    }) : () -> ()
    %mul3A_91 = arith.constant 640 : i32
    %mul3A_92 = arith.muli %arg1, %mul3A_91 : i32
    %run_scoped3A_93 = arith.constant 9 : i32
    %run_scoped3A_94 = arith.constant 9 : i32
    "tpu.region"() ({
      %run_scoped3A_139 = tpu.sem_alloc : memref<!tpu.dma_semaphore, #tpu.memory_space<semaphore_mem>>
      %dma_start3A = arith.constant 0 : i32
      %dma_start3A_140 = tpu.memref_slice %arg9[%run_scoped3A_94, %dma_start3A] : memref<16x640xf32, #tpu.memory_space<vmem>> -> memref<1x640xf32, #tpu.memory_space<vmem>>
      %dma_start3A_141 = tpu.memref_squeeze %dma_start3A_140 : memref<1x640xf32, #tpu.memory_space<vmem>> -> memref<640xf32, #tpu.memory_space<vmem>>
      %dma_start3A_142 = arith.constant 0 : i32
      %dma_start3A_143 = tpu.memref_slice %arg13[%run_scoped3A_93, %dma_start3A_142] : memref<16x10240xf32, #tpu.memory_space<vmem_shared>> -> memref<1x10240xf32, #tpu.memory_space<vmem_shared>>
      %dma_start3A_144 = tpu.memref_squeeze %dma_start3A_143 : memref<1x10240xf32, #tpu.memory_space<vmem_shared>> -> memref<10240xf32, #tpu.memory_space<vmem_shared>>
      %dma_start3A_145 = tpu.memref_slice %dma_start3A_144[%mul3A_92] : memref<10240xf32, #tpu.memory_space<vmem_shared>> -> memref<640xf32, #tpu.memory_space<vmem_shared>>
      %dma_start3A_146 = arith.constant 0 : i32
      %dma_start3A_147 = tpu.memref_slice %arg9[%run_scoped3A_94, %dma_start3A_146] : memref<16x640xf32, #tpu.memory_space<vmem>> -> memref<1x640xf32, #tpu.memory_space<vmem>>
      %dma_start3A_148 = tpu.memref_squeeze %dma_start3A_147 : memref<1x640xf32, #tpu.memory_space<vmem>> -> memref<640xf32, #tpu.memory_space<vmem>>
      %dma_start3A_149 = arith.constant 0 : i32
      %dma_start3A_150 = tpu.memref_slice %arg13[%run_scoped3A_93, %dma_start3A_149] : memref<16x10240xf32, #tpu.memory_space<vmem_shared>> -> memref<1x10240xf32, #tpu.memory_space<vmem_shared>>
      %dma_start3A_151 = tpu.memref_squeeze %dma_start3A_150 : memref<1x10240xf32, #tpu.memory_space<vmem_shared>> -> memref<10240xf32, #tpu.memory_space<vmem_shared>>
      %dma_start3A_152 = tpu.memref_slice %dma_start3A_151[%mul3A_92] : memref<10240xf32, #tpu.memory_space<vmem_shared>> -> memref<640xf32, #tpu.memory_space<vmem_shared>>
      tpu.enqueue_dma source(%dma_start3A_152 : memref<640xf32, #tpu.memory_space<vmem_shared>>) target(%dma_start3A_148 : memref<640xf32, #tpu.memory_space<vmem>>) target_semaphore(%run_scoped3A_139 : memref<!tpu.dma_semaphore, #tpu.memory_space<semaphore_mem>>)
      %dma_wait3A_153 = arith.constant 0 : i32
      %dma_wait3A_154 = tpu.memref_slice %arg9[%run_scoped3A_94, %dma_wait3A_153] : memref<16x640xf32, #tpu.memory_space<vmem>> -> memref<1x640xf32, #tpu.memory_space<vmem>>
      %dma_wait3A_155 = tpu.memref_squeeze %dma_wait3A_154 : memref<1x640xf32, #tpu.memory_space<vmem>> -> memref<640xf32, #tpu.memory_space<vmem>>
      %dma_wait3A_156 = arith.constant 0 : i32
      %dma_wait3A_157 = tpu.memref_slice %arg13[%run_scoped3A_93, %dma_wait3A_156] : memref<16x10240xf32, #tpu.memory_space<vmem_shared>> -> memref<1x10240xf32, #tpu.memory_space<vmem_shared>>
      %dma_wait3A_158 = tpu.memref_squeeze %dma_wait3A_157 : memref<1x10240xf32, #tpu.memory_space<vmem_shared>> -> memref<10240xf32, #tpu.memory_space<vmem_shared>>
      %dma_wait3A_159 = tpu.memref_slice %dma_wait3A_158[%mul3A_92] : memref<10240xf32, #tpu.memory_space<vmem_shared>> -> memref<640xf32, #tpu.memory_space<vmem_shared>>
      %dma_wait3A_160 = arith.constant 0 : i32
      %dma_wait3A_161 = tpu.memref_slice %arg9[%run_scoped3A_94, %dma_wait3A_160] : memref<16x640xf32, #tpu.memory_space<vmem>> -> memref<1x640xf32, #tpu.memory_space<vmem>>
      %dma_wait3A_162 = tpu.memref_squeeze %dma_wait3A_161 : memref<1x640xf32, #tpu.memory_space<vmem>> -> memref<640xf32, #tpu.memory_space<vmem>>
      %dma_wait3A_163 = arith.constant 0 : i32
      %dma_wait3A_164 = tpu.memref_slice %arg13[%run_scoped3A_93, %dma_wait3A_163] : memref<16x10240xf32, #tpu.memory_space<vmem_shared>> -> memref<1x10240xf32, #tpu.memory_space<vmem_shared>>
      %dma_wait3A_165 = tpu.memref_squeeze %dma_wait3A_164 : memref<1x10240xf32, #tpu.memory_space<vmem_shared>> -> memref<10240xf32, #tpu.memory_space<vmem_shared>>
      %dma_wait3A_166 = tpu.memref_slice %dma_wait3A_165[%mul3A_92] : memref<10240xf32, #tpu.memory_space<vmem_shared>> -> memref<640xf32, #tpu.memory_space<vmem_shared>>
      tpu.wait_dma2 semaphore(%run_scoped3A_139 : memref<!tpu.dma_semaphore, #tpu.memory_space<semaphore_mem>>) src(%dma_wait3A_166 : memref<640xf32, #tpu.memory_space<vmem_shared>>) dst(%dma_wait3A_162 : memref<640xf32, #tpu.memory_space<vmem>>)
      tpu.yield
    }) : () -> ()
    %mul3A_95 = arith.constant 640 : i32
    %mul3A_96 = arith.muli %arg1, %mul3A_95 : i32
    %run_scoped3A_97 = arith.constant 10 : i32
    %run_scoped3A_98 = arith.constant 10 : i32
    "tpu.region"() ({
      %run_scoped3A_139 = tpu.sem_alloc : memref<!tpu.dma_semaphore, #tpu.memory_space<semaphore_mem>>
      %dma_start3A = arith.constant 0 : i32
      %dma_start3A_140 = tpu.memref_slice %arg9[%run_scoped3A_98, %dma_start3A] : memref<16x640xf32, #tpu.memory_space<vmem>> -> memref<1x640xf32, #tpu.memory_space<vmem>>
      %dma_start3A_141 = tpu.memref_squeeze %dma_start3A_140 : memref<1x640xf32, #tpu.memory_space<vmem>> -> memref<640xf32, #tpu.memory_space<vmem>>
      %dma_start3A_142 = arith.constant 0 : i32
      %dma_start3A_143 = tpu.memref_slice %arg13[%run_scoped3A_97, %dma_start3A_142] : memref<16x10240xf32, #tpu.memory_space<vmem_shared>> -> memref<1x10240xf32, #tpu.memory_space<vmem_shared>>
      %dma_start3A_144 = tpu.memref_squeeze %dma_start3A_143 : memref<1x10240xf32, #tpu.memory_space<vmem_shared>> -> memref<10240xf32, #tpu.memory_space<vmem_shared>>
      %dma_start3A_145 = tpu.memref_slice %dma_start3A_144[%mul3A_96] : memref<10240xf32, #tpu.memory_space<vmem_shared>> -> memref<640xf32, #tpu.memory_space<vmem_shared>>
      %dma_start3A_146 = arith.constant 0 : i32
      %dma_start3A_147 = tpu.memref_slice %arg9[%run_scoped3A_98, %dma_start3A_146] : memref<16x640xf32, #tpu.memory_space<vmem>> -> memref<1x640xf32, #tpu.memory_space<vmem>>
      %dma_start3A_148 = tpu.memref_squeeze %dma_start3A_147 : memref<1x640xf32, #tpu.memory_space<vmem>> -> memref<640xf32, #tpu.memory_space<vmem>>
      %dma_start3A_149 = arith.constant 0 : i32
      %dma_start3A_150 = tpu.memref_slice %arg13[%run_scoped3A_97, %dma_start3A_149] : memref<16x10240xf32, #tpu.memory_space<vmem_shared>> -> memref<1x10240xf32, #tpu.memory_space<vmem_shared>>
      %dma_start3A_151 = tpu.memref_squeeze %dma_start3A_150 : memref<1x10240xf32, #tpu.memory_space<vmem_shared>> -> memref<10240xf32, #tpu.memory_space<vmem_shared>>
      %dma_start3A_152 = tpu.memref_slice %dma_start3A_151[%mul3A_96] : memref<10240xf32, #tpu.memory_space<vmem_shared>> -> memref<640xf32, #tpu.memory_space<vmem_shared>>
      tpu.enqueue_dma source(%dma_start3A_152 : memref<640xf32, #tpu.memory_space<vmem_shared>>) target(%dma_start3A_148 : memref<640xf32, #tpu.memory_space<vmem>>) target_semaphore(%run_scoped3A_139 : memref<!tpu.dma_semaphore, #tpu.memory_space<semaphore_mem>>)
      %dma_wait3A_153 = arith.constant 0 : i32
      %dma_wait3A_154 = tpu.memref_slice %arg9[%run_scoped3A_98, %dma_wait3A_153] : memref<16x640xf32, #tpu.memory_space<vmem>> -> memref<1x640xf32, #tpu.memory_space<vmem>>
      %dma_wait3A_155 = tpu.memref_squeeze %dma_wait3A_154 : memref<1x640xf32, #tpu.memory_space<vmem>> -> memref<640xf32, #tpu.memory_space<vmem>>
      %dma_wait3A_156 = arith.constant 0 : i32
      %dma_wait3A_157 = tpu.memref_slice %arg13[%run_scoped3A_97, %dma_wait3A_156] : memref<16x10240xf32, #tpu.memory_space<vmem_shared>> -> memref<1x10240xf32, #tpu.memory_space<vmem_shared>>
      %dma_wait3A_158 = tpu.memref_squeeze %dma_wait3A_157 : memref<1x10240xf32, #tpu.memory_space<vmem_shared>> -> memref<10240xf32, #tpu.memory_space<vmem_shared>>
      %dma_wait3A_159 = tpu.memref_slice %dma_wait3A_158[%mul3A_96] : memref<10240xf32, #tpu.memory_space<vmem_shared>> -> memref<640xf32, #tpu.memory_space<vmem_shared>>
      %dma_wait3A_160 = arith.constant 0 : i32
      %dma_wait3A_161 = tpu.memref_slice %arg9[%run_scoped3A_98, %dma_wait3A_160] : memref<16x640xf32, #tpu.memory_space<vmem>> -> memref<1x640xf32, #tpu.memory_space<vmem>>
      %dma_wait3A_162 = tpu.memref_squeeze %dma_wait3A_161 : memref<1x640xf32, #tpu.memory_space<vmem>> -> memref<640xf32, #tpu.memory_space<vmem>>
      %dma_wait3A_163 = arith.constant 0 : i32
      %dma_wait3A_164 = tpu.memref_slice %arg13[%run_scoped3A_97, %dma_wait3A_163] : memref<16x10240xf32, #tpu.memory_space<vmem_shared>> -> memref<1x10240xf32, #tpu.memory_space<vmem_shared>>
      %dma_wait3A_165 = tpu.memref_squeeze %dma_wait3A_164 : memref<1x10240xf32, #tpu.memory_space<vmem_shared>> -> memref<10240xf32, #tpu.memory_space<vmem_shared>>
      %dma_wait3A_166 = tpu.memref_slice %dma_wait3A_165[%mul3A_96] : memref<10240xf32, #tpu.memory_space<vmem_shared>> -> memref<640xf32, #tpu.memory_space<vmem_shared>>
      tpu.wait_dma2 semaphore(%run_scoped3A_139 : memref<!tpu.dma_semaphore, #tpu.memory_space<semaphore_mem>>) src(%dma_wait3A_166 : memref<640xf32, #tpu.memory_space<vmem_shared>>) dst(%dma_wait3A_162 : memref<640xf32, #tpu.memory_space<vmem>>)
      tpu.yield
    }) : () -> ()
    %mul3A_99 = arith.constant 640 : i32
    %mul3A_100 = arith.muli %arg1, %mul3A_99 : i32
    %run_scoped3A_101 = arith.constant 11 : i32
    %run_scoped3A_102 = arith.constant 11 : i32
    "tpu.region"() ({
      %run_scoped3A_139 = tpu.sem_alloc : memref<!tpu.dma_semaphore, #tpu.memory_space<semaphore_mem>>
      %dma_start3A = arith.constant 0 : i32
      %dma_start3A_140 = tpu.memref_slice %arg9[%run_scoped3A_102, %dma_start3A] : memref<16x640xf32, #tpu.memory_space<vmem>> -> memref<1x640xf32, #tpu.memory_space<vmem>>
      %dma_start3A_141 = tpu.memref_squeeze %dma_start3A_140 : memref<1x640xf32, #tpu.memory_space<vmem>> -> memref<640xf32, #tpu.memory_space<vmem>>
      %dma_start3A_142 = arith.constant 0 : i32
      %dma_start3A_143 = tpu.memref_slice %arg13[%run_scoped3A_101, %dma_start3A_142] : memref<16x10240xf32, #tpu.memory_space<vmem_shared>> -> memref<1x10240xf32, #tpu.memory_space<vmem_shared>>
      %dma_start3A_144 = tpu.memref_squeeze %dma_start3A_143 : memref<1x10240xf32, #tpu.memory_space<vmem_shared>> -> memref<10240xf32, #tpu.memory_space<vmem_shared>>
      %dma_start3A_145 = tpu.memref_slice %dma_start3A_144[%mul3A_100] : memref<10240xf32, #tpu.memory_space<vmem_shared>> -> memref<640xf32, #tpu.memory_space<vmem_shared>>
      %dma_start3A_146 = arith.constant 0 : i32
      %dma_start3A_147 = tpu.memref_slice %arg9[%run_scoped3A_102, %dma_start3A_146] : memref<16x640xf32, #tpu.memory_space<vmem>> -> memref<1x640xf32, #tpu.memory_space<vmem>>
      %dma_start3A_148 = tpu.memref_squeeze %dma_start3A_147 : memref<1x640xf32, #tpu.memory_space<vmem>> -> memref<640xf32, #tpu.memory_space<vmem>>
      %dma_start3A_149 = arith.constant 0 : i32
      %dma_start3A_150 = tpu.memref_slice %arg13[%run_scoped3A_101, %dma_start3A_149] : memref<16x10240xf32, #tpu.memory_space<vmem_shared>> -> memref<1x10240xf32, #tpu.memory_space<vmem_shared>>
      %dma_start3A_151 = tpu.memref_squeeze %dma_start3A_150 : memref<1x10240xf32, #tpu.memory_space<vmem_shared>> -> memref<10240xf32, #tpu.memory_space<vmem_shared>>
      %dma_start3A_152 = tpu.memref_slice %dma_start3A_151[%mul3A_100] : memref<10240xf32, #tpu.memory_space<vmem_shared>> -> memref<640xf32, #tpu.memory_space<vmem_shared>>
      tpu.enqueue_dma source(%dma_start3A_152 : memref<640xf32, #tpu.memory_space<vmem_shared>>) target(%dma_start3A_148 : memref<640xf32, #tpu.memory_space<vmem>>) target_semaphore(%run_scoped3A_139 : memref<!tpu.dma_semaphore, #tpu.memory_space<semaphore_mem>>)
      %dma_wait3A_153 = arith.constant 0 : i32
      %dma_wait3A_154 = tpu.memref_slice %arg9[%run_scoped3A_102, %dma_wait3A_153] : memref<16x640xf32, #tpu.memory_space<vmem>> -> memref<1x640xf32, #tpu.memory_space<vmem>>
      %dma_wait3A_155 = tpu.memref_squeeze %dma_wait3A_154 : memref<1x640xf32, #tpu.memory_space<vmem>> -> memref<640xf32, #tpu.memory_space<vmem>>
      %dma_wait3A_156 = arith.constant 0 : i32
      %dma_wait3A_157 = tpu.memref_slice %arg13[%run_scoped3A_101, %dma_wait3A_156] : memref<16x10240xf32, #tpu.memory_space<vmem_shared>> -> memref<1x10240xf32, #tpu.memory_space<vmem_shared>>
      %dma_wait3A_158 = tpu.memref_squeeze %dma_wait3A_157 : memref<1x10240xf32, #tpu.memory_space<vmem_shared>> -> memref<10240xf32, #tpu.memory_space<vmem_shared>>
      %dma_wait3A_159 = tpu.memref_slice %dma_wait3A_158[%mul3A_100] : memref<10240xf32, #tpu.memory_space<vmem_shared>> -> memref<640xf32, #tpu.memory_space<vmem_shared>>
      %dma_wait3A_160 = arith.constant 0 : i32
      %dma_wait3A_161 = tpu.memref_slice %arg9[%run_scoped3A_102, %dma_wait3A_160] : memref<16x640xf32, #tpu.memory_space<vmem>> -> memref<1x640xf32, #tpu.memory_space<vmem>>
      %dma_wait3A_162 = tpu.memref_squeeze %dma_wait3A_161 : memref<1x640xf32, #tpu.memory_space<vmem>> -> memref<640xf32, #tpu.memory_space<vmem>>
      %dma_wait3A_163 = arith.constant 0 : i32
      %dma_wait3A_164 = tpu.memref_slice %arg13[%run_scoped3A_101, %dma_wait3A_163] : memref<16x10240xf32, #tpu.memory_space<vmem_shared>> -> memref<1x10240xf32, #tpu.memory_space<vmem_shared>>
      %dma_wait3A_165 = tpu.memref_squeeze %dma_wait3A_164 : memref<1x10240xf32, #tpu.memory_space<vmem_shared>> -> memref<10240xf32, #tpu.memory_space<vmem_shared>>
      %dma_wait3A_166 = tpu.memref_slice %dma_wait3A_165[%mul3A_100] : memref<10240xf32, #tpu.memory_space<vmem_shared>> -> memref<640xf32, #tpu.memory_space<vmem_shared>>
      tpu.wait_dma2 semaphore(%run_scoped3A_139 : memref<!tpu.dma_semaphore, #tpu.memory_space<semaphore_mem>>) src(%dma_wait3A_166 : memref<640xf32, #tpu.memory_space<vmem_shared>>) dst(%dma_wait3A_162 : memref<640xf32, #tpu.memory_space<vmem>>)
      tpu.yield
    }) : () -> ()
    %mul3A_103 = arith.constant 640 : i32
    %mul3A_104 = arith.muli %arg1, %mul3A_103 : i32
    %run_scoped3A_105 = arith.constant 12 : i32
    %run_scoped3A_106 = arith.constant 12 : i32
    "tpu.region"() ({
      %run_scoped3A_139 = tpu.sem_alloc : memref<!tpu.dma_semaphore, #tpu.memory_space<semaphore_mem>>
      %dma_start3A = arith.constant 0 : i32
      %dma_start3A_140 = tpu.memref_slice %arg9[%run_scoped3A_106, %dma_start3A] : memref<16x640xf32, #tpu.memory_space<vmem>> -> memref<1x640xf32, #tpu.memory_space<vmem>>
      %dma_start3A_141 = tpu.memref_squeeze %dma_start3A_140 : memref<1x640xf32, #tpu.memory_space<vmem>> -> memref<640xf32, #tpu.memory_space<vmem>>
      %dma_start3A_142 = arith.constant 0 : i32
      %dma_start3A_143 = tpu.memref_slice %arg13[%run_scoped3A_105, %dma_start3A_142] : memref<16x10240xf32, #tpu.memory_space<vmem_shared>> -> memref<1x10240xf32, #tpu.memory_space<vmem_shared>>
      %dma_start3A_144 = tpu.memref_squeeze %dma_start3A_143 : memref<1x10240xf32, #tpu.memory_space<vmem_shared>> -> memref<10240xf32, #tpu.memory_space<vmem_shared>>
      %dma_start3A_145 = tpu.memref_slice %dma_start3A_144[%mul3A_104] : memref<10240xf32, #tpu.memory_space<vmem_shared>> -> memref<640xf32, #tpu.memory_space<vmem_shared>>
      %dma_start3A_146 = arith.constant 0 : i32
      %dma_start3A_147 = tpu.memref_slice %arg9[%run_scoped3A_106, %dma_start3A_146] : memref<16x640xf32, #tpu.memory_space<vmem>> -> memref<1x640xf32, #tpu.memory_space<vmem>>
      %dma_start3A_148 = tpu.memref_squeeze %dma_start3A_147 : memref<1x640xf32, #tpu.memory_space<vmem>> -> memref<640xf32, #tpu.memory_space<vmem>>
      %dma_start3A_149 = arith.constant 0 : i32
      %dma_start3A_150 = tpu.memref_slice %arg13[%run_scoped3A_105, %dma_start3A_149] : memref<16x10240xf32, #tpu.memory_space<vmem_shared>> -> memref<1x10240xf32, #tpu.memory_space<vmem_shared>>
      %dma_start3A_151 = tpu.memref_squeeze %dma_start3A_150 : memref<1x10240xf32, #tpu.memory_space<vmem_shared>> -> memref<10240xf32, #tpu.memory_space<vmem_shared>>
      %dma_start3A_152 = tpu.memref_slice %dma_start3A_151[%mul3A_104] : memref<10240xf32, #tpu.memory_space<vmem_shared>> -> memref<640xf32, #tpu.memory_space<vmem_shared>>
      tpu.enqueue_dma source(%dma_start3A_152 : memref<640xf32, #tpu.memory_space<vmem_shared>>) target(%dma_start3A_148 : memref<640xf32, #tpu.memory_space<vmem>>) target_semaphore(%run_scoped3A_139 : memref<!tpu.dma_semaphore, #tpu.memory_space<semaphore_mem>>)
      %dma_wait3A_153 = arith.constant 0 : i32
      %dma_wait3A_154 = tpu.memref_slice %arg9[%run_scoped3A_106, %dma_wait3A_153] : memref<16x640xf32, #tpu.memory_space<vmem>> -> memref<1x640xf32, #tpu.memory_space<vmem>>
      %dma_wait3A_155 = tpu.memref_squeeze %dma_wait3A_154 : memref<1x640xf32, #tpu.memory_space<vmem>> -> memref<640xf32, #tpu.memory_space<vmem>>
      %dma_wait3A_156 = arith.constant 0 : i32
      %dma_wait3A_157 = tpu.memref_slice %arg13[%run_scoped3A_105, %dma_wait3A_156] : memref<16x10240xf32, #tpu.memory_space<vmem_shared>> -> memref<1x10240xf32, #tpu.memory_space<vmem_shared>>
      %dma_wait3A_158 = tpu.memref_squeeze %dma_wait3A_157 : memref<1x10240xf32, #tpu.memory_space<vmem_shared>> -> memref<10240xf32, #tpu.memory_space<vmem_shared>>
      %dma_wait3A_159 = tpu.memref_slice %dma_wait3A_158[%mul3A_104] : memref<10240xf32, #tpu.memory_space<vmem_shared>> -> memref<640xf32, #tpu.memory_space<vmem_shared>>
      %dma_wait3A_160 = arith.constant 0 : i32
      %dma_wait3A_161 = tpu.memref_slice %arg9[%run_scoped3A_106, %dma_wait3A_160] : memref<16x640xf32, #tpu.memory_space<vmem>> -> memref<1x640xf32, #tpu.memory_space<vmem>>
      %dma_wait3A_162 = tpu.memref_squeeze %dma_wait3A_161 : memref<1x640xf32, #tpu.memory_space<vmem>> -> memref<640xf32, #tpu.memory_space<vmem>>
      %dma_wait3A_163 = arith.constant 0 : i32
      %dma_wait3A_164 = tpu.memref_slice %arg13[%run_scoped3A_105, %dma_wait3A_163] : memref<16x10240xf32, #tpu.memory_space<vmem_shared>> -> memref<1x10240xf32, #tpu.memory_space<vmem_shared>>
      %dma_wait3A_165 = tpu.memref_squeeze %dma_wait3A_164 : memref<1x10240xf32, #tpu.memory_space<vmem_shared>> -> memref<10240xf32, #tpu.memory_space<vmem_shared>>
      %dma_wait3A_166 = tpu.memref_slice %dma_wait3A_165[%mul3A_104] : memref<10240xf32, #tpu.memory_space<vmem_shared>> -> memref<640xf32, #tpu.memory_space<vmem_shared>>
      tpu.wait_dma2 semaphore(%run_scoped3A_139 : memref<!tpu.dma_semaphore, #tpu.memory_space<semaphore_mem>>) src(%dma_wait3A_166 : memref<640xf32, #tpu.memory_space<vmem_shared>>) dst(%dma_wait3A_162 : memref<640xf32, #tpu.memory_space<vmem>>)
      tpu.yield
    }) : () -> ()
    %mul3A_107 = arith.constant 640 : i32
    %mul3A_108 = arith.muli %arg1, %mul3A_107 : i32
    %run_scoped3A_109 = arith.constant 13 : i32
    %run_scoped3A_110 = arith.constant 13 : i32
    "tpu.region"() ({
      %run_scoped3A_139 = tpu.sem_alloc : memref<!tpu.dma_semaphore, #tpu.memory_space<semaphore_mem>>
      %dma_start3A = arith.constant 0 : i32
      %dma_start3A_140 = tpu.memref_slice %arg9[%run_scoped3A_110, %dma_start3A] : memref<16x640xf32, #tpu.memory_space<vmem>> -> memref<1x640xf32, #tpu.memory_space<vmem>>
      %dma_start3A_141 = tpu.memref_squeeze %dma_start3A_140 : memref<1x640xf32, #tpu.memory_space<vmem>> -> memref<640xf32, #tpu.memory_space<vmem>>
      %dma_start3A_142 = arith.constant 0 : i32
      %dma_start3A_143 = tpu.memref_slice %arg13[%run_scoped3A_109, %dma_start3A_142] : memref<16x10240xf32, #tpu.memory_space<vmem_shared>> -> memref<1x10240xf32, #tpu.memory_space<vmem_shared>>
      %dma_start3A_144 = tpu.memref_squeeze %dma_start3A_143 : memref<1x10240xf32, #tpu.memory_space<vmem_shared>> -> memref<10240xf32, #tpu.memory_space<vmem_shared>>
      %dma_start3A_145 = tpu.memref_slice %dma_start3A_144[%mul3A_108] : memref<10240xf32, #tpu.memory_space<vmem_shared>> -> memref<640xf32, #tpu.memory_space<vmem_shared>>
      %dma_start3A_146 = arith.constant 0 : i32
      %dma_start3A_147 = tpu.memref_slice %arg9[%run_scoped3A_110, %dma_start3A_146] : memref<16x640xf32, #tpu.memory_space<vmem>> -> memref<1x640xf32, #tpu.memory_space<vmem>>
      %dma_start3A_148 = tpu.memref_squeeze %dma_start3A_147 : memref<1x640xf32, #tpu.memory_space<vmem>> -> memref<640xf32, #tpu.memory_space<vmem>>
      %dma_start3A_149 = arith.constant 0 : i32
      %dma_start3A_150 = tpu.memref_slice %arg13[%run_scoped3A_109, %dma_start3A_149] : memref<16x10240xf32, #tpu.memory_space<vmem_shared>> -> memref<1x10240xf32, #tpu.memory_space<vmem_shared>>
      %dma_start3A_151 = tpu.memref_squeeze %dma_start3A_150 : memref<1x10240xf32, #tpu.memory_space<vmem_shared>> -> memref<10240xf32, #tpu.memory_space<vmem_shared>>
      %dma_start3A_152 = tpu.memref_slice %dma_start3A_151[%mul3A_108] : memref<10240xf32, #tpu.memory_space<vmem_shared>> -> memref<640xf32, #tpu.memory_space<vmem_shared>>
      tpu.enqueue_dma source(%dma_start3A_152 : memref<640xf32, #tpu.memory_space<vmem_shared>>) target(%dma_start3A_148 : memref<640xf32, #tpu.memory_space<vmem>>) target_semaphore(%run_scoped3A_139 : memref<!tpu.dma_semaphore, #tpu.memory_space<semaphore_mem>>)
      %dma_wait3A_153 = arith.constant 0 : i32
      %dma_wait3A_154 = tpu.memref_slice %arg9[%run_scoped3A_110, %dma_wait3A_153] : memref<16x640xf32, #tpu.memory_space<vmem>> -> memref<1x640xf32, #tpu.memory_space<vmem>>
      %dma_wait3A_155 = tpu.memref_squeeze %dma_wait3A_154 : memref<1x640xf32, #tpu.memory_space<vmem>> -> memref<640xf32, #tpu.memory_space<vmem>>
      %dma_wait3A_156 = arith.constant 0 : i32
      %dma_wait3A_157 = tpu.memref_slice %arg13[%run_scoped3A_109, %dma_wait3A_156] : memref<16x10240xf32, #tpu.memory_space<vmem_shared>> -> memref<1x10240xf32, #tpu.memory_space<vmem_shared>>
      %dma_wait3A_158 = tpu.memref_squeeze %dma_wait3A_157 : memref<1x10240xf32, #tpu.memory_space<vmem_shared>> -> memref<10240xf32, #tpu.memory_space<vmem_shared>>
      %dma_wait3A_159 = tpu.memref_slice %dma_wait3A_158[%mul3A_108] : memref<10240xf32, #tpu.memory_space<vmem_shared>> -> memref<640xf32, #tpu.memory_space<vmem_shared>>
      %dma_wait3A_160 = arith.constant 0 : i32
      %dma_wait3A_161 = tpu.memref_slice %arg9[%run_scoped3A_110, %dma_wait3A_160] : memref<16x640xf32, #tpu.memory_space<vmem>> -> memref<1x640xf32, #tpu.memory_space<vmem>>
      %dma_wait3A_162 = tpu.memref_squeeze %dma_wait3A_161 : memref<1x640xf32, #tpu.memory_space<vmem>> -> memref<640xf32, #tpu.memory_space<vmem>>
      %dma_wait3A_163 = arith.constant 0 : i32
      %dma_wait3A_164 = tpu.memref_slice %arg13[%run_scoped3A_109, %dma_wait3A_163] : memref<16x10240xf32, #tpu.memory_space<vmem_shared>> -> memref<1x10240xf32, #tpu.memory_space<vmem_shared>>
      %dma_wait3A_165 = tpu.memref_squeeze %dma_wait3A_164 : memref<1x10240xf32, #tpu.memory_space<vmem_shared>> -> memref<10240xf32, #tpu.memory_space<vmem_shared>>
      %dma_wait3A_166 = tpu.memref_slice %dma_wait3A_165[%mul3A_108] : memref<10240xf32, #tpu.memory_space<vmem_shared>> -> memref<640xf32, #tpu.memory_space<vmem_shared>>
      tpu.wait_dma2 semaphore(%run_scoped3A_139 : memref<!tpu.dma_semaphore, #tpu.memory_space<semaphore_mem>>) src(%dma_wait3A_166 : memref<640xf32, #tpu.memory_space<vmem_shared>>) dst(%dma_wait3A_162 : memref<640xf32, #tpu.memory_space<vmem>>)
      tpu.yield
    }) : () -> ()
    %mul3A_111 = arith.constant 640 : i32
    %mul3A_112 = arith.muli %arg1, %mul3A_111 : i32
    %run_scoped3A_113 = arith.constant 14 : i32
    %run_scoped3A_114 = arith.constant 14 : i32
    "tpu.region"() ({
      %run_scoped3A_139 = tpu.sem_alloc : memref<!tpu.dma_semaphore, #tpu.memory_space<semaphore_mem>>
      %dma_start3A = arith.constant 0 : i32
      %dma_start3A_140 = tpu.memref_slice %arg9[%run_scoped3A_114, %dma_start3A] : memref<16x640xf32, #tpu.memory_space<vmem>> -> memref<1x640xf32, #tpu.memory_space<vmem>>
      %dma_start3A_141 = tpu.memref_squeeze %dma_start3A_140 : memref<1x640xf32, #tpu.memory_space<vmem>> -> memref<640xf32, #tpu.memory_space<vmem>>
      %dma_start3A_142 = arith.constant 0 : i32
      %dma_start3A_143 = tpu.memref_slice %arg13[%run_scoped3A_113, %dma_start3A_142] : memref<16x10240xf32, #tpu.memory_space<vmem_shared>> -> memref<1x10240xf32, #tpu.memory_space<vmem_shared>>
      %dma_start3A_144 = tpu.memref_squeeze %dma_start3A_143 : memref<1x10240xf32, #tpu.memory_space<vmem_shared>> -> memref<10240xf32, #tpu.memory_space<vmem_shared>>
      %dma_start3A_145 = tpu.memref_slice %dma_start3A_144[%mul3A_112] : memref<10240xf32, #tpu.memory_space<vmem_shared>> -> memref<640xf32, #tpu.memory_space<vmem_shared>>
      %dma_start3A_146 = arith.constant 0 : i32
      %dma_start3A_147 = tpu.memref_slice %arg9[%run_scoped3A_114, %dma_start3A_146] : memref<16x640xf32, #tpu.memory_space<vmem>> -> memref<1x640xf32, #tpu.memory_space<vmem>>
      %dma_start3A_148 = tpu.memref_squeeze %dma_start3A_147 : memref<1x640xf32, #tpu.memory_space<vmem>> -> memref<640xf32, #tpu.memory_space<vmem>>
      %dma_start3A_149 = arith.constant 0 : i32
      %dma_start3A_150 = tpu.memref_slice %arg13[%run_scoped3A_113, %dma_start3A_149] : memref<16x10240xf32, #tpu.memory_space<vmem_shared>> -> memref<1x10240xf32, #tpu.memory_space<vmem_shared>>
      %dma_start3A_151 = tpu.memref_squeeze %dma_start3A_150 : memref<1x10240xf32, #tpu.memory_space<vmem_shared>> -> memref<10240xf32, #tpu.memory_space<vmem_shared>>
      %dma_start3A_152 = tpu.memref_slice %dma_start3A_151[%mul3A_112] : memref<10240xf32, #tpu.memory_space<vmem_shared>> -> memref<640xf32, #tpu.memory_space<vmem_shared>>
      tpu.enqueue_dma source(%dma_start3A_152 : memref<640xf32, #tpu.memory_space<vmem_shared>>) target(%dma_start3A_148 : memref<640xf32, #tpu.memory_space<vmem>>) target_semaphore(%run_scoped3A_139 : memref<!tpu.dma_semaphore, #tpu.memory_space<semaphore_mem>>)
      %dma_wait3A_153 = arith.constant 0 : i32
      %dma_wait3A_154 = tpu.memref_slice %arg9[%run_scoped3A_114, %dma_wait3A_153] : memref<16x640xf32, #tpu.memory_space<vmem>> -> memref<1x640xf32, #tpu.memory_space<vmem>>
      %dma_wait3A_155 = tpu.memref_squeeze %dma_wait3A_154 : memref<1x640xf32, #tpu.memory_space<vmem>> -> memref<640xf32, #tpu.memory_space<vmem>>
      %dma_wait3A_156 = arith.constant 0 : i32
      %dma_wait3A_157 = tpu.memref_slice %arg13[%run_scoped3A_113, %dma_wait3A_156] : memref<16x10240xf32, #tpu.memory_space<vmem_shared>> -> memref<1x10240xf32, #tpu.memory_space<vmem_shared>>
      %dma_wait3A_158 = tpu.memref_squeeze %dma_wait3A_157 : memref<1x10240xf32, #tpu.memory_space<vmem_shared>> -> memref<10240xf32, #tpu.memory_space<vmem_shared>>
      %dma_wait3A_159 = tpu.memref_slice %dma_wait3A_158[%mul3A_112] : memref<10240xf32, #tpu.memory_space<vmem_shared>> -> memref<640xf32, #tpu.memory_space<vmem_shared>>
      %dma_wait3A_160 = arith.constant 0 : i32
      %dma_wait3A_161 = tpu.memref_slice %arg9[%run_scoped3A_114, %dma_wait3A_160] : memref<16x640xf32, #tpu.memory_space<vmem>> -> memref<1x640xf32, #tpu.memory_space<vmem>>
      %dma_wait3A_162 = tpu.memref_squeeze %dma_wait3A_161 : memref<1x640xf32, #tpu.memory_space<vmem>> -> memref<640xf32, #tpu.memory_space<vmem>>
      %dma_wait3A_163 = arith.constant 0 : i32
      %dma_wait3A_164 = tpu.memref_slice %arg13[%run_scoped3A_113, %dma_wait3A_163] : memref<16x10240xf32, #tpu.memory_space<vmem_shared>> -> memref<1x10240xf32, #tpu.memory_space<vmem_shared>>
      %dma_wait3A_165 = tpu.memref_squeeze %dma_wait3A_164 : memref<1x10240xf32, #tpu.memory_space<vmem_shared>> -> memref<10240xf32, #tpu.memory_space<vmem_shared>>
      %dma_wait3A_166 = tpu.memref_slice %dma_wait3A_165[%mul3A_112] : memref<10240xf32, #tpu.memory_space<vmem_shared>> -> memref<640xf32, #tpu.memory_space<vmem_shared>>
      tpu.wait_dma2 semaphore(%run_scoped3A_139 : memref<!tpu.dma_semaphore, #tpu.memory_space<semaphore_mem>>) src(%dma_wait3A_166 : memref<640xf32, #tpu.memory_space<vmem_shared>>) dst(%dma_wait3A_162 : memref<640xf32, #tpu.memory_space<vmem>>)
      tpu.yield
    }) : () -> ()
    %mul3A_115 = arith.constant 640 : i32
    %mul3A_116 = arith.muli %arg1, %mul3A_115 : i32
    %run_scoped3A_117 = arith.constant 15 : i32
    %run_scoped3A_118 = arith.constant 15 : i32
    "tpu.region"() ({
      %run_scoped3A_139 = tpu.sem_alloc : memref<!tpu.dma_semaphore, #tpu.memory_space<semaphore_mem>>
      %dma_start3A = arith.constant 0 : i32
      %dma_start3A_140 = tpu.memref_slice %arg9[%run_scoped3A_118, %dma_start3A] : memref<16x640xf32, #tpu.memory_space<vmem>> -> memref<1x640xf32, #tpu.memory_space<vmem>>
      %dma_start3A_141 = tpu.memref_squeeze %dma_start3A_140 : memref<1x640xf32, #tpu.memory_space<vmem>> -> memref<640xf32, #tpu.memory_space<vmem>>
      %dma_start3A_142 = arith.constant 0 : i32
      %dma_start3A_143 = tpu.memref_slice %arg13[%run_scoped3A_117, %dma_start3A_142] : memref<16x10240xf32, #tpu.memory_space<vmem_shared>> -> memref<1x10240xf32, #tpu.memory_space<vmem_shared>>
      %dma_start3A_144 = tpu.memref_squeeze %dma_start3A_143 : memref<1x10240xf32, #tpu.memory_space<vmem_shared>> -> memref<10240xf32, #tpu.memory_space<vmem_shared>>
      %dma_start3A_145 = tpu.memref_slice %dma_start3A_144[%mul3A_116] : memref<10240xf32, #tpu.memory_space<vmem_shared>> -> memref<640xf32, #tpu.memory_space<vmem_shared>>
      %dma_start3A_146 = arith.constant 0 : i32
      %dma_start3A_147 = tpu.memref_slice %arg9[%run_scoped3A_118, %dma_start3A_146] : memref<16x640xf32, #tpu.memory_space<vmem>> -> memref<1x640xf32, #tpu.memory_space<vmem>>
      %dma_start3A_148 = tpu.memref_squeeze %dma_start3A_147 : memref<1x640xf32, #tpu.memory_space<vmem>> -> memref<640xf32, #tpu.memory_space<vmem>>
      %dma_start3A_149 = arith.constant 0 : i32
      %dma_start3A_150 = tpu.memref_slice %arg13[%run_scoped3A_117, %dma_start3A_149] : memref<16x10240xf32, #tpu.memory_space<vmem_shared>> -> memref<1x10240xf32, #tpu.memory_space<vmem_shared>>
      %dma_start3A_151 = tpu.memref_squeeze %dma_start3A_150 : memref<1x10240xf32, #tpu.memory_space<vmem_shared>> -> memref<10240xf32, #tpu.memory_space<vmem_shared>>
      %dma_start3A_152 = tpu.memref_slice %dma_start3A_151[%mul3A_116] : memref<10240xf32, #tpu.memory_space<vmem_shared>> -> memref<640xf32, #tpu.memory_space<vmem_shared>>
      tpu.enqueue_dma source(%dma_start3A_152 : memref<640xf32, #tpu.memory_space<vmem_shared>>) target(%dma_start3A_148 : memref<640xf32, #tpu.memory_space<vmem>>) target_semaphore(%run_scoped3A_139 : memref<!tpu.dma_semaphore, #tpu.memory_space<semaphore_mem>>)
      %dma_wait3A_153 = arith.constant 0 : i32
      %dma_wait3A_154 = tpu.memref_slice %arg9[%run_scoped3A_118, %dma_wait3A_153] : memref<16x640xf32, #tpu.memory_space<vmem>> -> memref<1x640xf32, #tpu.memory_space<vmem>>
      %dma_wait3A_155 = tpu.memref_squeeze %dma_wait3A_154 : memref<1x640xf32, #tpu.memory_space<vmem>> -> memref<640xf32, #tpu.memory_space<vmem>>
      %dma_wait3A_156 = arith.constant 0 : i32
      %dma_wait3A_157 = tpu.memref_slice %arg13[%run_scoped3A_117, %dma_wait3A_156] : memref<16x10240xf32, #tpu.memory_space<vmem_shared>> -> memref<1x10240xf32, #tpu.memory_space<vmem_shared>>
      %dma_wait3A_158 = tpu.memref_squeeze %dma_wait3A_157 : memref<1x10240xf32, #tpu.memory_space<vmem_shared>> -> memref<10240xf32, #tpu.memory_space<vmem_shared>>
      %dma_wait3A_159 = tpu.memref_slice %dma_wait3A_158[%mul3A_116] : memref<10240xf32, #tpu.memory_space<vmem_shared>> -> memref<640xf32, #tpu.memory_space<vmem_shared>>
      %dma_wait3A_160 = arith.constant 0 : i32
      %dma_wait3A_161 = tpu.memref_slice %arg9[%run_scoped3A_118, %dma_wait3A_160] : memref<16x640xf32, #tpu.memory_space<vmem>> -> memref<1x640xf32, #tpu.memory_space<vmem>>
      %dma_wait3A_162 = tpu.memref_squeeze %dma_wait3A_161 : memref<1x640xf32, #tpu.memory_space<vmem>> -> memref<640xf32, #tpu.memory_space<vmem>>
      %dma_wait3A_163 = arith.constant 0 : i32
      %dma_wait3A_164 = tpu.memref_slice %arg13[%run_scoped3A_117, %dma_wait3A_163] : memref<16x10240xf32, #tpu.memory_space<vmem_shared>> -> memref<1x10240xf32, #tpu.memory_space<vmem_shared>>
      %dma_wait3A_165 = tpu.memref_squeeze %dma_wait3A_164 : memref<1x10240xf32, #tpu.memory_space<vmem_shared>> -> memref<10240xf32, #tpu.memory_space<vmem_shared>>
      %dma_wait3A_166 = tpu.memref_slice %dma_wait3A_165[%mul3A_116] : memref<10240xf32, #tpu.memory_space<vmem_shared>> -> memref<640xf32, #tpu.memory_space<vmem_shared>>
      tpu.wait_dma2 semaphore(%run_scoped3A_139 : memref<!tpu.dma_semaphore, #tpu.memory_space<semaphore_mem>>) src(%dma_wait3A_166 : memref<640xf32, #tpu.memory_space<vmem_shared>>) dst(%dma_wait3A_162 : memref<640xf32, #tpu.memory_space<vmem>>)
      tpu.yield
    }) : () -> ()
    %scan3A_119 = arith.constant 0 : i32
    %scan3A_120 = arith.constant 0 : i32
    %scan3A_121 = arith.constant 40 : i32
    %scan3A_122 = arith.addi %scan3A_120, %scan3A_121 : i32
    %scan3A_123 = arith.constant 1 : i32
    scf.for %scan3A_139 = %scan3A_120 to %scan3A_122 step %scan3A_123  : i32 {
      %mul3A_140 = arith.constant 16 : i32
      %mul3A_141 = arith.muli %scan3A_139, %mul3A_140 : i32
      %get3A = arith.constant 0 : i32
      %get3A_142 = arith.index_cast %get3A : i32 to index
      %get3A_143 = arith.index_cast %mul3A_141 : i32 to index
      %get3A_144 = tpu.vector_load %arg9[%get3A_142, %get3A_143] {strides = array<i32>} : memref<16x640xf32, #tpu.memory_space<vmem>>, vector<16xf32>,
      %mul3A_145 = arith.constant 16 : i32
      %mul3A_146 = arith.muli %scan3A_139, %mul3A_145 : i32
      %get3A_147 = arith.constant 1 : i32
      %get3A_148 = arith.index_cast %get3A_147 : i32 to index
      %get3A_149 = arith.index_cast %mul3A_146 : i32 to index
      %get3A_150 = tpu.vector_load %arg9[%get3A_148, %get3A_149] {strides = array<i32>} : memref<16x640xf32, #tpu.memory_space<vmem>>, vector<16xf32>,
      %add3A_151 = arith.addf %get3A_144, %get3A_150 : vector<16xf32>
      %mul3A_152 = arith.constant 16 : i32
      %mul3A_153 = arith.muli %scan3A_139, %mul3A_152 : i32
      %get3A_154 = arith.constant 2 : i32
      %get3A_155 = arith.index_cast %get3A_154 : i32 to index
      %get3A_156 = arith.index_cast %mul3A_153 : i32 to index
      %get3A_157 = tpu.vector_load %arg9[%get3A_155, %get3A_156] {strides = array<i32>} : memref<16x640xf32, #tpu.memory_space<vmem>>, vector<16xf32>,
      %add3A_158 = arith.addf %add3A_151, %get3A_157 : vector<16xf32>
      %mul3A_159 = arith.constant 16 : i32
      %mul3A_160 = arith.muli %scan3A_139, %mul3A_159 : i32
      %get3A_161 = arith.constant 3 : i32
      %get3A_162 = arith.index_cast %get3A_161 : i32 to index
      %get3A_163 = arith.index_cast %mul3A_160 : i32 to index
      %get3A_164 = tpu.vector_load %arg9[%get3A_162, %get3A_163] {strides = array<i32>} : memref<16x640xf32, #tpu.memory_space<vmem>>, vector<16xf32>,
      %add3A_165 = arith.addf %add3A_158, %get3A_164 : vector<16xf32>
      %mul3A_166 = arith.constant 16 : i32
      %mul3A_167 = arith.muli %scan3A_139, %mul3A_166 : i32
      %get3A_168 = arith.constant 4 : i32
      %get3A_169 = arith.index_cast %get3A_168 : i32 to index
      %get3A_170 = arith.index_cast %mul3A_167 : i32 to index
      %get3A_171 = tpu.vector_load %arg9[%get3A_169, %get3A_170] {strides = array<i32>} : memref<16x640xf32, #tpu.memory_space<vmem>>, vector<16xf32>,
      %add3A_172 = arith.addf %add3A_165, %get3A_171 : vector<16xf32>
      %mul3A_173 = arith.constant 16 : i32
      %mul3A_174 = arith.muli %scan3A_139, %mul3A_173 : i32
      %get3A_175 = arith.constant 5 : i32
      %get3A_176 = arith.index_cast %get3A_175 : i32 to index
      %get3A_177 = arith.index_cast %mul3A_174 : i32 to index
      %get3A_178 = tpu.vector_load %arg9[%get3A_176, %get3A_177] {strides = array<i32>} : memref<16x640xf32, #tpu.memory_space<vmem>>, vector<16xf32>,
      %add3A_179 = arith.addf %add3A_172, %get3A_178 : vector<16xf32>
      %mul3A_180 = arith.constant 16 : i32
      %mul3A_181 = arith.muli %scan3A_139, %mul3A_180 : i32
      %get3A_182 = arith.constant 6 : i32
      %get3A_183 = arith.index_cast %get3A_182 : i32 to index
      %get3A_184 = arith.index_cast %mul3A_181 : i32 to index
      %get3A_185 = tpu.vector_load %arg9[%get3A_183, %get3A_184] {strides = array<i32>} : memref<16x640xf32, #tpu.memory_space<vmem>>, vector<16xf32>,
      %add3A_186 = arith.addf %add3A_179, %get3A_185 : vector<16xf32>
      %mul3A_187 = arith.constant 16 : i32
      %mul3A_188 = arith.muli %scan3A_139, %mul3A_187 : i32
      %get3A_189 = arith.constant 7 : i32
      %get3A_190 = arith.index_cast %get3A_189 : i32 to index
      %get3A_191 = arith.index_cast %mul3A_188 : i32 to index
      %get3A_192 = tpu.vector_load %arg9[%get3A_190, %get3A_191] {strides = array<i32>} : memref<16x640xf32, #tpu.memory_space<vmem>>, vector<16xf32>,
      %add3A_193 = arith.addf %add3A_186, %get3A_192 : vector<16xf32>
      %mul3A_194 = arith.constant 16 : i32
      %mul3A_195 = arith.muli %scan3A_139, %mul3A_194 : i32
      %get3A_196 = arith.constant 8 : i32
      %get3A_197 = arith.index_cast %get3A_196 : i32 to index
      %get3A_198 = arith.index_cast %mul3A_195 : i32 to index
      %get3A_199 = tpu.vector_load %arg9[%get3A_197, %get3A_198] {strides = array<i32>} : memref<16x640xf32, #tpu.memory_space<vmem>>, vector<16xf32>,
      %add3A_200 = arith.addf %add3A_193, %get3A_199 : vector<16xf32>
      %mul3A_201 = arith.constant 16 : i32
      %mul3A_202 = arith.muli %scan3A_139, %mul3A_201 : i32
      %get3A_203 = arith.constant 9 : i32
      %get3A_204 = arith.index_cast %get3A_203 : i32 to index
      %get3A_205 = arith.index_cast %mul3A_202 : i32 to index
      %get3A_206 = tpu.vector_load %arg9[%get3A_204, %get3A_205] {strides = array<i32>} : memref<16x640xf32, #tpu.memory_space<vmem>>, vector<16xf32>,
      %add3A_207 = arith.addf %add3A_200, %get3A_206 : vector<16xf32>
      %mul3A_208 = arith.constant 16 : i32
      %mul3A_209 = arith.muli %scan3A_139, %mul3A_208 : i32
      %get3A_210 = arith.constant 10 : i32
      %get3A_211 = arith.index_cast %get3A_210 : i32 to index
      %get3A_212 = arith.index_cast %mul3A_209 : i32 to index
      %get3A_213 = tpu.vector_load %arg9[%get3A_211, %get3A_212] {strides = array<i32>} : memref<16x640xf32, #tpu.memory_space<vmem>>, vector<16xf32>,
      %add3A_214 = arith.addf %add3A_207, %get3A_213 : vector<16xf32>
      %mul3A_215 = arith.constant 16 : i32
      %mul3A_216 = arith.muli %scan3A_139, %mul3A_215 : i32
      %get3A_217 = arith.constant 11 : i32
      %get3A_218 = arith.index_cast %get3A_217 : i32 to index
      %get3A_219 = arith.index_cast %mul3A_216 : i32 to index
      %get3A_220 = tpu.vector_load %arg9[%get3A_218, %get3A_219] {strides = array<i32>} : memref<16x640xf32, #tpu.memory_space<vmem>>, vector<16xf32>,
      %add3A_221 = arith.addf %add3A_214, %get3A_220 : vector<16xf32>
      %mul3A_222 = arith.constant 16 : i32
      %mul3A_223 = arith.muli %scan3A_139, %mul3A_222 : i32
      %get3A_224 = arith.constant 12 : i32
      %get3A_225 = arith.index_cast %get3A_224 : i32 to index
      %get3A_226 = arith.index_cast %mul3A_223 : i32 to index
      %get3A_227 = tpu.vector_load %arg9[%get3A_225, %get3A_226] {strides = array<i32>} : memref<16x640xf32, #tpu.memory_space<vmem>>, vector<16xf32>,
      %add3A_228 = arith.addf %add3A_221, %get3A_227 : vector<16xf32>
      %mul3A_229 = arith.constant 16 : i32
      %mul3A_230 = arith.muli %scan3A_139, %mul3A_229 : i32
      %get3A_231 = arith.constant 13 : i32
      %get3A_232 = arith.index_cast %get3A_231 : i32 to index
      %get3A_233 = arith.index_cast %mul3A_230 : i32 to index
      %get3A_234 = tpu.vector_load %arg9[%get3A_232, %get3A_233] {strides = array<i32>} : memref<16x640xf32, #tpu.memory_space<vmem>>, vector<16xf32>,
      %add3A_235 = arith.addf %add3A_228, %get3A_234 : vector<16xf32>
      %mul3A_236 = arith.constant 16 : i32
      %mul3A_237 = arith.muli %scan3A_139, %mul3A_236 : i32
      %get3A_238 = arith.constant 14 : i32
      %get3A_239 = arith.index_cast %get3A_238 : i32 to index
      %get3A_240 = arith.index_cast %mul3A_237 : i32 to index
      %get3A_241 = tpu.vector_load %arg9[%get3A_239, %get3A_240] {strides = array<i32>} : memref<16x640xf32, #tpu.memory_space<vmem>>, vector<16xf32>,
      %add3A_242 = arith.addf %add3A_235, %get3A_241 : vector<16xf32>
      %mul3A_243 = arith.constant 16 : i32
      %mul3A_244 = arith.muli %scan3A_139, %mul3A_243 : i32
      %get3A_245 = arith.constant 15 : i32
      %get3A_246 = arith.index_cast %get3A_245 : i32 to index
      %get3A_247 = arith.index_cast %mul3A_244 : i32 to index
      %get3A_248 = tpu.vector_load %arg9[%get3A_246, %get3A_247] {strides = array<i32>} : memref<16x640xf32, #tpu.memory_space<vmem>>, vector<16xf32>,
      %add3A_249 = arith.addf %add3A_242, %get3A_248 : vector<16xf32>
      %mul3A_250 = arith.constant 16 : i32
      %mul3A_251 = arith.muli %scan3A_139, %mul3A_250 : i32
      %swap3A = arith.index_cast %mul3A_251 : i32 to index
      %swap3A_252 = tpu.vector_load %arg10[%swap3A] {strides = array<i32>} : memref<640xf32, #tpu.memory_space<vmem>>, vector<16xf32>,
      tpu.vector_store %arg10[%swap3A], %add3A_249 {strides = array<i32>} : memref<640xf32, #tpu.memory_space<vmem>>, vector<16xf32>,
    }
    %scan3A_124 = arith.constant 40 : i32
    %scan3A_125 = arith.constant 0 : i32
    %scan3A_126 = arith.constant 0 : i32
    %scan3A_127 = arith.constant 640 : i32
    %scan3A_128 = arith.addi %scan3A_126, %scan3A_127 : i32
    %scan3A_129 = arith.constant 1 : i32
    scf.for %scan3A_139 = %scan3A_126 to %scan3A_128 step %scan3A_129  : i32 {
      %broadcast_in_dim3A_140 = vector.broadcast %scan3A_139 : i32 to vector<16xi32>
      %gather3A = tpu.vector_load_idx %arg10[%broadcast_in_dim3A_140] : memref<640xf32, #tpu.memory_space<vmem>>[vector<16xi32>], vector<16xf32>,
      %mul3A_141 = arith.constant 16 : i32
      %mul3A_142 = arith.muli %scan3A_139, %mul3A_141 : i32
      %swap3A = arith.index_cast %mul3A_142 : i32 to index
      %swap3A_143 = tpu.vector_load %arg11[%swap3A] {strides = array<i32>} : memref<10240xf32, #tpu.memory_space<vmem>>, vector<16xf32>,
      tpu.vector_store %arg11[%swap3A], %gather3A {strides = array<i32>} : memref<10240xf32, #tpu.memory_space<vmem>>, vector<16xf32>,
    }
    %scan3A_130 = arith.constant 640 : i32
    %mul3A_131 = arith.constant 640 : i32
    %mul3A_132 = arith.muli %arg1, %mul3A_131 : i32
    %mul3A_133 = arith.constant 16 : i32
    %mul3A_134 = arith.muli %mul3A_132, %mul3A_133 : i32
    "tpu.region"() ({
      %run_scoped3A_139 = tpu.sem_alloc : memref<!tpu.dma_semaphore, #tpu.memory_space<semaphore_mem>>
      %dma_start3A = arith.constant 0 : i32
      %dma_start3A_140 = tpu.memref_slice %arg5[%arg0, %dma_start3A] : memref<2x163840xf32, #tpu.memory_space<hbm>> -> memref<1x163840xf32, #tpu.memory_space<hbm>>
      %dma_start3A_141 = tpu.memref_squeeze %dma_start3A_140 : memref<1x163840xf32, #tpu.memory_space<hbm>> -> memref<163840xf32, #tpu.memory_space<hbm>>
      %dma_start3A_142 = tpu.memref_slice %dma_start3A_141[%mul3A_134] : memref<163840xf32, #tpu.memory_space<hbm>> -> memref<10240xf32, #tpu.memory_space<hbm>>
      %dma_start3A_143 = arith.constant 0 : i32
      %dma_start3A_144 = tpu.memref_slice %arg5[%arg0, %dma_start3A_143] : memref<2x163840xf32, #tpu.memory_space<hbm>> -> memref<1x163840xf32, #tpu.memory_space<hbm>>
      %dma_start3A_145 = tpu.memref_squeeze %dma_start3A_144 : memref<1x163840xf32, #tpu.memory_space<hbm>> -> memref<163840xf32, #tpu.memory_space<hbm>>
      %dma_start3A_146 = tpu.memref_slice %dma_start3A_145[%mul3A_134] : memref<163840xf32, #tpu.memory_space<hbm>> -> memref<10240xf32, #tpu.memory_space<hbm>>
      tpu.enqueue_dma source(%arg11 : memref<10240xf32, #tpu.memory_space<vmem>>) target(%dma_start3A_146 : memref<10240xf32, #tpu.memory_space<hbm>>) target_semaphore(%run_scoped3A_139 : memref<!tpu.dma_semaphore, #tpu.memory_space<semaphore_mem>>)
      %dma_wait3A_147 = arith.constant 0 : i32
      %dma_wait3A_148 = tpu.memref_slice %arg5[%arg0, %dma_wait3A_147] : memref<2x163840xf32, #tpu.memory_space<hbm>> -> memref<1x163840xf32, #tpu.memory_space<hbm>>
      %dma_wait3A_149 = tpu.memref_squeeze %dma_wait3A_148 : memref<1x163840xf32, #tpu.memory_space<hbm>> -> memref<163840xf32, #tpu.memory_space<hbm>>
      %dma_wait3A_150 = tpu.memref_slice %dma_wait3A_149[%mul3A_134] : memref<163840xf32, #tpu.memory_space<hbm>> -> memref<10240xf32, #tpu.memory_space<hbm>>
      %dma_wait3A_151 = arith.constant 0 : i32
      %dma_wait3A_152 = tpu.memref_slice %arg5[%arg0, %dma_wait3A_151] : memref<2x163840xf32, #tpu.memory_space<hbm>> -> memref<1x163840xf32, #tpu.memory_space<hbm>>
      %dma_wait3A_153 = tpu.memref_squeeze %dma_wait3A_152 : memref<1x163840xf32, #tpu.memory_space<hbm>> -> memref<163840xf32, #tpu.memory_space<hbm>>
      %dma_wait3A_154 = tpu.memref_slice %dma_wait3A_153[%mul3A_134] : memref<163840xf32, #tpu.memory_space<hbm>> -> memref<10240xf32, #tpu.memory_space<hbm>>
      tpu.wait_dma2 semaphore(%run_scoped3A_139 : memref<!tpu.dma_semaphore, #tpu.memory_space<semaphore_mem>>) src(%arg11 : memref<10240xf32, #tpu.memory_space<vmem>>) dst(%dma_wait3A_154 : memref<10240xf32, #tpu.memory_space<hbm>>)
      tpu.yield
    }) : () -> ()
    %mul3A_135 = arith.constant 640 : i32
    %mul3A_136 = arith.muli %arg1, %mul3A_135 : i32
    %mul3A_137 = arith.constant 640 : i32
    %mul3A_138 = arith.muli %arg1, %mul3A_137 : i32
    "tpu.region"() ({
      %run_scoped3A_139 = tpu.sem_alloc : memref<!tpu.dma_semaphore, #tpu.memory_space<semaphore_mem>>
      %dma_start3A = arith.constant 0 : i32
      %dma_start3A_140 = arith.constant 0 : i32
      %dma_start3A_141 = tpu.memref_slice %arg4[%arg0, %dma_start3A, %dma_start3A_140] : memref<2x10240x16xf32, #tpu.memory_space<hbm>> -> memref<1x10240x16xf32, #tpu.memory_space<hbm>>
      %dma_start3A_142 = tpu.memref_squeeze %dma_start3A_141 : memref<1x10240x16xf32, #tpu.memory_space<hbm>> -> memref<10240x16xf32, #tpu.memory_space<hbm>>
      %dma_start3A_143 = arith.constant 0 : i32
      %dma_start3A_144 = tpu.memref_slice %dma_start3A_142[%mul3A_138, %dma_start3A_143] : memref<10240x16xf32, #tpu.memory_space<hbm>> -> memref<640x16xf32, #tpu.memory_space<hbm>>
      %dma_start3A_145 = arith.constant 0 : i32
      %dma_start3A_146 = tpu.memref_slice %arg12[%mul3A_136, %dma_start3A_145] : memref<10240x16xf32, #tpu.memory_space<vmem_shared>> -> memref<640x16xf32, #tpu.memory_space<vmem_shared>>
      tpu.enqueue_dma source(%dma_start3A_146 : memref<640x16xf32, #tpu.memory_space<vmem_shared>>) target(%dma_start3A_144 : memref<640x16xf32, #tpu.memory_space<hbm>>) target_semaphore(%run_scoped3A_139 : memref<!tpu.dma_semaphore, #tpu.memory_space<semaphore_mem>>)
      %dma_wait3A_147 = arith.constant 0 : i32
      %dma_wait3A_148 = arith.constant 0 : i32
      %dma_wait3A_149 = tpu.memref_slice %arg4[%arg0, %dma_wait3A_147, %dma_wait3A_148] : memref<2x10240x16xf32, #tpu.memory_space<hbm>> -> memref<1x10240x16xf32, #tpu.memory_space<hbm>>
      %dma_wait3A_150 = tpu.memref_squeeze %dma_wait3A_149 : memref<1x10240x16xf32, #tpu.memory_space<hbm>> -> memref<10240x16xf32, #tpu.memory_space<hbm>>
      %dma_wait3A_151 = arith.constant 0 : i32
      %dma_wait3A_152 = tpu.memref_slice %dma_wait3A_150[%mul3A_138, %dma_wait3A_151] : memref<10240x16xf32, #tpu.memory_space<hbm>> -> memref<640x16xf32, #tpu.memory_space<hbm>>
      %dma_wait3A_153 = arith.constant 0 : i32
      %dma_wait3A_154 = tpu.memref_slice %arg12[%mul3A_136, %dma_wait3A_153] : memref<10240x16xf32, #tpu.memory_space<vmem_shared>> -> memref<640x16xf32, #tpu.memory_space<vmem_shared>>
      tpu.wait_dma2 semaphore(%run_scoped3A_139 : memref<!tpu.dma_semaphore, #tpu.memory_space<semaphore_mem>>) src(%dma_wait3A_154 : memref<640x16xf32, #tpu.memory_space<vmem_shared>>) dst(%dma_wait3A_152 : memref<640x16xf32, #tpu.memory_space<hbm>>)
      tpu.yield
    }) : () -> ()
    return
  }
}

module attributes {stable_mosaic.version = 14 : i64} {
  func.func @_tc_edge(%arg0: memref<2x1280x128xf32, #tpu.memory_space<vmem>>, %arg1: memref<2x1280x128xf32, #tpu.memory_space<vmem>>, %arg2: memref<128x1024xf32, #tpu.memory_space<vmem>>, %arg3: memref<1280x1024xf32, #tpu.memory_space<vmem>>) attributes {dimension_semantics = [], scalar_prefetch = 0 : i64, scratch_operands = 0 : i64, tpu.core_type = #tpu.core_type<tc>} {
    %get3A = arith.constant 0 : index
    %get3A_0 = arith.constant 0 : index
    %get3A_1 = arith.constant 0 : index
    %get3A_2 = vector.load %arg0[%get3A, %get3A_0, %get3A_1] : memref<2x1280x128xf32, #tpu.memory_space<vmem>>, vector<1x1280x128xf32>
    %get3A_3 = vector.shape_cast %get3A_2 : vector<1x1280x128xf32> to vector<1280x128xf32>
    %get3A_4 = arith.constant 1 : index
    %get3A_5 = arith.constant 0 : index
    %get3A_6 = arith.constant 0 : index
    %get3A_7 = vector.load %arg0[%get3A_4, %get3A_5, %get3A_6] : memref<2x1280x128xf32, #tpu.memory_space<vmem>>, vector<1x1280x128xf32>
    %get3A_8 = vector.shape_cast %get3A_7 : vector<1x1280x128xf32> to vector<1280x128xf32>
    %add3A = arith.addf %get3A_3, %get3A_8 : vector<1280x128xf32>
    %get3A_9 = arith.constant 0 : index
    %get3A_10 = arith.constant 0 : index
    %get3A_11 = arith.constant 0 : index
    %get3A_12 = vector.load %arg1[%get3A_9, %get3A_10, %get3A_11] : memref<2x1280x128xf32, #tpu.memory_space<vmem>>, vector<1x1280x128xf32>
    %get3A_13 = vector.shape_cast %get3A_12 : vector<1x1280x128xf32> to vector<1280x128xf32>
    %get3A_14 = arith.constant 1 : index
    %get3A_15 = arith.constant 0 : index
    %get3A_16 = arith.constant 0 : index
    %get3A_17 = vector.load %arg1[%get3A_14, %get3A_15, %get3A_16] : memref<2x1280x128xf32, #tpu.memory_space<vmem>>, vector<1x1280x128xf32>
    %get3A_18 = vector.shape_cast %get3A_17 : vector<1x1280x128xf32> to vector<1280x128xf32>
    %add3A_19 = arith.addf %get3A_13, %get3A_18 : vector<1280x128xf32>
    %max3A = arith.constant 1.000000e+00 : f32
    %max3A_20 = vector.broadcast %max3A : f32 to vector<1280x128xf32>
    %max3A_21 = arith.maximumf %add3A_19, %max3A_20 : vector<1280x128xf32>
    %div3A = arith.divf %add3A, %max3A_21 : vector<1280x128xf32>
    %get3A_22 = arith.constant 0 : index
    %get3A_23 = arith.constant 0 : index
    %get3A_24 = vector.load %arg2[%get3A_22, %get3A_23] : memref<128x1024xf32, #tpu.memory_space<vmem>>, vector<128x1024xf32>
    %dot_general3A = arith.constant dense<0.000000e+00> : vector<1280x1024xf32>
    %dot_general3A_25 = tpu.matmul %div3A, %get3A_24, %dot_general3A {dimension_numbers = #tpu.dot_dimension_numbers<[1], [0], [0], [1], [0, 0, 1, 1], [], []>, transpose_lhs_hint = false} : vector<1280x128xf32>, vector<128x1024xf32>, vector<1280x1024xf32> -> vector<1280x1024xf32>
    %swap3A = arith.constant 0 : index
    %swap3A_26 = arith.constant 0 : index
    %swap3A_27 = vector.load %arg3[%swap3A, %swap3A_26] : memref<1280x1024xf32, #tpu.memory_space<vmem>>, vector<1280x1024xf32>
    tpu.vector_store %arg3[%swap3A, %swap3A_26], %dot_general3A_25 {strides = array<i32>} : memref<1280x1024xf32, #tpu.memory_space<vmem>>, vector<1280x1024xf32>,
    return
  }
}

module attributes {stable_mosaic.version = 14 : i64} {
  func.func @_tc_final(%arg0: i32, %arg1: memref<2000x128xf32, #tpu.memory_space<vmem>>, %arg2: memref<2000x128xf32, #tpu.memory_space<vmem>>, %arg3: memref<128x128xf32, #tpu.memory_space<vmem>>, %arg4: memref<1x128xf32, #tpu.memory_space<vmem>>, %arg5: memref<2000x128xf32, #tpu.memory_space<vmem>>) attributes {dimension_semantics = [#tpu.dimension_semantics<arbitrary>], iteration_bounds = array<i64: 5>, scalar_prefetch = 0 : i64, scratch_operands = 0 : i64, tpu.core_type = #tpu.core_type<tc>, window_params = [{transform_indices = @transform_0, window_bounds = array<i64: 2000, 128>}, {transform_indices = @transform_1, window_bounds = array<i64: 2000, 128>}, {pipeline_mode = #tpu.pipeline_mode<synchronous>, transform_indices = @transform_2, window_bounds = array<i64: 128, 128>}, {pipeline_mode = #tpu.pipeline_mode<synchronous>, transform_indices = @transform_3, window_bounds = array<i64: 1, 128>}, {transform_indices = @transform_4, window_bounds = array<i64: 2000, 128>}]} {
    %get3A = arith.constant 0 : index
    %get3A_0 = arith.constant 0 : index
    %get3A_1 = vector.load %arg1[%get3A, %get3A_0] : memref<2000x128xf32, #tpu.memory_space<vmem>>, vector<2000x128xf32>
    %get3A_2 = arith.constant 0 : index
    %get3A_3 = arith.constant 0 : index
    %get3A_4 = vector.load %arg3[%get3A_2, %get3A_3] : memref<128x128xf32, #tpu.memory_space<vmem>>, vector<128x128xf32>
    %dot_general3A = arith.constant dense<0.000000e+00> : vector<2000x128xf32>
    %dot_general3A_5 = tpu.matmul %get3A_1, %get3A_4, %dot_general3A {dimension_numbers = #tpu.dot_dimension_numbers<[1], [0], [0], [1], [0, 0, 1, 1], [], []>, transpose_lhs_hint = false} : vector<2000x128xf32>, vector<128x128xf32>, vector<2000x128xf32> -> vector<2000x128xf32>
    %get3A_6 = arith.constant 0 : index
    %get3A_7 = arith.constant 0 : index
    %get3A_8 = vector.load %arg2[%get3A_6, %get3A_7] : memref<2000x128xf32, #tpu.memory_space<vmem>>, vector<2000x128xf32>
    %add3A = arith.addf %dot_general3A_5, %get3A_8 : vector<2000x128xf32>
    %get3A_9 = arith.constant 0 : index
    %get3A_10 = arith.constant 0 : index
    %get3A_11 = vector.load %arg4[%get3A_9, %get3A_10] : memref<1x128xf32, #tpu.memory_space<vmem>>, vector<1x128xf32>
    %add3A_12 = vector.broadcast %get3A_11 : vector<1x128xf32> to vector<2000x128xf32>
    %add3A_13 = arith.addf %add3A, %add3A_12 : vector<2000x128xf32>
    %swap3A = arith.constant 0 : index
    %swap3A_14 = arith.constant 0 : index
    %swap3A_15 = vector.load %arg5[%swap3A, %swap3A_14] : memref<2000x128xf32, #tpu.memory_space<vmem>>, vector<2000x128xf32>
    tpu.vector_store %arg5[%swap3A, %swap3A_14], %add3A_13 {strides = array<i32>} : memref<2000x128xf32, #tpu.memory_space<vmem>>, vector<2000x128xf32>,
    return
  }
  func.func @transform_0(%arg0: i32) -> (i32, i32) {
    %c0_i32 = arith.constant 0 : i32
    %c0_i32_0 = arith.constant 0 : i32
    return %arg0, %c0_i32 : i32, i32
  }
  func.func @transform_1(%arg0: i32) -> (i32, i32) {
    %c0_i32 = arith.constant 0 : i32
    %c0_i32_0 = arith.constant 0 : i32
    return %arg0, %c0_i32 : i32, i32
  }
  func.func @transform_2(%arg0: i32) -> (i32, i32) {
    %c0_i32 = arith.constant 0 : i32
    %c0_i32_0 = arith.constant 0 : i32
    %c0_i32_1 = arith.constant 0 : i32
    return %c0_i32, %c0_i32_0 : i32, i32
  }
  func.func @transform_3(%arg0: i32) -> (i32, i32) {
    %c0_i32 = arith.constant 0 : i32
    %c0_i32_0 = arith.constant 0 : i32
    %c0_i32_1 = arith.constant 0 : i32
    return %c0_i32, %c0_i32_0 : i32, i32
  }
  func.func @transform_4(%arg0: i32) -> (i32, i32) {
    %c0_i32 = arith.constant 0 : i32
    %c0_i32_0 = arith.constant 0 : i32
    return %arg0, %c0_i32 : i32, i32
  }
}

</mosaic_0001>

<sc_bundles>
// kernel: kernel.5.cloned.1.call-start
scs
__scs_entry_jumppad:
0x0: {  	(pc) =	sbr.rel $0x88, $3  }
0x1: {  	(tag) =	ssettag $0x0;
	lr =	simm.s32 $0x1  }
0x2: {  	[smem:$0x3F9C] =	sst lr;
	_ =	strace $0xD0000000  }
0x3: {  	_ = 	snop  }
0x4: {  	_ = 	snop  }
0x5: {  	_ = 	snop  }
0x6: {  	_ = 	snop  }
0x7: {  	_ = 	snop  }
__scs_overlays_trampoline_lowered:
0x8: {  	[smem:$0x3FAB] =	sst s0  }
0x9: {  	[smem:$0x3FAC] =	sst s1  }
0xa: {  	[smem:$0x3FAD] =	sst s2  }
0xb: {  	[smem:$0x3FAE] =	sst s3  }
0xc: {  	[smem:$0x3FAF] =	sst s4  }
0xd: {  	[smem:$0x3FB0] =	sst s5  }
0xe: {  	[smem:$0x3FB1] =	sst s6  }
0xf: {  	[smem:$0x3FB2] =	sst s7  }
0x10: {  	[smem:$0x3FB3] =	sst s8  }
0x11: {  	[smem:$0x3FB4] =	sst s9;
	s0 =	simm.s32 @!p0 $0x0  }
0x12: {  	s1 =	sld [smem:$0x3F9A];
	s0 =	simm.s32 @p0 $0x1  }
0x13: {  	[smem:$0x3FB5] =	sst s0;
	s0 =	simm.s32 @!p1 $0x0  }
0x14: {  	s2 =	sld [smem:$0x3F99];
	s0 =	simm.s32 @p1 $0x1  }
0x15: {  	[smem:$0x3FB6] =	sst s0;
	s0 =	simm.s32 @!p2 $0x0  }
0x16: {  	s3 =	sld [smem:$0x3FDB];
	s0 =	simm.s32 @p2 $0x1  }
0x17: {  	s4 =	simm.s32 $0x1BF5;
	[smem:$0x3FB8] =	sst s0  }
0x18: {  	s0 =	sld [smem:$0x3F9B];
	_ =	swait.ge [sflag:s4], $0x0  }
0x19: {  	s7 =	sld [smem:$0x3F9C]  }
0x1a: {  	s8 =	sadd.s32 $0xFFFFE003, lr  }
0x1b: {  	s9 =	sadd.s32 $0xFFFFFEF7, lr;
	s5 =	simm.s32 $0xFFFFFFFF;
	p2 =	slt.u32 s8, $0xFFFFF086  }
0x1c: {  	p1 =	slt.u32 s9, $0xF7A;
	s5 =	simm.s32 @!p2 $0x0  }
0x1d: {  	s5 =	simm.s32 @p1 $0x1;
	p0 =	seq.s32 s7, s2  }
0x1e: {  	s7 =	smul.u32 @!p0 $0xF7A, s2;
	p2 =	seq.s32 @!p0 s5, $0x0  }
0x1f: {  	s9 =	smul.u32 $0xF7A, s1;
	s8 =	simm.s32 @!p0 $0x1BF5;
	p2 =	por !p2, p0  }
0x20: {  	[sflag:s8] =	ssyncset.s32 @!p0 $0xFFFFF086;
	s6 =	sadd.s32 @!p0 s3, s7;
	s7 =	simm.s32 @!p0 $0x108  }
0x21: {  	s3 =	sadd.s32 s3, s9;
	s6 =	sadd.s32 @!p0 $0x88, s6;
	s7 =	simm.s32 @p2 $0x1082  }
0x22: {  	[simem:s7], [sflag:s8] =	dma.local @!p0 [hbm:s6], $0xF7A  }
0x23: {  	s9 =	sor.u32 $0xD0000000, s2;
	s6 =	simm.s32 $0x108;
	_ =	swait.ge @!p0 [sflag:s8], $0x0  }
0x24: {  	s3 =	sadd.s32 $0x88, s3;
	s6 =	simm.s32 @!p1 $0x1082;
	[sflag:s4] =	ssyncset.s32 $0xFFFFF086  }
0x25: {  	[simem:s6], [sflag:s4] =	dma.local [hbm:s3], $0xF7A  }
0x26: {  	[smem:$0x3F9C] =	sst s1;
	(tag) =	ssettag s2;
	_ =	strace s9  }
0x27: {  	s1 =	sld [smem:$0x3FAC]  }
0x28: {  	s2 =	sld [smem:$0x3FAD]  }
0x29: {  	s4 =	sld [smem:$0x3FAF]  }
0x2a: {  	p0 =	seq.s32 s5, $0x0;
	s5 =	sld [smem:$0x3FB0]  }
0x2b: {  	s6 =	sld [smem:$0x3FB1]  }
0x2c: {  	s7 =	sld [smem:$0x3FB2]  }
0x2d: {  	s3 =	simm.s32 $0x108;
	s8 =	sld [smem:$0x3FB3]  }
0x2e: {  	s3 =	simm.s32 @!p0 $0x1082;
	s9 =	sld [smem:$0x3FB4]  }
0x2f: {  	lr =	sadd.s32 s0, s3;
	s0 =	sld [smem:$0x3FAB]  }
0x30: {  	s3 =	sld [smem:$0x3FAE]  }
0x31: {  	[smem:$0x3FB7] =	sst s10  }
0x32: {  	s10 =	sld [smem:$0x3FB5];
	_ =	sdelay $0x3  }
0x33: {  	p0 =	seq.s32 s10, $0x1;
	s10 =	sld [smem:$0x3FB7];
	_ =	sdelay $0x3  }
0x34: {  	[smem:$0x3FB7] =	sst s10  }
0x35: {  	s10 =	sld [smem:$0x3FB6];
	_ =	sdelay $0x3  }
0x36: {  	p1 =	seq.s32 s10, $0x1;
	s10 =	sld [smem:$0x3FB7];
	_ =	sdelay $0x3  }
0x37: {  	[smem:$0x3FB7] =	sst s10  }
0x38: {  	s10 =	sld [smem:$0x3FB8]  }
0x39: {  	_ = 	snop;
	(pc) =	sbr.ind lr, $3  }
0x3a: {  	_ = 	snop  }
0x3b: {  	_ = 	snop  }
0x3c: {  	p2 =	seq.s32 s10, $0x1;
	s10 =	sld [smem:$0x3FB7]  }
0x3d: {  	_ =	shalt  }
0x3e: {  	_ =	shalt  }
0x3f: {  	_ =	shalt  }
0x40: {  	_ =	shalt  }
0x41: {  	_ =	shalt  }
0x42: {  	_ =	shalt  }
0x43: {  	_ =	shalt  }
0x44: {  	_ =	shalt  }
0x45: {  	_ =	shalt  }
0x46: {  	_ =	shalt  }
0x47: {  	_ =	shalt  }
0x48: {  	_ =	shalt  }
0x49: {  	_ =	shalt  }
0x4a: {  	_ =	shalt  }
0x4b: {  	_ =	shalt  }
0x4c: {  	_ =	shalt  }
0x4d: {  	_ =	shalt  }
0x4e: {  	_ =	shalt  }
0x4f: {  	_ =	shalt  }
0x50: {  	_ =	shalt  }
0x51: {  	_ =	shalt  }
0x52: {  	_ =	shalt  }
0x53: {  	_ =	shalt  }
0x54: {  	_ =	shalt  }
0x55: {  	_ =	shalt  }
0x56: {  	_ =	shalt  }
0x57: {  	_ =	shalt  }
0x58: {  	_ =	shalt  }
0x59: {  	_ =	shalt  }
0x5a: {  	_ =	shalt  }
0x5b: {  	_ =	shalt  }
0x5c: {  	_ =	shalt  }
0x5d: {  	_ =	shalt  }
0x5e: {  	_ =	shalt  }
0x5f: {  	_ =	shalt  }
0x60: {  	_ =	shalt  }
0x61: {  	_ =	shalt  }
0x62: {  	_ =	shalt  }
0x63: {  	_ =	shalt  }
0x64: {  	_ =	shalt  }
0x65: {  	_ =	shalt  }
0x66: {  	_ =	shalt  }
0x67: {  	_ =	shalt  }
0x68: {  	_ =	shalt  }
0x69: {  	_ =	shalt  }
0x6a: {  	_ =	shalt  }
0x6b: {  	_ =	shalt  }
0x6c: {  	_ =	shalt  }
0x6d: {  	_ =	shalt  }
0x6e: {  	_ =	shalt  }
0x6f: {  	_ =	shalt  }
0x70: {  	_ =	shalt  }
0x71: {  	_ =	shalt  }
0x72: {  	_ =	shalt  }
0x73: {  	_ =	shalt  }
0x74: {  	_ =	shalt  }
0x75: {  	_ =	shalt  }
0x76: {  	_ =	shalt  }
0x77: {  	_ =	shalt  }
0x78: {  	_ =	shalt  }
0x79: {  	_ =	shalt  }
0x7a: {  	_ =	shalt  }
0x7b: {  	_ =	shalt  }
0x7c: {  	_ =	shalt  }
0x7d: {  	_ =	shalt  }
0x7e: {  	_ =	shalt  }
0x7f: {  	_ =	shalt  }
0x80: {  	_ =	shalt  }
0x81: {  	_ =	shalt  }
0x82: {  	_ =	shalt  }
0x83: {  	_ =	shalt  }
0x84: {  	_ =	shalt  }
0x85: {  	_ =	shalt  }
0x86: {  	_ =	shalt  }
0x87: {  	_ =	shalt  }
.Lfunc_end0:
.L_simem_size_0:
called_computation_lowered:
.L_overlay_start_0:
0x88: {  	s2 =	sld [smem:$0x3FD9]  }
0x89: {  	s3 =	sld [smem:$0x3FFE];
	_ =	sdelay $0x1  }
0x8a: {  	s1 =	srdreg.scid  }
0x8b: {  	s0 =	sand.u32 $0x1, s1  }
0x8c: {  	s17 =	sshll.u32 s0, $0xA;
	s2 =	sadd.s32 s3, s2  }
0x8d: {  	s2 =	sadd.s32 s2, s17  }
0x8e: {  	[smem:$0x3FC3] =	sst s2  }
0x8f: {  	_ = 	snop  }
0x90: {  	s2 =	sld [smem:$0x3FD0];
	(tm) =	ssettm $0x1  }
0x91: {  	s18 =	sld [smem:$0x3FFB];
	_ =	sdelay $0x3  }
0x92: {  	_ =	strace s18  }
0x93: {  	s3 =	sld [smem:$0x3FFC];
	_ =	sdelay $0x3  }
0x94: {  	_ =	strace s3  }
0x95: {  	s3 =	sld [smem:$0x3FFD];
	_ =	sdelay $0x3  }
0x96: {  	_ =	strace s3  }
0x97: {  	_ =	strace $0x8FFFFFFF  }
0x98: {  	s19 =	sld [smem:$0x3FDB];
	_ =	sdelay $0x1  }
0x99: {  	s4 =	simm.s32 $_scs_section_size  }
0x9a: {  	s5 =	simm.s32 $_size__tile_overlayer_lowered;
	s6 =	simm.s32 $_tile_overlayer_lowered  }
0x9b: {  	s22 =	simm.s32 $0x1BFF;
	s21 =	sshll.u32 s6, $0x1;
	s3 =	sadd.s32 s4, s19  }
0x9c: {  	s7 =	simm.s32 $0x0;
	s20 =	sshll.u32 s5, $0x1;
	s5 =	sadd.s32 s21, s3  }
0x9d: {  	[timem:s7], [sflag:s22] =	dma.local [hbm:s5], s20  }
0x9e: {  	_ =	swait.ge [sflag:s22], s20  }
0x9f: {  	s4 =	ssub.s32 $0x0, s20;
	[sflag:s22] =	ssyncset.done $0x0  }
0xa0: {  	[sflag:s22] =	ssyncadd.s32 s4;
	_ =	sdelay $0x1  }
0xa1: {  	s23 =	simm.s32 $0x1B8B  }
0xa2: {  	_ =	swait.ge [sflag:s23], $0x1  }
0xa3: {  	[sflag:s23] =	ssyncset.done $0x0  }
0xa4: {  	s25 =	simm.s32 $0x1B8E;
	s24 =	sld [smem:$0x3FFE];
	[sflag:s23] =	ssyncadd.s32 $0xFFFFFFFF  }
0xa5: {  	s26 =	simm.s32 $execute0_lowered;
	[smem:$0x3FD2] =	sst s25  }
0xa6: {  	s5 =	sshll.u32 s26, $0x1;
	_ =	strace $0x80000046;
	[dreg:$0x1] =	wrdreg $0xFFFFFFFF  }
0xa7: {  	s28 =	simm.s32 $_size_execute0_lowered;
	s3 =	sadd.s32 s3, s5;
	[dreg:$0x0] =	wrdreg $0x0  }
0xa8: {  	s5 =	sshll.u32 s28, $0x1;
	[dreg:$0x2] =	wrdreg s3  }
0xa9: {  	[dreg:$0x3] =	wrdreg s5  }
0xaa: {  	[dreg:$0x4] =	wrdreg $0xC0  }
0xab: {  	_ =	task [dreg:s7], $0x5FFFF  }
0xac: {  	[dreg:$0x1] =	wrdreg $0xFFFFFFFF  }
0xad: {  	[dreg:$0x0] =	wrdreg $0x60  }
0xae: {  	[dreg:$0x2] =	wrdreg s24  }
0xaf: {  	[dreg:$0x3] =	wrdreg s2  }
0xb0: {  	[dreg:$0x4] =	wrdreg $0x18A800  }
0xb1: {  	[dreg:$0x5] =	wrdreg $0x1B2800  }
0xb2: {  	[dreg:$0x6] =	wrdreg $0x9  }
0xb3: {  	_ =	task.clear_ibuf [dreg:s7], $0x7FFFF;
	_ =	strace $0x90000046  }
0xb4: {  	s29 =	simm.s32 $0x9;
	_ =	strace $0x80000048  }
0xb5: {  	_ =	swait.ge [sflag:s29], $0x1  }
0xb6: {  	[sflag:s29] =	ssyncadd.s32 $0xFFFFFFFF  }
0xb7: {  	_ =	strace $0x90000048  }
0xb8: {  	_ =	sfence  }
0xb9: {  	s30 =	sld [smem:$0x0];
	_ =	sdelay $0x2  }
0xba: {  	s31 =	sshll.u32 s1, $0xD;
	s1 =	sshrl.u32 s1, $0x2  }
0xbb: {  	s3 =	sand.u32 $0x4000, s31;
	s1 =	sadd.s32 s1, s30  }
0xbc: {  	s0 =	sor.u32 s3, s0;
	s1 =	sshll.u32 s1, $0x11  }
0xbd: {  	s0 =	sor.u32 s1, s0  }
0xbe: {  	s0 =	sadd.s32 $0x8F2B, s0  }
0xbf: {  	[sflag:s0] =	ssyncadd.remote.s32 $0x1  }
0xc0: {  	_ =	sfence.sel $0xFFFF  }
0xc1: {  	[dreg:$0x0] =	wrdreg $0xFFFFFFFF;
	(pc) =	sbr.abs _section_cstart, $3  }
0xc2: {  	[dreg:$0x1] =	wrdreg $0xFFFFFFFF  }
0xc3: {  	_ =	task.clear_ibuf [dreg:s7], $0x2FFFF;
	_ =	strace $0x9FFFFFFF  }
0xc4: {  	(tm) =	ssettm $0x7FFFFFFF  }
0xc5: {  	_ =	shalt  }
tec
execute0_lowered:
.L_overlay_start_1:
0x0: {  	(tag) =	ssettag $0x1  }
0x1: {  	s0 =	rddreg [dreg:$0x0]  }
0x2: {  	s2 =	rddreg [dreg:$0x1]  }
0x3: {  	s1 =	rddreg [dreg:$0x2]  }
0x4: {  	s3 =	rddreg [dreg:$0x3]  }
0x5: {  	s4 =	simm.s32 $0x0;
	s5 =	srdreg.scid;
	s15 =	stileid.u32  }
0x6: {  	s28 =	simm.s32 $0xD800;
	s29 =	simm.s32 $0xE000;
	s30 =	simm.s32 $0xE800  }
0x7: {  	s31 =	simm.s32 $0xF000;
	[smem:$0x7FF] =	sst s4;
	s10 =	smul.u32 $0x2800, s15  }
0x8: {  	s4 =	sadd.s32 $0x1A00, s0;
	s5 =	sand.u32 $0x1, s5;
	s12 =	smul.u32 $0x280, s15  }
0x9: {  	_ =	strace $0x80000047;
	s8 =	smul.u32 $0x5000, s5;
	s6 =	sshll.u32 s5, $0x4  }
0xa: {  	s7 =	ssub.s32 $0x2, s5;
	s5 =	sadd.s32 $0x4E3A00, s0;
	s9 =	sor.u32 s15, s6  }
0xb: {  	s11 =	sshrl.u32 s7, $0x1;
	s19 =	sadd.s32 s10, s1;
	s15 =	sshll.u32 s15, $0x7  }
0xc: {  	s12 =	sadd.s32 s12, s3;
	s3 =	sadd.s32 s10, s3;
	s6 =	smul.u32 $0x2700, s9  }
0xd: {  	s0 =	sadd.s32 s8, s0;
	s11 =	ssub.s32 s7, s11;
	[dreg:$0xb] =	wrdreg s3  }
0xe: {  	s7 =	smul.u32 $0x27000, s9;
	s18 =	sor.u32 $0x4E000, s15;
	[dreg:$0xa] =	wrdreg s12  }
0xf: {  	s22 =	sadd.s32 $0x2800, s12;
	s23 =	sadd.s32 $0x5000, s12;
	[dreg:$0x5] =	wrdreg s19  }
0x10: {  	s24 =	sadd.s32 $0x7800, s12;
	s25 =	sadd.s32 $0xA000, s12;
	[dreg:$0xc] =	wrdreg s22  }
0x11: {  	s26 =	sadd.s32 $0xC800, s12;
	s2 =	sadd.s32 s2, s8;
	[dreg:$0xd] =	wrdreg s23  }
0x12: {  	p0 =	sgt.u32 s9, $0x3;
	s15 =	sshrl.u32 s10, $0x3;
	[dreg:$0xe] =	wrdreg s24  }
0x13: {  	s3 =	simm.s32 $0x1000;
	s9 =	simm.s32 $0x2;
	[dreg:$0xf] =	wrdreg s25  }
0x14: {  	s10 =	simm.s32 $0x80;
	[dreg:$0x10] =	wrdreg s26;
	s16 =	sadd.s32 s15, s2  }
0x15: {  	s8 =	simm.s32 $0x16000;
	s22 =	sadd.s32 $0x1B800, s12;
	[dreg:$0x14] =	wrdreg s16  }
0x16: {  	s20 =	sshrl.u32 s18, $0x3;
	s23 =	sadd.s32 $0x1E000, s12;
	[dreg:$0x19] =	wrdreg s22  }
0x17: {  	s0 =	sadd.s32 $0xB800, s0;
	s24 =	sadd.s32 $0x20800, s12;
	[dreg:$0x1a] =	wrdreg s23  }
0x18: {  	s25 =	sadd.s32 $0x23000, s12;
	s26 =	sadd.s32 $0x25800, s12;
	[dreg:$0x1b] =	wrdreg s24  }
0x19: {  	s2 =	simm.s32 $0x10000;
	s13 =	sshrl.u32 s6, $0x3;
	[dreg:$0x1c] =	wrdreg s25  }
0x1a: {  	s14 =	sshrl.u32 s7, $0x3;
	s0 =	sadd.s32 s15, s0;
	[dreg:$0x1d] =	wrdreg s26  }
0x1b: {  	s24 =	simm.s32 $0x1800;
	s25 =	simm.s32 $0xC800;
	s16 =	simm.s32 $0xC00  }
0x1c: {  	s26 =	simm.s32 $0xD000;
	s13 =	sadd.s32 s4, s13;
	s17 =	sadd.s32 s5, s14  }
0x1d: {  	s14 =	sshll.u32 s18, $0x1;
	[dreg:$0x13] =	wrdreg s0;
	s18 =	smax.u32 s11, $0x1  }
0x1e: {  	s22 =	simm.s32 $0xE80;
	s13 =	sadd.s32 $0x400, s13;
	[dreg:$0x16] =	wrdreg s18  }
0x1f: {  	s23 =	simm.s32 $0xF80;
	s21 =	sadd.s32 s5, s14;
	[dreg:$0x6] =	wrdreg s13  }
0x20: {  	s15 =	simm.s32 $0x11000;
	s14 =	sadd.s32 $0x11800, s12;
	[dreg:$0x9] =	wrdreg s21  }
0x21: {  	s0 =	simm.s32 $0xF800;
	s13 =	sadd.s32 $0x4000, s17;
	[dreg:$0x12] =	wrdreg s14  }
0x22: {  	s18 =	simm.s32 $0xF00;
	s17 =	sadd.s32 $0x14000, s12;
	[dreg:$0x7] =	wrdreg s13  }
0x23: {  	s21 =	sadd.s32 $0x19000, s12;
	s14 =	simm.s32 $0xE00;
	[dreg:$0x15] =	wrdreg s17  }
0x24: {  	s13 =	sadd.s32 s4, s20;
	s20 =	sadd.s32 $0x16800, s12;
	[dreg:$0x18] =	wrdreg s21  }
0x25: {  	s17 =	simm.s32 $0xD00;
	s21 =	simm.s32 $0xD80;
	[dreg:$0x8] =	wrdreg s13  }
0x26: {  	s13 =	sadd.s32 $0xF000, s12;
	[dreg:$0x17] =	wrdreg s20;
	s20 =	simm.s32 $0xC80  }
0x27: {  	v0 =	vimm.f32 $0.0e+00;
	s12 =	simm.s32 $0x0;
	[dreg:$0x11] =	wrdreg s13;
	s13 =	simm.s32 $0x10800  }
.LBB2_1:
0x28: {  	[dreg:$0x1e] =	wrdreg s12;
	s11 =	simm.s32 $0x0  }
.LBB2_2:
0x29: {  	p1 =	sne.s32 s11, $0x9FC0  }
.Ltmp0:
0x2a: {  	_ = 	snop;
	(pc) =	sbr.rel @p1 .LBB2_2-.Ltmp0, $3  }
0x2b: {  	_ =	sdelay $0x1  }
0x2c: {  	s12 =	sshra.s32 s11, $0x2  }
0x2d: {  	s11 =	sadd.s32 $0x40, s11;
	[tilespmem:s12+$0x1000] =	vst v0  }
0x2e: {  	s11 =	simm.s32 $0x40;
	s12 =	simm.s32 $0x0  }
.LBB2_4:
0x2f: {  	p1 =	sne.s32 s11, $0x9FC0;
	[tilespmem:s12+$0x11000] =	vst v0;
	s12 =	smov.u32 s11;
	s11 =	sadd.s32 $0x40, s11  }
.Ltmp1:
0x30: {  	(pc) =	sbr.rel @p1 .LBB2_4-.Ltmp1, $2  }
0x31: {  	_ =	sdelay $0x2  }
0x32: {  	s12 =	sshra.s32 s12, $0x2  }
0x33: {  	[tilespmem:s12+$0x11000] =	vst v0  }
0x34: {  	[spmem:s19] =	stream.linear.scatter [tilespmem:s3], [sflag:$0x2], $0x2800, $0x38;
	[tilespmem:$0x1DA80] =	vst v63  }
0x35: {  	_ =	swait.ge [sflag:s9], $0x2800  }
0x36: {  	[sflag:s9] =	ssyncset.done $0x0  }
0x37: {  	s11 =	simm.s32 $0x0;
	[sflag:s9] =	ssyncadd.s32 $0xFFFFD800  }
0x38: {  	p2 =	por $0x1, $0x1;
	s12 =	simm.s32 $0x0;
	[bflag:$0x0] =	sbarrier.arrive $0xFFFF  }
.LBB2_6:
0x39: {  	s19 =	sshll.u32 s12, $0xC  }
0x3a: {  	s19 =	sadd.s32 s6, s19  }
0x3b: {  	s19 =	sshrl.u32 s19, $0x3  }
0x3c: {  	s19 =	sadd.s32 s4, s19  }
0x3d: {  	[tilespmem:s11], [sflag:$0x2] =	stream.linear.gather [hbm4b:s19+s11], $0x1000, $0x38;
	[tilespmem:$0x1DA80] =	vst v63  }
0x3e: {  	s19 =	sshll.u32 s12, $0x10  }
0x3f: {  	_ =	swait.ge [sflag:s9], $0x1000;
	s12 =	sadd.s32 s7, s19  }
0x40: {  	[sflag:s9] =	ssyncset.done $0x0;
	s12 =	sshrl.u32 s12, $0x3  }
0x41: {  	[sflag:s9] =	ssyncadd.s32 $0xFFFFF000;
	s12 =	sadd.s32 s5, s12  }
0x42: {  	[tilespmem:s3], [sflag:$0x2] =	stream.linear.gather [hbm4b:s12+s11], $0x10000, $0x38;
	[tilespmem:$0x1DA80] =	vst v63  }
0x43: {  	_ =	swait.ge [sflag:s9], $0x10000  }
0x44: {  	[sflag:s9] =	ssyncset.done $0x0  }
0x45: {  	[sflag:s9] =	ssyncadd.s32 $0xFFFF0000  }
0x46: {  	[spmem:s1] =	stream.indirect.scatter.add.f32 [tilespmem:s3], [sflag:$0x1], $0x10, s11, s10, $0xb8;
	[tilespmem:$0x1DA80] =	vst v63  }
0x47: {  	_ = 	snop  }
0x48: {  	[spmem:s1] =	stream.indirect.scatter.add.f32 [tilespmem:s24], [sflag:$0x1], $0x10, s10, s10, $0xb8;
	[tilespmem:$0x1DA80] =	vst v63  }
0x49: {  	s19 =	simm.s32 $0x2000;
	s12 =	simm.s32 $0x100  }
0x4a: {  	[spmem:s1] =	stream.indirect.scatter.add.f32 [tilespmem:s19], [sflag:$0x1], $0x10, s12, s10, $0xb8;
	[tilespmem:$0x1DA80] =	vst v63  }
0x4b: {  	s12 =	simm.s32 $0x180;
	s19 =	simm.s32 $0x2800  }
0x4c: {  	[spmem:s1] =	stream.indirect.scatter.add.f32 [tilespmem:s19], [sflag:$0x1], $0x10, s12, s10, $0xb8;
	[tilespmem:$0x1DA80] =	vst v63  }
0x4d: {  	s12 =	simm.s32 $0x200;
	s19 =	simm.s32 $0x3000  }
0x4e: {  	[spmem:s1] =	stream.indirect.scatter.add.f32 [tilespmem:s19], [sflag:$0x1], $0x10, s12, s10, $0xb8;
	[tilespmem:$0x1DA80] =	vst v63  }
0x4f: {  	s12 =	simm.s32 $0x280;
	s19 =	simm.s32 $0x3800  }
0x50: {  	[spmem:s1] =	stream.indirect.scatter.add.f32 [tilespmem:s19], [sflag:$0x1], $0x10, s12, s10, $0xb8;
	[tilespmem:$0x1DA80] =	vst v63  }
0x51: {  	s12 =	simm.s32 $0x300;
	s19 =	simm.s32 $0x4000  }
0x52: {  	[spmem:s1] =	stream.indirect.scatter.add.f32 [tilespmem:s19], [sflag:$0x1], $0x10, s12, s10, $0xb8;
	[tilespmem:$0x1DA80] =	vst v63  }
0x53: {  	s12 =	simm.s32 $0x380;
	s19 =	simm.s32 $0x4800  }
0x54: {  	[spmem:s1] =	stream.indirect.scatter.add.f32 [tilespmem:s19], [sflag:$0x1], $0x10, s12, s10, $0xb8;
	[tilespmem:$0x1DA80] =	vst v63  }
0x55: {  	s12 =	simm.s32 $0x400;
	s19 =	simm.s32 $0x5000  }
0x56: {  	[spmem:s1] =	stream.indirect.scatter.add.f32 [tilespmem:s19], [sflag:$0x1], $0x10, s12, s10, $0xb8;
	[tilespmem:$0x1DA80] =	vst v63  }
0x57: {  	s12 =	simm.s32 $0x480;
	s19 =	simm.s32 $0x5800  }
0x58: {  	[spmem:s1] =	stream.indirect.scatter.add.f32 [tilespmem:s19], [sflag:$0x1], $0x10, s12, s10, $0xb8;
	[tilespmem:$0x1DA80] =	vst v63  }
0x59: {  	s12 =	simm.s32 $0x500;
	s19 =	simm.s32 $0x6000  }
0x5a: {  	[spmem:s1] =	stream.indirect.scatter.add.f32 [tilespmem:s19], [sflag:$0x1], $0x10, s12, s10, $0xb8;
	[tilespmem:$0x1DA80] =	vst v63  }
0x5b: {  	s12 =	simm.s32 $0x580;
	s19 =	simm.s32 $0x6800  }
0x5c: {  	[spmem:s1] =	stream.indirect.scatter.add.f32 [tilespmem:s19], [sflag:$0x1], $0x10, s12, s10, $0xb8;
	[tilespmem:$0x1DA80] =	vst v63  }
0x5d: {  	s12 =	simm.s32 $0x600;
	s19 =	simm.s32 $0x7000  }
0x5e: {  	[spmem:s1] =	stream.indirect.scatter.add.f32 [tilespmem:s19], [sflag:$0x1], $0x10, s12, s10, $0xb8;
	[tilespmem:$0x1DA80] =	vst v63  }
0x5f: {  	s12 =	simm.s32 $0x680;
	s19 =	simm.s32 $0x7800  }
0x60: {  	[spmem:s1] =	stream.indirect.scatter.add.f32 [tilespmem:s19], [sflag:$0x1], $0x10, s12, s10, $0xb8;
	[tilespmem:$0x1DA80] =	vst v63  }
0x61: {  	s12 =	simm.s32 $0x700;
	s19 =	simm.s32 $0x8000  }
0x62: {  	[spmem:s1] =	stream.indirect.scatter.add.f32 [tilespmem:s19], [sflag:$0x1], $0x10, s12, s10, $0xb8;
	[tilespmem:$0x1DA80] =	vst v63  }
0x63: {  	s12 =	simm.s32 $0x780;
	s19 =	simm.s32 $0x8800  }
0x64: {  	[spmem:s1] =	stream.indirect.scatter.add.f32 [tilespmem:s19], [sflag:$0x1], $0x10, s12, s10, $0xb8;
	[tilespmem:$0x1DA80] =	vst v63  }
0x65: {  	s12 =	simm.s32 $0x800;
	s19 =	simm.s32 $0x9000  }
0x66: {  	[spmem:s1] =	stream.indirect.scatter.add.f32 [tilespmem:s19], [sflag:$0x1], $0x10, s12, s10, $0xb8;
	[tilespmem:$0x1DA80] =	vst v63  }
0x67: {  	s12 =	simm.s32 $0x880;
	s19 =	simm.s32 $0x9800  }
0x68: {  	[spmem:s1] =	stream.indirect.scatter.add.f32 [tilespmem:s19], [sflag:$0x1], $0x10, s12, s10, $0xb8;
	[tilespmem:$0x1DA80] =	vst v63  }
0x69: {  	s12 =	simm.s32 $0x900;
	s19 =	simm.s32 $0xA000  }
0x6a: {  	[spmem:s1] =	stream.indirect.scatter.add.f32 [tilespmem:s19], [sflag:$0x1], $0x10, s12, s10, $0xb8;
	[tilespmem:$0x1DA80] =	vst v63  }
0x6b: {  	s12 =	simm.s32 $0x980;
	s19 =	simm.s32 $0xA800  }
0x6c: {  	[spmem:s1] =	stream.indirect.scatter.add.f32 [tilespmem:s19], [sflag:$0x1], $0x10, s12, s10, $0xb8;
	[tilespmem:$0x1DA80] =	vst v63  }
0x6d: {  	s12 =	simm.s32 $0xA00;
	s19 =	simm.s32 $0xB000  }
0x6e: {  	[spmem:s1] =	stream.indirect.scatter.add.f32 [tilespmem:s19], [sflag:$0x1], $0x10, s12, s10, $0xb8;
	[tilespmem:$0x1DA80] =	vst v63  }
0x6f: {  	s12 =	simm.s32 $0xA80;
	s19 =	simm.s32 $0xB800  }
0x70: {  	[spmem:s1] =	stream.indirect.scatter.add.f32 [tilespmem:s19], [sflag:$0x1], $0x10, s12, s10, $0xb8;
	[tilespmem:$0x1DA80] =	vst v63  }
0x71: {  	s12 =	simm.s32 $0xB00;
	s19 =	simm.s32 $0xC000  }
0x72: {  	[spmem:s1] =	stream.indirect.scatter.add.f32 [tilespmem:s19], [sflag:$0x1], $0x10, s12, s10, $0xb8;
	[tilespmem:$0x1DA80] =	vst v63  }
0x73: {  	s19 =	simm.s32 $0xB80  }
0x74: {  	[spmem:s1] =	stream.indirect.scatter.add.f32 [tilespmem:s25], [sflag:$0x1], $0x10, s19, s10, $0xb8;
	[tilespmem:$0x1DA80] =	vst v63  }
0x75: {  	_ = 	snop  }
0x76: {  	[spmem:s1] =	stream.indirect.scatter.add.f32 [tilespmem:s26], [sflag:$0x1], $0x10, s16, s10, $0xb8;
	[tilespmem:$0x1DA80] =	vst v63  }
0x77: {  	_ = 	snop  }
0x78: {  	[spmem:s1] =	stream.indirect.scatter.add.f32 [tilespmem:s28], [sflag:$0x1], $0x10, s20, s10, $0xb8;
	[tilespmem:$0x1DA80] =	vst v63  }
0x79: {  	_ = 	snop  }
0x7a: {  	[spmem:s1] =	stream.indirect.scatter.add.f32 [tilespmem:s29], [sflag:$0x1], $0x10, s17, s10, $0xb8;
	[tilespmem:$0x1DA80] =	vst v63  }
0x7b: {  	_ = 	snop  }
0x7c: {  	[spmem:s1] =	stream.indirect.scatter.add.f32 [tilespmem:s30], [sflag:$0x1], $0x10, s21, s10, $0xb8;
	[tilespmem:$0x1DA80] =	vst v63  }
0x7d: {  	_ = 	snop  }
0x7e: {  	[spmem:s1] =	stream.indirect.scatter.add.f32 [tilespmem:s31], [sflag:$0x1], $0x10, s14, s10, $0xb8;
	[tilespmem:$0x1DA80] =	vst v63  }
0x7f: {  	_ = 	snop  }
0x80: {  	[spmem:s1] =	stream.indirect.scatter.add.f32 [tilespmem:s0], [sflag:$0x1], $0x10, s22, s10, $0xb8;
	[tilespmem:$0x1DA80] =	vst v63  }
0x81: {  	_ = 	snop  }
0x82: {  	[spmem:s1] =	stream.indirect.scatter.add.f32 [tilespmem:s2], [sflag:$0x1], $0x10, s18, s10, $0xb8;
	[tilespmem:$0x1DA80] =	vst v63  }
0x83: {  	p1 =	por p2, p2;
	s12 =	simm.s32 $0x0  }
0x84: {  	[spmem:s1] =	stream.indirect.scatter.add.f32 [tilespmem:s13], [sflag:$0x1], $0x10, s23, s10, $0xb8;
	[tilespmem:$0x1DA80] =	vst v63  }
.LBB2_7:
0x85: {  	s19 =	sshra.s32 s12, $0x2  }
0x86: {  	v1 =	vld [tilespmem:s19+$0x0];
	_ =	sdelay $0x4  }
0x87: {  	(xrf1) =	vunique.msk.u32 $0xffff, v1;
	_ =	sdelay $0xd  }
0x88: {  	_, v2, vm0 =	vpop (xrf1);
	_ =	sdelay $0x3  }
0x89: {  	v2 =	vcvt.s32.f32 v2;
	_ =	sdelay $0x1  }
0x8a: {  	[tilespmem:v1+s15+$0x0] =	vst.idx.add.f32.msk vm0, v2  }
0x8b: {  	v1 =	vld [tilespmem:s19+$0x10];
	_ =	sdelay $0x4  }
0x8c: {  	(xrf1) =	vunique.msk.u32 $0xffff, v1;
	_ =	sdelay $0xd  }
0x8d: {  	_, v2, vm0 =	vpop (xrf1);
	_ =	sdelay $0x3  }
0x8e: {  	v2 =	vcvt.s32.f32 v2;
	_ =	sdelay $0x1  }
0x8f: {  	[tilespmem:v1+s15+$0x0] =	vst.idx.add.f32.msk vm0, v2  }
0x90: {  	v1 =	vld [tilespmem:s19+$0x20];
	_ =	sdelay $0x4  }
0x91: {  	(xrf1) =	vunique.msk.u32 $0xffff, v1;
	_ =	sdelay $0xd  }
0x92: {  	_, v2, vm0 =	vpop (xrf1);
	_ =	sdelay $0x3  }
0x93: {  	v2 =	vcvt.s32.f32 v2;
	_ =	sdelay $0x1  }
0x94: {  	[tilespmem:v1+s15+$0x0] =	vst.idx.add.f32.msk vm0, v2  }
0x95: {  	v1 =	vld [tilespmem:s19+$0x30];
	_ =	sdelay $0x4  }
0x96: {  	(xrf1) =	vunique.msk.u32 $0xffff, v1;
	_ =	sdelay $0xd  }
0x97: {  	_, v2, vm0 =	vpop (xrf1);
	_ =	sdelay $0x3  }
0x98: {  	v2 =	vcvt.s32.f32 v2;
	_ =	sdelay $0x1  }
0x99: {  	[tilespmem:v1+s15+$0x0] =	vst.idx.add.f32.msk vm0, v2  }
0x9a: {  	v1 =	vld [tilespmem:s19+$0x40];
	_ =	sdelay $0x4  }
0x9b: {  	(xrf1) =	vunique.msk.u32 $0xffff, v1;
	_ =	sdelay $0xd  }
0x9c: {  	_, v2, vm0 =	vpop (xrf1);
	_ =	sdelay $0x3  }
0x9d: {  	v2 =	vcvt.s32.f32 v2;
	_ =	sdelay $0x1  }
0x9e: {  	[tilespmem:v1+s15+$0x0] =	vst.idx.add.f32.msk vm0, v2  }
0x9f: {  	v1 =	vld [tilespmem:s19+$0x50];
	_ =	sdelay $0x4  }
0xa0: {  	(xrf1) =	vunique.msk.u32 $0xffff, v1;
	_ =	sdelay $0xd  }
0xa1: {  	_, v2, vm0 =	vpop (xrf1);
	_ =	sdelay $0x3  }
0xa2: {  	v2 =	vcvt.s32.f32 v2;
	_ =	sdelay $0x1  }
0xa3: {  	[tilespmem:v1+s15+$0x0] =	vst.idx.add.f32.msk vm0, v2  }
0xa4: {  	v1 =	vld [tilespmem:s19+$0x60];
	_ =	sdelay $0x4  }
0xa5: {  	(xrf1) =	vunique.msk.u32 $0xffff, v1;
	_ =	sdelay $0xd  }
0xa6: {  	_, v2, vm0 =	vpop (xrf1);
	_ =	sdelay $0x3  }
0xa7: {  	v2 =	vcvt.s32.f32 v2;
	_ =	sdelay $0x1  }
0xa8: {  	[tilespmem:v1+s15+$0x0] =	vst.idx.add.f32.msk vm0, v2  }
0xa9: {  	v1 =	vld [tilespmem:s19+$0x70];
	_ =	sdelay $0x4  }
0xaa: {  	(xrf1) =	vunique.msk.u32 $0xffff, v1;
	_ =	sdelay $0xd  }
0xab: {  	_, v2, vm0 =	vpop (xrf1)  }
0xac: {  	p2 =	sne.s32 s12, $0x3E00  }
.Ltmp2:
0xad: {  	_ = 	snop;
	(pc) =	sbr.rel @p2 .LBB2_7-.Ltmp2, $3  }
0xae: {  	_ = 	snop  }
0xaf: {  	v2 =	vcvt.s32.f32 v2;
	_ =	sdelay $0x1  }
0xb0: {  	s12 =	sadd.s32 $0x200, s12;
	[tilespmem:v1+s15+$0x0] =	vst.idx.add.f32.msk vm0, v2  }
.Ltmp3:
0xb1: {  	(pc) =	sbr.rel @p1 .LBB2_6-.Ltmp3, $4  }
0xb2: {  	s12 =	simm.s32 $0x1  }
0xb3: {  	_ =	swait.ge [sflag:s12], $0x10000  }
0xb4: {  	[sflag:s12] =	ssyncset.done $0x0  }
0xb5: {  	p2 =	por $0x0, $0x0;
	[sflag:s12] =	ssyncadd.s32 $0xFFFF0000  }
0xb6: {  	s11 =	simm.s32 $0x0;
	s12 =	rddreg [dreg:$0x6]  }
0xb7: {  	[tilespmem:s11], [sflag:$0x2] =	stream.linear.gather [hbm4b:s12+s11], $0x700, $0x38;
	[tilespmem:$0x1DA80] =	vst v63  }
0xb8: {  	_ =	swait.ge [sflag:s9], $0x700  }
0xb9: {  	[sflag:s9] =	ssyncset.done $0x0  }
0xba: {  	s19 =	rddreg [dreg:$0x7];
	[sflag:s9] =	ssyncadd.s32 $0xFFFFF900  }
0xbb: {  	[tilespmem:s3], [sflag:$0x2] =	stream.linear.gather [hbm4b:s19+s11], $0x7000, $0x38;
	[tilespmem:$0x1DA80] =	vst v63  }
0xbc: {  	_ =	swait.ge [sflag:s9], $0x7000  }
0xbd: {  	[sflag:s9] =	ssyncset.done $0x0  }
0xbe: {  	[sflag:s9] =	ssyncadd.s32 $0xFFFF9000  }
0xbf: {  	[spmem:s1] =	stream.indirect.scatter.add.f32 [tilespmem:s3], [sflag:$0x1], $0x10, s11, s10, $0xb8;
	[tilespmem:$0x1DA80] =	vst v63  }
0xc0: {  	_ = 	snop  }
0xc1: {  	[spmem:s1] =	stream.indirect.scatter.add.f32 [tilespmem:s24], [sflag:$0x1], $0x10, s10, s10, $0xb8;
	[tilespmem:$0x1DA80] =	vst v63  }
0xc2: {  	s19 =	simm.s32 $0x2000;
	s24 =	simm.s32 $0x100  }
0xc3: {  	[spmem:s1] =	stream.indirect.scatter.add.f32 [tilespmem:s19], [sflag:$0x1], $0x10, s24, s10, $0xb8;
	[tilespmem:$0x1DA80] =	vst v63  }
0xc4: {  	s19 =	simm.s32 $0x180;
	s24 =	simm.s32 $0x2800  }
0xc5: {  	[spmem:s1] =	stream.indirect.scatter.add.f32 [tilespmem:s24], [sflag:$0x1], $0x10, s19, s10, $0xb8;
	[tilespmem:$0x1DA80] =	vst v63  }
0xc6: {  	s19 =	simm.s32 $0x200;
	s24 =	simm.s32 $0x3000  }
0xc7: {  	[spmem:s1] =	stream.indirect.scatter.add.f32 [tilespmem:s24], [sflag:$0x1], $0x10, s19, s10, $0xb8;
	[tilespmem:$0x1DA80] =	vst v63  }
0xc8: {  	s19 =	simm.s32 $0x280;
	s24 =	simm.s32 $0x3800  }
0xc9: {  	[spmem:s1] =	stream.indirect.scatter.add.f32 [tilespmem:s24], [sflag:$0x1], $0x10, s19, s10, $0xb8;
	[tilespmem:$0x1DA80] =	vst v63  }
0xca: {  	s19 =	simm.s32 $0x300;
	s24 =	simm.s32 $0x4000  }
0xcb: {  	[spmem:s1] =	stream.indirect.scatter.add.f32 [tilespmem:s24], [sflag:$0x1], $0x10, s19, s10, $0xb8;
	[tilespmem:$0x1DA80] =	vst v63  }
0xcc: {  	s19 =	simm.s32 $0x380;
	s24 =	simm.s32 $0x4800  }
0xcd: {  	[spmem:s1] =	stream.indirect.scatter.add.f32 [tilespmem:s24], [sflag:$0x1], $0x10, s19, s10, $0xb8;
	[tilespmem:$0x1DA80] =	vst v63  }
0xce: {  	s19 =	simm.s32 $0x400;
	s24 =	simm.s32 $0x5000  }
0xcf: {  	[spmem:s1] =	stream.indirect.scatter.add.f32 [tilespmem:s24], [sflag:$0x1], $0x10, s19, s10, $0xb8;
	[tilespmem:$0x1DA80] =	vst v63  }
0xd0: {  	s19 =	simm.s32 $0x480;
	s24 =	simm.s32 $0x5800  }
0xd1: {  	[spmem:s1] =	stream.indirect.scatter.add.f32 [tilespmem:s24], [sflag:$0x1], $0x10, s19, s10, $0xb8;
	[tilespmem:$0x1DA80] =	vst v63  }
0xd2: {  	s19 =	simm.s32 $0x500;
	s24 =	simm.s32 $0x6000  }
0xd3: {  	[spmem:s1] =	stream.indirect.scatter.add.f32 [tilespmem:s24], [sflag:$0x1], $0x10, s19, s10, $0xb8;
	[tilespmem:$0x1DA80] =	vst v63  }
0xd4: {  	s19 =	simm.s32 $0x580;
	s24 =	simm.s32 $0x6800  }
0xd5: {  	[spmem:s1] =	stream.indirect.scatter.add.f32 [tilespmem:s24], [sflag:$0x1], $0x10, s19, s10, $0xb8;
	[tilespmem:$0x1DA80] =	vst v63  }
0xd6: {  	s19 =	simm.s32 $0x600;
	s24 =	simm.s32 $0x7000  }
0xd7: {  	[spmem:s1] =	stream.indirect.scatter.add.f32 [tilespmem:s24], [sflag:$0x1], $0x10, s19, s10, $0xb8;
	[tilespmem:$0x1DA80] =	vst v63  }
0xd8: {  	s19 =	simm.s32 $0x680;
	s24 =	simm.s32 $0x7800  }
0xd9: {  	[spmem:s1] =	stream.indirect.scatter.add.f32 [tilespmem:s24], [sflag:$0x1], $0x10, s19, s10, $0xb8;
	[tilespmem:$0x1DA80] =	vst v63  }
.LBB2_10:
0xda: {  	s12 =	sshra.s32 s11, $0x2  }
0xdb: {  	v1 =	vld [tilespmem:s12+$0x0];
	_ =	sdelay $0x4  }
0xdc: {  	(xrf1) =	vunique.msk.u32 $0xffff, v1;
	_ =	sdelay $0xd  }
0xdd: {  	_, v2, vm0 =	vpop (xrf1);
	_ =	sdelay $0x3  }
0xde: {  	v2 =	vcvt.s32.f32 v2;
	_ =	sdelay $0x1  }
0xdf: {  	[tilespmem:v1+s15+$0x0] =	vst.idx.add.f32.msk vm0, v2  }
0xe0: {  	v1 =	vld [tilespmem:s12+$0x10];
	_ =	sdelay $0x4  }
0xe1: {  	(xrf1) =	vunique.msk.u32 $0xffff, v1;
	_ =	sdelay $0xd  }
0xe2: {  	_, v2, vm0 =	vpop (xrf1);
	_ =	sdelay $0x3  }
0xe3: {  	v2 =	vcvt.s32.f32 v2;
	_ =	sdelay $0x1  }
0xe4: {  	[tilespmem:v1+s15+$0x0] =	vst.idx.add.f32.msk vm0, v2  }
0xe5: {  	v1 =	vld [tilespmem:s12+$0x20];
	_ =	sdelay $0x4  }
0xe6: {  	(xrf1) =	vunique.msk.u32 $0xffff, v1;
	_ =	sdelay $0xd  }
0xe7: {  	_, v2, vm0 =	vpop (xrf1);
	_ =	sdelay $0x3  }
0xe8: {  	v2 =	vcvt.s32.f32 v2;
	_ =	sdelay $0x1  }
0xe9: {  	[tilespmem:v1+s15+$0x0] =	vst.idx.add.f32.msk vm0, v2  }
0xea: {  	v1 =	vld [tilespmem:s12+$0x30];
	_ =	sdelay $0x4  }
0xeb: {  	(xrf1) =	vunique.msk.u32 $0xffff, v1;
	_ =	sdelay $0xd  }
0xec: {  	_, v2, vm0 =	vpop (xrf1);
	_ =	sdelay $0x3  }
0xed: {  	v2 =	vcvt.s32.f32 v2;
	_ =	sdelay $0x1  }
0xee: {  	[tilespmem:v1+s15+$0x0] =	vst.idx.add.f32.msk vm0, v2  }
0xef: {  	v1 =	vld [tilespmem:s12+$0x40];
	_ =	sdelay $0x4  }
0xf0: {  	(xrf1) =	vunique.msk.u32 $0xffff, v1;
	_ =	sdelay $0xd  }
0xf1: {  	_, v2, vm0 =	vpop (xrf1);
	_ =	sdelay $0x3  }
0xf2: {  	v2 =	vcvt.s32.f32 v2;
	_ =	sdelay $0x1  }
0xf3: {  	[tilespmem:v1+s15+$0x0] =	vst.idx.add.f32.msk vm0, v2  }
0xf4: {  	v1 =	vld [tilespmem:s12+$0x50];
	_ =	sdelay $0x4  }
0xf5: {  	(xrf1) =	vunique.msk.u32 $0xffff, v1;
	_ =	sdelay $0xd  }
0xf6: {  	_, v2, vm0 =	vpop (xrf1);
	_ =	sdelay $0x3  }
0xf7: {  	v2 =	vcvt.s32.f32 v2;
	_ =	sdelay $0x1  }
0xf8: {  	[tilespmem:v1+s15+$0x0] =	vst.idx.add.f32.msk vm0, v2  }
0xf9: {  	v1 =	vld [tilespmem:s12+$0x60];
	_ =	sdelay $0x4  }
0xfa: {  	(xrf1) =	vunique.msk.u32 $0xffff, v1;
	_ =	sdelay $0xd  }
0xfb: {  	_, v2, vm0 =	vpop (xrf1);
	_ =	sdelay $0x3  }
0xfc: {  	v2 =	vcvt.s32.f32 v2;
	_ =	sdelay $0x1  }
0xfd: {  	[tilespmem:v1+s15+$0x0] =	vst.idx.add.f32.msk vm0, v2  }
0xfe: {  	v1 =	vld [tilespmem:s12+$0x70];
	_ =	sdelay $0x4  }
0xff: {  	(xrf1) =	vunique.msk.u32 $0xffff, v1;
	_ =	sdelay $0xd  }
0x100: {  	_, v2, vm0 =	vpop (xrf1)  }
0x101: {  	p1 =	sne.s32 s11, $0x1A00  }
.Ltmp4:
0x102: {  	_ = 	snop;
	(pc) =	sbr.rel @p1 .LBB2_10-.Ltmp4, $3  }
0x103: {  	_ = 	snop  }
0x104: {  	v2 =	vcvt.s32.f32 v2;
	_ =	sdelay $0x1  }
0x105: {  	s11 =	sadd.s32 $0x200, s11;
	[tilespmem:v1+s15+$0x0] =	vst.idx.add.f32.msk vm0, v2  }
0x106: {  	s11 =	simm.s32 $0x1  }
0x107: {  	_ =	swait.ge [sflag:s11], $0x7000  }
0x108: {  	[sflag:s11] =	ssyncset.done $0x0  }
0x109: {  	s12 =	rddreg [dreg:$0x8];
	[sflag:s11] =	ssyncadd.s32 $0xFFFF9000;
	s11 =	simm.s32 @!p0 $0x0  }
0x10a: {  	[tilespmem:s11], [sflag:$0x2] =	stream.linear.gather @!p0 [hbm4b:s12+s11], $0x80, $0x38;
	[tilespmem:$0x1DA80] =	vst v63  }
0x10b: {  	s12 =	simm.s32 @!p0 $0x2  }
0x10c: {  	_ =	swait.ge @!p0 [sflag:s12], $0x80  }
0x10d: {  	[sflag:s12] =	ssyncset.done @!p0 $0x0  }
0x10e: {  	s19 =	simm.s32 @!p0 $0x1000;
	s24 =	rddreg [dreg:$0x9];
	[sflag:s12] =	ssyncadd.s32 @!p0 $0xFFFFFF80  }
0x10f: {  	[tilespmem:s19], [sflag:$0x2] =	stream.linear.gather @!p0 [hbm4b:s24+s11], $0x800, $0x38;
	[tilespmem:$0x1DA80] =	vst v63  }
0x110: {  	_ =	swait.ge @!p0 [sflag:s12], $0x800  }
0x111: {  	[sflag:s12] =	ssyncset.done @!p0 $0x0  }
0x112: {  	[sflag:s12] =	ssyncadd.s32 @!p0 $0xFFFFF800;
	s12 =	simm.s32 @!p0 $0x80  }
0x113: {  	[spmem:s1] =	stream.indirect.scatter.add.f32 @!p0 [tilespmem:s19], [sflag:$0x1], $0x10, s11, s12, $0xb8;
	[tilespmem:$0x1DA80] =	vst v63  }
0x114: {  	v1 =	vld @!p0 [tilespmem:$0x0];
	_ =	sdelay $0x4  }
0x115: {  	(xrf1) =	vunique.msk.u32 @!p0 $0xffff, v1;
	_ =	sdelay $0xd  }
0x116: {  	_, v2, vm0 =	vpop @!p0 (xrf1);
	_ =	sdelay $0x3  }
0x117: {  	v2 =	vcvt.s32.f32 @!p0 v2  }
0x118: {  	s11 =	simm.s32 @!p0 $0x11000  }
0x119: {  	[tilespmem:v1+s11+$0x0] =	vst.idx.add.f32.msk @!p0 vm0, v2  }
0x11a: {  	v1 =	vld @!p0 [tilespmem:$0x10];
	_ =	sdelay $0x4  }
0x11b: {  	(xrf1) =	vunique.msk.u32 @!p0 $0xffff, v1;
	_ =	sdelay $0xd  }
0x11c: {  	_, v2, vm0 =	vpop @!p0 (xrf1);
	_ =	sdelay $0x3  }
0x11d: {  	v2 =	vcvt.s32.f32 @!p0 v2;
	_ =	sdelay $0x1  }
0x11e: {  	[tilespmem:v1+s11+$0x0] =	vst.idx.add.f32.msk @!p0 vm0, v2  }
0x11f: {  	v1 =	vld @!p0 [tilespmem:$0x20];
	_ =	sdelay $0x4  }
0x120: {  	(xrf1) =	vunique.msk.u32 @!p0 $0xffff, v1;
	_ =	sdelay $0xd  }
0x121: {  	_, v2, vm0 =	vpop @!p0 (xrf1);
	_ =	sdelay $0x3  }
0x122: {  	v2 =	vcvt.s32.f32 @!p0 v2;
	_ =	sdelay $0x1  }
0x123: {  	[tilespmem:v1+s11+$0x0] =	vst.idx.add.f32.msk @!p0 vm0, v2  }
0x124: {  	v1 =	vld @!p0 [tilespmem:$0x30];
	_ =	sdelay $0x4  }
0x125: {  	(xrf1) =	vunique.msk.u32 @!p0 $0xffff, v1;
	_ =	sdelay $0xd  }
0x126: {  	_, v2, vm0 =	vpop @!p0 (xrf1);
	_ =	sdelay $0x3  }
0x127: {  	v2 =	vcvt.s32.f32 @!p0 v2;
	_ =	sdelay $0x1  }
0x128: {  	[tilespmem:v1+s11+$0x0] =	vst.idx.add.f32.msk @!p0 vm0, v2  }
0x129: {  	v1 =	vld @!p0 [tilespmem:$0x40];
	_ =	sdelay $0x4  }
0x12a: {  	(xrf1) =	vunique.msk.u32 @!p0 $0xffff, v1;
	_ =	sdelay $0xd  }
0x12b: {  	_, v2, vm0 =	vpop @!p0 (xrf1);
	_ =	sdelay $0x3  }
0x12c: {  	v2 =	vcvt.s32.f32 @!p0 v2;
	_ =	sdelay $0x1  }
0x12d: {  	[tilespmem:v1+s11+$0x0] =	vst.idx.add.f32.msk @!p0 vm0, v2  }
0x12e: {  	v1 =	vld @!p0 [tilespmem:$0x50];
	_ =	sdelay $0x4  }
0x12f: {  	(xrf1) =	vunique.msk.u32 @!p0 $0xffff, v1;
	_ =	sdelay $0xd  }
0x130: {  	_, v2, vm0 =	vpop @!p0 (xrf1);
	_ =	sdelay $0x3  }
0x131: {  	v2 =	vcvt.s32.f32 @!p0 v2;
	_ =	sdelay $0x1  }
0x132: {  	[tilespmem:v1+s11+$0x0] =	vst.idx.add.f32.msk @!p0 vm0, v2  }
0x133: {  	v1 =	vld @!p0 [tilespmem:$0x60];
	_ =	sdelay $0x4  }
0x134: {  	(xrf1) =	vunique.msk.u32 @!p0 $0xffff, v1;
	_ =	sdelay $0xd  }
0x135: {  	_, v2, vm0 =	vpop @!p0 (xrf1);
	_ =	sdelay $0x3  }
0x136: {  	v2 =	vcvt.s32.f32 @!p0 v2;
	_ =	sdelay $0x1  }
0x137: {  	[tilespmem:v1+s11+$0x0] =	vst.idx.add.f32.msk @!p0 vm0, v2  }
0x138: {  	v1 =	vld @!p0 [tilespmem:$0x70];
	_ =	sdelay $0x4  }
0x139: {  	(xrf1) =	vunique.msk.u32 @!p0 $0xffff, v1;
	_ =	sdelay $0xd  }
0x13a: {  	_, v2, vm0 =	vpop @!p0 (xrf1);
	_ =	sdelay $0x3  }
0x13b: {  	v2 =	vcvt.s32.f32 @!p0 v2;
	_ =	sdelay $0x1  }
0x13c: {  	[tilespmem:v1+s11+$0x0] =	vst.idx.add.f32.msk @!p0 vm0, v2;
	s11 =	simm.s32 @!p0 $0x1  }
0x13d: {  	_ =	swait.ge @!p0 [sflag:s11], $0x800  }
0x13e: {  	[sflag:s11] =	ssyncset.done @!p0 $0x0  }
0x13f: {  	[sflag:s11] =	ssyncadd.s32 @!p0 $0xFFFFF800  }
0x140: {  	[bflag:$0x0] =	sbarrier.arrive $0xFFFF  }
0x141: {  	s12 =	rddreg [dreg:$0xb]  }
0x142: {  	[spmem:s12] =	stream.linear.scatter [tilespmem:s15], [sflag:$0x2], $0x2800, $0x38;
	[tilespmem:$0x1DA80] =	vst v63  }
0x143: {  	_ =	swait.ge [sflag:s9], $0x2800  }
0x144: {  	[sflag:s9] =	ssyncset.done $0x0  }
0x145: {  	[sflag:s9] =	ssyncadd.s32 $0xFFFFD800  }
0x146: {  	[bflag:$0x0] =	sbarrier.arrive $0xFFFF  }
0x147: {  	s24 =	simm.s32 $0x13800;
	s19 =	rddreg [dreg:$0xa]  }
0x148: {  	[tilespmem:s24], [sflag:$0x2] =	stream.linear.gather [spmem:s19], $0x280, $0x38;
	[tilespmem:$0x1DA80] =	vst v63  }
0x149: {  	_ =	swait.ge [sflag:s9], $0x280  }
0x14a: {  	[sflag:s9] =	ssyncset.done $0x0  }
0x14b: {  	s24 =	simm.s32 $0x13A80;
	s19 =	rddreg [dreg:$0xc];
	[sflag:s9] =	ssyncadd.s32 $0xFFFFFD80  }
0x14c: {  	[tilespmem:s24], [sflag:$0x2] =	stream.linear.gather [spmem:s19], $0x280, $0x38;
	[tilespmem:$0x1DA80] =	vst v63  }
0x14d: {  	_ =	swait.ge [sflag:s9], $0x280  }
0x14e: {  	[sflag:s9] =	ssyncset.done $0x0  }
0x14f: {  	s24 =	simm.s32 $0x13D00;
	s19 =	rddreg [dreg:$0xd];
	[sflag:s9] =	ssyncadd.s32 $0xFFFFFD80  }
0x150: {  	[tilespmem:s24], [sflag:$0x2] =	stream.linear.gather [spmem:s19], $0x280, $0x38;
	[tilespmem:$0x1DA80] =	vst v63  }
0x151: {  	_ =	swait.ge [sflag:s9], $0x280  }
0x152: {  	[sflag:s9] =	ssyncset.done $0x0  }
0x153: {  	s24 =	simm.s32 $0x13F80;
	s19 =	rddreg [dreg:$0xe];
	[sflag:s9] =	ssyncadd.s32 $0xFFFFFD80  }
0x154: {  	[tilespmem:s24], [sflag:$0x2] =	stream.linear.gather [spmem:s19], $0x280, $0x38;
	[tilespmem:$0x1DA80] =	vst v63  }
0x155: {  	_ =	swait.ge [sflag:s9], $0x280  }
0x156: {  	[sflag:s9] =	ssyncset.done $0x0  }
0x157: {  	s24 =	simm.s32 $0x14200;
	s19 =	rddreg [dreg:$0xf];
	[sflag:s9] =	ssyncadd.s32 $0xFFFFFD80  }
0x158: {  	[tilespmem:s24], [sflag:$0x2] =	stream.linear.gather [spmem:s19], $0x280, $0x38;
	[tilespmem:$0x1DA80] =	vst v63  }
0x159: {  	_ =	swait.ge [sflag:s9], $0x280  }
0x15a: {  	[sflag:s9] =	ssyncset.done $0x0  }
0x15b: {  	s24 =	simm.s32 $0x14480;
	s19 =	rddreg [dreg:$0x10];
	[sflag:s9] =	ssyncadd.s32 $0xFFFFFD80  }
0x15c: {  	[tilespmem:s24], [sflag:$0x2] =	stream.linear.gather [spmem:s19], $0x280, $0x38;
	[tilespmem:$0x1DA80] =	vst v63  }
0x15d: {  	_ =	swait.ge [sflag:s9], $0x280  }
0x15e: {  	[sflag:s9] =	ssyncset.done $0x0  }
0x15f: {  	s24 =	simm.s32 $0x14700;
	s19 =	rddreg [dreg:$0x11];
	[sflag:s9] =	ssyncadd.s32 $0xFFFFFD80  }
0x160: {  	[tilespmem:s24], [sflag:$0x2] =	stream.linear.gather [spmem:s19], $0x280, $0x38;
	[tilespmem:$0x1DA80] =	vst v63  }
0x161: {  	_ =	swait.ge [sflag:s9], $0x280  }
0x162: {  	[sflag:s9] =	ssyncset.done $0x0  }
0x163: {  	s24 =	simm.s32 $0x14980;
	s19 =	rddreg [dreg:$0x12];
	[sflag:s9] =	ssyncadd.s32 $0xFFFFFD80  }
0x164: {  	[tilespmem:s24], [sflag:$0x2] =	stream.linear.gather [spmem:s19], $0x280, $0x38;
	[tilespmem:$0x1DA80] =	vst v63  }
0x165: {  	_ =	swait.ge [sflag:s9], $0x280  }
0x166: {  	[sflag:s9] =	ssyncset.done $0x0  }
0x167: {  	s24 =	simm.s32 $0x14C00;
	s19 =	rddreg [dreg:$0x15];
	[sflag:s9] =	ssyncadd.s32 $0xFFFFFD80  }
0x168: {  	[tilespmem:s24], [sflag:$0x2] =	stream.linear.gather [spmem:s19], $0x280, $0x38;
	[tilespmem:$0x1DA80] =	vst v63  }
0x169: {  	_ =	swait.ge [sflag:s9], $0x280  }
0x16a: {  	[sflag:s9] =	ssyncset.done $0x0  }
0x16b: {  	s24 =	simm.s32 $0x14E80;
	s19 =	rddreg [dreg:$0x17];
	[sflag:s9] =	ssyncadd.s32 $0xFFFFFD80  }
0x16c: {  	[tilespmem:s24], [sflag:$0x2] =	stream.linear.gather [spmem:s19], $0x280, $0x38;
	[tilespmem:$0x1DA80] =	vst v63  }
0x16d: {  	_ =	swait.ge [sflag:s9], $0x280  }
0x16e: {  	[sflag:s9] =	ssyncset.done $0x0  }
0x16f: {  	s24 =	simm.s32 $0x15100;
	s19 =	rddreg [dreg:$0x18];
	[sflag:s9] =	ssyncadd.s32 $0xFFFFFD80  }
0x170: {  	[tilespmem:s24], [sflag:$0x2] =	stream.linear.gather [spmem:s19], $0x280, $0x38;
	[tilespmem:$0x1DA80] =	vst v63  }
0x171: {  	_ =	swait.ge [sflag:s9], $0x280  }
0x172: {  	[sflag:s9] =	ssyncset.done $0x0  }
0x173: {  	s24 =	simm.s32 $0x15380;
	s19 =	rddreg [dreg:$0x19];
	[sflag:s9] =	ssyncadd.s32 $0xFFFFFD80  }
0x174: {  	[tilespmem:s24], [sflag:$0x2] =	stream.linear.gather [spmem:s19], $0x280, $0x38;
	[tilespmem:$0x1DA80] =	vst v63  }
0x175: {  	_ =	swait.ge [sflag:s9], $0x280  }
0x176: {  	[sflag:s9] =	ssyncset.done $0x0  }
0x177: {  	s24 =	simm.s32 $0x15600;
	s19 =	rddreg [dreg:$0x1a];
	[sflag:s9] =	ssyncadd.s32 $0xFFFFFD80  }
0x178: {  	[tilespmem:s24], [sflag:$0x2] =	stream.linear.gather [spmem:s19], $0x280, $0x38;
	[tilespmem:$0x1DA80] =	vst v63  }
0x179: {  	_ =	swait.ge [sflag:s9], $0x280  }
0x17a: {  	[sflag:s9] =	ssyncset.done $0x0  }
0x17b: {  	s24 =	simm.s32 $0x15880;
	s19 =	rddreg [dreg:$0x1b];
	[sflag:s9] =	ssyncadd.s32 $0xFFFFFD80  }
0x17c: {  	[tilespmem:s24], [sflag:$0x2] =	stream.linear.gather [spmem:s19], $0x280, $0x38;
	[tilespmem:$0x1DA80] =	vst v63  }
0x17d: {  	_ =	swait.ge [sflag:s9], $0x280  }
0x17e: {  	[sflag:s9] =	ssyncset.done $0x0  }
0x17f: {  	s24 =	simm.s32 $0x15B00;
	s19 =	rddreg [dreg:$0x1c];
	[sflag:s9] =	ssyncadd.s32 $0xFFFFFD80  }
0x180: {  	[tilespmem:s24], [sflag:$0x2] =	stream.linear.gather [spmem:s19], $0x280, $0x38;
	[tilespmem:$0x1DA80] =	vst v63  }
0x181: {  	_ =	swait.ge [sflag:s9], $0x280  }
0x182: {  	[sflag:s9] =	ssyncset.done $0x0  }
0x183: {  	s24 =	simm.s32 $0x15D80;
	s19 =	rddreg [dreg:$0x1d];
	[sflag:s9] =	ssyncadd.s32 $0xFFFFFD80  }
0x184: {  	[tilespmem:s24], [sflag:$0x2] =	stream.linear.gather [spmem:s19], $0x280, $0x38;
	[tilespmem:$0x1DA80] =	vst v63  }
0x185: {  	_ =	swait.ge [sflag:s9], $0x280  }
0x186: {  	[sflag:s9] =	ssyncset.done $0x0  }
0x187: {  	s11 =	simm.s32 $0x0;
	[sflag:s9] =	ssyncadd.s32 $0xFFFFFD80  }
0x188: {  	v1 =	vld [tilespmem:s11+$0x13800]  }
0x189: {  	v2 =	vld [tilespmem:s11+$0x13A80];
	_ =	sdelay $0x1  }
0x18a: {  	v3 =	vld [tilespmem:s11+$0x13D00];
	_ =	sdelay $0x1  }
0x18b: {  	v4 =	vld [tilespmem:s11+$0x13F80]  }
0x18c: {  	v1 =	vadd.f32 v2, v1  }
0x18d: {  	v2 =	vld [tilespmem:s11+$0x14200]  }
0x18e: {  	v1 =	vadd.f32 v3, v1  }
0x18f: {  	v3 =	vld [tilespmem:s11+$0x14480]  }
0x190: {  	v1 =	vadd.f32 v4, v1  }
0x191: {  	v4 =	vld [tilespmem:s11+$0x14700]  }
0x192: {  	v1 =	vadd.f32 v2, v1  }
0x193: {  	v2 =	vld [tilespmem:s11+$0x14980]  }
0x194: {  	s24 =	simm.s32 $0x10;
	v5 =	vld [tilespmem:s11+$0x14C00];
	v1 =	vadd.f32 v3, v1  }
0x195: {  	v6 =	vld [tilespmem:s24+$0x13800]  }
0x196: {  	v3 =	vld [tilespmem:s11+$0x14E80];
	v1 =	vadd.f32 v4, v1  }
0x197: {  	v4 =	vld [tilespmem:s24+$0x13A80]  }
0x198: {  	v7 =	vld [tilespmem:s24+$0x13D00];
	v1 =	vadd.f32 v2, v1  }
0x199: {  	v2 =	vld [tilespmem:s11+$0x15100]  }
0x19a: {  	v8 =	vld [tilespmem:s24+$0x13F80];
	v1 =	vadd.f32 v5, v1  }
0x19b: {  	v5 =	vld [tilespmem:s11+$0x15380]  }
0x19c: {  	v4 =	vadd.f32 v4, v6;
	v6 =	vld [tilespmem:s24+$0x14200];
	v1 =	vadd.f32 v3, v1  }
0x19d: {  	v3 =	vld [tilespmem:s11+$0x15600]  }
0x19e: {  	v9 =	vld [tilespmem:s24+$0x14480];
	v4 =	vadd.f32 v7, v4;
	v1 =	vadd.f32 v2, v1  }
0x19f: {  	v7 =	vld [tilespmem:s11+$0x15880]  }
0x1a0: {  	v10 =	vld [tilespmem:s24+$0x14700];
	v2 =	vadd.f32 v8, v4;
	v1 =	vadd.f32 v5, v1  }
0x1a1: {  	v8 =	vld [tilespmem:s11+$0x15B00]  }
0x1a2: {  	v4 =	vld [tilespmem:s24+$0x14980];
	v5 =	vadd.f32 v6, v2;
	v3 =	vadd.f32 v3, v1  }
0x1a3: {  	v2 =	vld [tilespmem:s11+$0x15D80]  }
0x1a4: {  	v1 =	vld [tilespmem:s24+$0x14E80];
	v6 =	vadd.f32 v9, v5;
	v7 =	vadd.f32 v7, v3  }
0x1a5: {  	s19 =	simm.s32 $0x20;
	v5 =	vld [tilespmem:s24+$0x14C00]  }
0x1a6: {  	s12 =	simm.s32 $0xC0;
	v3 =	vld [tilespmem:s19+$0x13800];
	v6 =	vadd.f32 v10, v6;
	v7 =	vadd.f32 v8, v7  }
.LBB2_12:
0x1a7: {  	p1 =	sne.s32 s12, $0x9C0;
	v8 =	vld [tilespmem:s19+$0x13A80]  }
0x1a8: {  	v4 =	vadd.f32 v4, v6;
	v6 =	vld [tilespmem:s24+$0x15100];
	v2 =	vadd.f32 v2, v7  }
0x1a9: {  	v7 =	vld [tilespmem:s19+$0x13D00]  }
0x1aa: {  	v4 =	vadd.f32 v5, v4;
	v5 =	vld [tilespmem:s24+$0x15380];
	[tilespmem:s11+$0x16000] =	vst v2;
	s11 =	smov.u32 s24;
	s24 =	smov.u32 s19  }
0x1ab: {  	v2 =	vld [tilespmem:s24+$0x13F80]  }
0x1ac: {  	v3 =	vadd.f32 v8, v3;
	v1 =	vadd.f32 v1, v4;
	v4 =	vld [tilespmem:s11+$0x15600]  }
0x1ad: {  	v8 =	vld [tilespmem:s24+$0x14200]  }
0x1ae: {  	v3 =	vadd.f32 v7, v3;
	v1 =	vadd.f32 v6, v1;
	v6 =	vld [tilespmem:s11+$0x15880]  }
0x1af: {  	v7 =	vld [tilespmem:s24+$0x14480]  }
0x1b0: {  	v2 =	vadd.f32 v2, v3;
	v1 =	vadd.f32 v5, v1;
	v9 =	vld [tilespmem:s11+$0x15B00]  }
0x1b1: {  	v10 =	vld [tilespmem:s24+$0x14700]  }
.Ltmp5:
0x1b2: {  	v3 =	vadd.f32 v8, v2;
	v5 =	vadd.f32 v4, v1;
	v2 =	vld [tilespmem:s11+$0x15D80];
	(pc) =	sbr.rel @p1 .LBB2_12-.Ltmp5, $4  }
0x1b3: {  	v4 =	vld [tilespmem:s24+$0x14980]  }
0x1b4: {  	v7 =	vadd.f32 v7, v3;
	v1 =	vld [tilespmem:s24+$0x14E80];
	v8 =	vadd.f32 v6, v5  }
0x1b5: {  	s19 =	sshra.s32 s12, $0x2;
	v5 =	vld [tilespmem:s24+$0x14C00]  }
0x1b6: {  	s12 =	sadd.s32 $0x40, s12;
	v3 =	vld [tilespmem:s19+$0x13800];
	v6 =	vadd.f32 v10, v7;
	v7 =	vadd.f32 v9, v8  }
0x1b7: {  	v8 =	vld [tilespmem:s19+$0x13A80]  }
0x1b8: {  	v9 =	vld [tilespmem:s24+$0x15100];
	v2 =	vadd.f32 v2, v7  }
0x1b9: {  	v52 =	vld [tilespmem:s19+$0x13D00]  }
0x1ba: {  	v10 =	vld [tilespmem:s24+$0x15380];
	v4 =	vadd.f32 v4, v6;
	[tilespmem:s11+$0x16000] =	vst v2  }
0x1bb: {  	v2 =	vld [tilespmem:s19+$0x13F80]  }
0x1bc: {  	v4 =	vadd.f32 v5, v4;
	v3 =	vadd.f32 v8, v3  }
0x1bd: {  	v53 =	vld [tilespmem:s19+$0x14200]  }
0x1be: {  	v54 =	vld [tilespmem:s24+$0x15600];
	v1 =	vadd.f32 v1, v4;
	v3 =	vadd.f32 v52, v3  }
0x1bf: {  	v55 =	vld [tilespmem:s19+$0x14480]  }
0x1c0: {  	v56 =	vld [tilespmem:s24+$0x15880];
	v1 =	vadd.f32 v9, v1;
	v2 =	vadd.f32 v2, v3  }
0x1c1: {  	v3 =	vld [tilespmem:s19+$0x14700]  }
0x1c2: {  	v57 =	vld [tilespmem:s24+$0x15B00];
	v1 =	vadd.f32 v10, v1;
	v2 =	vadd.f32 v53, v2  }
0x1c3: {  	v58 =	vld [tilespmem:s19+$0x14980]  }
0x1c4: {  	v59 =	vld [tilespmem:s24+$0x15D80];
	v1 =	vadd.f32 v54, v1;
	v2 =	vadd.f32 v55, v2  }
0x1c5: {  	v60 =	vld [tilespmem:s19+$0x14C00]  }
0x1c6: {  	v1 =	vadd.f32 v56, v1;
	v2 =	vadd.f32 v3, v2  }
0x1c7: {  	v3 =	vld [tilespmem:s19+$0x14E80]  }
0x1c8: {  	v1 =	vadd.f32 v57, v1;
	v2 =	vadd.f32 v58, v2  }
0x1c9: {  	v61 =	vld [tilespmem:s19+$0x15100]  }
0x1ca: {  	v1 =	vadd.f32 v59, v1;
	v2 =	vadd.f32 v60, v2  }
0x1cb: {  	v62 =	vld [tilespmem:s19+$0x15380]  }
0x1cc: {  	[tilespmem:s24+$0x16000] =	vst v1;
	v1 =	vadd.f32 v3, v2  }
0x1cd: {  	v2 =	vld [tilespmem:s19+$0x15600]  }
0x1ce: {  	v1 =	vadd.f32 v61, v1  }
0x1cf: {  	v3 =	vld [tilespmem:s19+$0x15880]  }
0x1d0: {  	v1 =	vadd.f32 v62, v1  }
0x1d1: {  	v63 =	vld [tilespmem:s19+$0x15B00]  }
0x1d2: {  	v1 =	vadd.f32 v2, v1  }
0x1d3: {  	v2 =	vld [tilespmem:s19+$0x15D80]  }
0x1d4: {  	v1 =	vadd.f32 v3, v1  }
0x1d5: {  	s12 =	simm.s32 $0x0  }
0x1d6: {  	v3 =	vmov s12;
	v1 =	vadd.f32 v63, v1;
	_ =	sdelay $0x1  }
0x1d7: {  	v1 =	vadd.f32 v2, v1;
	_ =	sdelay $0x1  }
0x1d8: {  	[tilespmem:s19+$0x16000] =	vst v1  }
0x1d9: {  	s24 =	simm.s32 $0x1;
	v1 =	vld.idx.msk [tilespmem:v3+s8+$0x0], $0xffff  }
0x1da: {  	v2 =	vmov s24;
	_ =	sdelay $0x2  }
0x1db: {  	s11 =	simm.s32 $0x16280  }
0x1dc: {  	[tilespmem:s11+$0x0] =	vst v1  }
0x1dd: {  	s12 =	simm.s32 $0x2;
	v1 =	vld.idx.msk [tilespmem:v2+s8+$0x0], $0xffff  }
0x1de: {  	v2 =	vmov s12;
	s12 =	simm.s32 $0x3  }
.LBB2_14:
0x1df: {  	p1 =	sne.s32 s12, $0x27F;
	_ =	sdelay $0x1  }
.Ltmp6:
0x1e0: {  	s11 =	sadd.s32 $0x10, s11;
	(pc) =	sbr.rel @p1 .LBB2_14-.Ltmp6, $3  }
0x1e1: {  	[tilespmem:s11+$0x0] =	vst v1  }
0x1e2: {  	v1 =	vld.idx.msk [tilespmem:v2+s8+$0x0], $0xffff;
	_ =	sdelay $0x1  }
0x1e3: {  	v2 =	vmov s12;
	s12 =	sadd.s32 $0x1, s12  }
0x1e4: {  	_ =	sdelay $0x1  }
0x1e5: {  	s11 =	sadd.s32 $0x10, s11  }
0x1e6: {  	[tilespmem:s11+$0x0] =	vst v1  }
0x1e7: {  	v1 =	vld.idx.msk [tilespmem:v2+s8+$0x0], $0xffff;
	_ =	sdelay $0x3  }
0x1e8: {  	s11 =	sadd.s32 $0x10, s11  }
0x1e9: {  	s24 =	simm.s32 $0x0;
	s12 =	rddreg [dreg:$0x13];
	s19 =	simm.s32 $0x16280;
	[tilespmem:s11+$0x0] =	vst v1  }
0x1ea: {  	[hbm4b:s12+s24] =	stream.linear.scatter [tilespmem:s19], [sflag:$0x2], $0x2800, $0x38;
	[tilespmem:$0x1DA80] =	vst v63  }
0x1eb: {  	s24 =	stileid.u32  }
0x1ec: {  	_ =	swait.ge [sflag:s9], $0x2800;
	s11 =	sshll.u32 s24, $0x6  }
0x1ed: {  	[sflag:s9] =	ssyncset.done $0x0;
	s11 =	sor.u32 $0x1C02, s11;
	s19 =	rddreg [dreg:$0x5]  }
0x1ee: {  	s24 =	rddreg [dreg:$0x14];
	[sflag:s9] =	ssyncadd.s32 $0xFFFFD800;
	s12 =	sshrl.u32 s19, $0x3  }
0x1ef: {  	[hbm:s24], [sflag:s11] =	dma.local [spmem:s12], $0x500  }
0x1f0: {  	_ =	swait.ge [sflag:s9], $0x500  }
0x1f1: {  	s11 =	rddreg [dreg:$0x1e]  }
0x1f2: {  	s24 =	rddreg [dreg:$0x16];
	s12 =	sadd.s32 $0x1, s11  }
0x1f3: {  	p1 =	sne.s32 s12, s24  }
.Ltmp7:
0x1f4: {  	_ = 	snop;
	(pc) =	sbr.rel @p1 .LBB2_1-.Ltmp7, $3  }
0x1f5: {  	_ =	sdelay $0x1  }
0x1f6: {  	[sflag:s9] =	ssyncset.done $0x0  }
0x1f7: {  	[sflag:s9] =	ssyncadd.s32 $0xFFFFFB00;
	s24 =	simm.s32 $0x1800  }
0x1f8: {  	_ =	sfence.sel $0x180000  }
0x1f9: {  	[bflag:$0x0] =	sbarrier.arrive $0xFFFF  }
0x1fa: {  	_ =	strace $0x90000047  }
0x1fb: {  	s0 =	stileid.u32;
	[bflag:$0x2] =	sbarrier.arrive $0xFFFF  }
0x1fc: {  	p0 =	sne.s32 s0, $0x0;
	s0 =	rddreg [dreg:$0x4]  }
0x1fd: {  	s0 =	sadd.s32 @!p0 $0x100000, s0  }
0x1fe: {  	[sflag:s0] =	ssyncadd.tile.s32 @!p0 $0x1;
	_ =	shalt  }
.Lfunc_end2:
_tile_overlayer_lowered:
.L_overlay_start_2:
0x1ff: {  	(tag) =	ssettag $0x2  }
0x200: {  	s0 =	rddreg [dreg:$0x0];
	s2 =	stileid.u32  }
0x201: {  	s1 =	rddreg [dreg:$0x1];
	p0 =	sne.s32 s2, $0x0  }
0x202: {  	s3 =	rddreg [dreg:$0x2];
	[bflag:$0x3] =	sbarrier.arrive $0xFFFF;
	s2 =	simm.s32 @!p0 $0x1C02  }
0x203: {  	[timem:s3], [sflag:s2] =	dma.local @!p0 [hbm:s0], s1  }
0x204: {  	s0 =	simm.s32 @!p0 $0x2  }
0x205: {  	_ =	swait.ge @!p0 [sflag:s0], s1  }
0x206: {  	s1 =	ssub.s32 @!p0 $0x0, s1;
	[sflag:s0] =	ssyncset.done @!p0 $0x0  }
0x207: {  	[sflag:s0] =	ssyncadd.s32 @!p0 s1  }
0x208: {  	[bflag:$0x3] =	sbarrier.arrive $0xFFFF  }
0x209: {  	_ =	shalt  }

</sc_bundles>
